<compile_context>
chip_gen: v7x
topology: tpu7x:2x2x1
jax: 0.10.2.dev20260603
libtpu: 0.0.44.dev20260713+nightly
codegen_flags: <defaults>
</compile_context>

<pallas_src>
import functools
import jax
import jax.numpy as jnp
from jax import lax
from jax.experimental import pallas as pl
from jax.experimental.pallas import tpu as pltpu
from jax.experimental.pallas import tpu_sc as plsc

N = 10000
E = 320000
DIN = 128
DH = 256
DC = 4
EPS = 1e-5

NC = 2
NS = 16
NW = NC * NS

CHUNK = 80
NP = 10240
RPS = NP // NS
QD = NP // 128

_mesh = plsc.VectorSubcoreMesh(core_axis_name="c", subcore_axis_name="s")


EP = 327680
DEG_ROWS = 32


def _deg_tc(dst_r, deg_r, rdeg_r, mdeg_r):
    i = pl.program_id(0)

    @pl.when(i == 0)
    def _():
        deg_r[...] = jnp.zeros_like(deg_r)

    d = dst_r[...]
    q = d // 128
    r = d % 128
    u = (r[:, :, None] == lax.broadcasted_iota(
        jnp.int32, (DEG_ROWS, 128, 128), 2)).astype(jnp.bfloat16)
    v = (q[:, :, None] == lax.broadcasted_iota(
        jnp.int32, (DEG_ROWS, 128, QD), 2)).astype(jnp.bfloat16)
    u2 = u.reshape(DEG_ROWS * 128, 128)
    v2 = v.reshape(DEG_ROWS * 128, QD)
    deg_r[...] += lax.dot_general(
        v2, u2, (((0,), (0,)), ((), ())),
        preferred_element_type=jnp.float32)

    @pl.when(i == pl.num_programs(0) - 1)
    def _():
        rdeg_r[...] = 1.0 / jnp.maximum(deg_r[...], 1.0)
        mdeg_r[...] = jnp.max(deg_r[...]).reshape(1, 1)


def _degree(dst2d):
    grid = ((EP // 128) // DEG_ROWS,)
    return pl.pallas_call(
        _deg_tc,
        grid=grid,
        in_specs=[pl.BlockSpec((DEG_ROWS, 128), lambda i: (i, 0))],
        out_specs=[pl.BlockSpec((QD, 128), lambda i: (0, 0)),
                   pl.BlockSpec((QD, 128), lambda i: (0, 0)),
                   pl.BlockSpec((1, 1), lambda i: (0, 0))],
        out_shape=[jax.ShapeDtypeStruct((QD, 128), jnp.float32),
                   jax.ShapeDtypeStruct((QD, 128), jnp.float32),
                   jax.ShapeDtypeStruct((1, 1), jnp.float32)],
    )(dst2d)


NBUF = 4


def _make_agg(row_shape, dtype):
    scratch = [
        pltpu.VMEM((3, NBUF, CHUNK), jnp.int32),
        pltpu.VMEM((3, NBUF, CHUNK), jnp.int32),
        pltpu.VMEM((NBUF, CHUNK) + row_shape, dtype),
        pltpu.VMEM_SHARED((NP,) + row_shape, dtype),
    ] + [pltpu.SemaphoreType.DMA] * (NBUF + 2)

    @functools.partial(
        pl.kernel,
        out_type=jax.ShapeDtypeStruct((NC, NP) + row_shape, dtype),
        mesh=_mesh,
        scratch_types=scratch,
    )
    def k(table, src2, dst2, zinit, out, src_i, dst_i, rows, acc, *sems):
        gsem = sems[:NBUF]
        ssem = sems[NBUF]
        isem = sems[NBUF + 1]
        c = lax.axis_index("c")
        s = lax.axis_index("s")
        pltpu.sync_copy(zinit.at[pl.ds(s * RPS, RPS)],
                        acc.at[pl.ds(s * RPS, RPS)])
        plsc.subcore_barrier()

        tblk = E // (CHUNK * NBUF)
        per, extra = tblk // NW, tblk % NW
        wid = s * NC + c
        tab = table
        nblk = per + jnp.where(wid < extra, 1, 0)
        base = wid * per + jnp.minimum(wid, extra)

        pltpu.async_copy(src2.at[base], src_i.at[0], isem)
        pltpu.async_copy(dst2.at[base], dst_i.at[0], isem)

        def outer(g, carry):
            p = lax.rem(g, 3)
            pltpu.make_async_copy(src2.at[base], src_i.at[p], isem).wait()
            pltpu.make_async_copy(dst2.at[base], dst_i.at[p], isem).wait()

            @pl.when(g + 1 < nblk)
            def _():
                pn = lax.rem(g + 1, 3)
                pltpu.async_copy(src2.at[base + g + 1], src_i.at[pn], isem)
                pltpu.async_copy(dst2.at[base + g + 1], dst_i.at[pn], isem)

            @pl.when(g > 0)
            def _():
                for b in range(NBUF):
                    pltpu.make_async_copy(zinit.at[pl.ds(0, CHUNK)],
                                          rows.at[b], ssem).wait()

            gs = [pltpu.async_copy(tab.at[src_i.at[p].at[b]], rows.at[b],
                                   gsem[b]) for b in range(NBUF)]
            for b in range(NBUF):
                gs[b].wait()
                pltpu.async_copy(rows.at[b], acc.at[dst_i.at[p].at[b]],
                                 ssem, add=True)
            return carry

        lax.fori_loop(0, nblk, outer, 0)
        for b in range(NBUF):
            pltpu.make_async_copy(zinit.at[pl.ds(0, CHUNK)], rows.at[b],
                                  ssem).wait()
        plsc.subcore_barrier()
        pltpu.sync_copy(acc.at[pl.ds(s * RPS, RPS)],
                        out.at[c, pl.ds(s * RPS, RPS)])

    return k


_agg1_sc = _make_agg((DIN,), jnp.float32)
_agg2_sc = _make_agg((DIN,), jnp.int32)


BLK = 1000


def _layer1_tc(aggp, x, rdeg, Wl, Wr, b, g, be, rm, rv, h2, mh):
    i = pl.program_id(0)
    mean = (aggp[0] + aggp[1]) * rdeg[...]
    t = (jnp.dot(mean, Wl[...], preferred_element_type=jnp.float32)
         + jnp.dot(x[...], Wr[...], preferred_element_type=jnp.float32)
         + b[...])
    t = (t - rm[...]) / jnp.sqrt(rv[...] + EPS) * g[...] + be[...]
    h = jnp.maximum(t, 0.0)
    h2[0] = h[:, :DIN]
    h2[1] = h[:, DIN:]

    @pl.when(i == 0)
    def _():
        mh[...] = jnp.zeros_like(mh)

    mh[...] = jnp.maximum(mh[...], jnp.max(h))


def _phase_b(aggp, x, rdeg, Wl, Wr, b, g, be, rm, rv):
    grid = (N // BLK,)
    wspec = pl.BlockSpec((DIN, DH), lambda i: (0, 0))
    pspec = pl.BlockSpec((1, DH), lambda i: (0, 0))
    return pl.pallas_call(
        _layer1_tc,
        grid=grid,
        in_specs=[
            pl.BlockSpec((NC, BLK, DIN), lambda i: (0, i, 0)),
            pl.BlockSpec((BLK, DIN), lambda i: (i, 0)),
            pl.BlockSpec((BLK, 1), lambda i: (i, 0)),
            wspec, wspec, pspec, pspec, pspec, pspec, pspec,
        ],
        out_specs=[pl.BlockSpec((NC, BLK, DIN), lambda i: (0, i, 0)),
                   pl.BlockSpec((1, 1), lambda i: (0, 0))],
        out_shape=[jax.ShapeDtypeStruct((NC, N, DIN), jnp.float32),
                   jax.ShapeDtypeStruct((1, 1), jnp.float32)],
    )(aggp, x, rdeg, Wl, Wr, b, g, be, rm, rv)


def _quant_tc(h2, mh, mdeg, hq, sc_r):
    md = mdeg[...]
    num = jnp.maximum(64000.0 - 0.5 * md, 1.0)
    den = md * mh[...]
    scale = jnp.where(den > 0, num / jnp.maximum(den, 1e-30), 1.0)
    sc_r[...] = scale
    q0 = jnp.round(h2[0] * scale).astype(jnp.int32)
    q1 = jnp.round(h2[1] * scale).astype(jnp.int32)
    hq[...] = q0 + lax.shift_left(q1, 16)


def _quant(h2, mh, mdeg):
    grid = (N // BLK,)
    sspec = pl.BlockSpec((1, 1), lambda i: (0, 0))
    return pl.pallas_call(
        _quant_tc,
        grid=grid,
        in_specs=[pl.BlockSpec((NC, BLK, DIN), lambda i: (0, i, 0)),
                  sspec, sspec],
        out_specs=[pl.BlockSpec((BLK, DIN), lambda i: (i, 0)),
                   sspec],
        out_shape=[jax.ShapeDtypeStruct((N, DIN), jnp.int32),
                   jax.ShapeDtypeStruct((1, 1), jnp.float32)],
    )(h2, mh, mdeg)


def _layer2_tc(agg2, h2, rdeg, scale, Wl, Wr, b, g, be, rm, rv, Wc1, bc1,
               Wc2, bc2, emb_r, log_r):
    w = agg2[0] + agg2[1]
    lo = (w & 0xFFFF).astype(jnp.float32)
    hi = lax.shift_right_logical(w, 16).astype(jnp.float32)
    a = jnp.concatenate([lo, hi], axis=1)
    h = jnp.concatenate([h2[0], h2[1]], axis=1)
    mean = a * (rdeg[...] / scale[...])
    t = (jnp.dot(mean, Wl[...], preferred_element_type=jnp.float32)
         + jnp.dot(h, Wr[...], preferred_element_type=jnp.float32)
         + b[...])
    t = (t - rm[...]) / jnp.sqrt(rv[...] + EPS) * g[...] + be[...]
    emb = jnp.maximum(t, 0.0)
    hc = jnp.maximum(
        jnp.dot(emb, Wc1[...], preferred_element_type=jnp.float32) + bc1[...],
        0.0)
    logits = jnp.dot(hc, Wc2[...], preferred_element_type=jnp.float32) + bc2[...]
    emb_r[...] = emb
    log_r[...] = logits


def _phase_d(agg2, h2, rdeg, scale, Wl, Wr, b, g, be, rm, rv, Wc1, bc1,
             Wc2p, bc2p):
    grid = (N // BLK,)
    w2spec = pl.BlockSpec((DH, DH), lambda i: (0, 0))
    pspec = pl.BlockSpec((1, DH), lambda i: (0, 0))
    return pl.pallas_call(
        _layer2_tc,
        grid=grid,
        in_specs=[
            pl.BlockSpec((NC, BLK, DIN), lambda i: (0, i, 0)),
            pl.BlockSpec((NC, BLK, DIN), lambda i: (0, i, 0)),
            pl.BlockSpec((BLK, 1), lambda i: (i, 0)),
            pl.BlockSpec((1, 1), lambda i: (0, 0)),
            w2spec, w2spec, pspec, pspec, pspec, pspec, pspec,
            pl.BlockSpec((DH, DH // 2), lambda i: (0, 0)),
            pl.BlockSpec((1, DH // 2), lambda i: (0, 0)),
            pl.BlockSpec((DH // 2, 128), lambda i: (0, 0)),
            pl.BlockSpec((1, 128), lambda i: (0, 0)),
        ],
        out_specs=[
            pl.BlockSpec((BLK, DH), lambda i: (i, 0)),
            pl.BlockSpec((BLK, 128), lambda i: (i, 0)),
        ],
        out_shape=[
            jax.ShapeDtypeStruct((N, DH), jnp.float32),
            jax.ShapeDtypeStruct((N, 128), jnp.float32),
        ],
    )(agg2, h2, rdeg, scale, Wl, Wr, b, g, be, rm, rv, Wc1, bc1, Wc2p, bc2p)


def kernel(x, edge_index, Wl1, Wr1, b1, g1, be1, rm1, rv1,
           Wl2, Wr2, b2, g2, be2, rm2, rv2, Wc1, bc1, Wc2, bc2):
    src = edge_index[0]
    dst = edge_index[1]
    src2 = src.reshape(E // (NBUF * CHUNK), NBUF, CHUNK)
    dst2 = dst.reshape(E // (NBUF * CHUNK), NBUF, CHUNK)
    zA = jnp.zeros((NP, DIN), jnp.float32)
    zA32 = jnp.zeros((NP, DIN), jnp.int32)

    dstp = jnp.concatenate([dst, jnp.full((EP - E,), NP, jnp.int32)])
    _, rmat, mdeg = _degree(dstp.reshape(EP // 128, 128))
    rdeg = rmat.reshape(NP, 1)[:N]

    aggp = _agg1_sc(x, src2, dst2, zA)[:, :N]

    row = lambda v: v.reshape(1, -1)
    h2, mh = _phase_b(aggp, x, rdeg, Wl1, Wr1, row(b1), row(g1), row(be1),
                      row(rm1), row(rv1))

    hq, scale = _quant(h2, mh, mdeg)
    agg2 = _agg2_sc(hq, src2, dst2, zA32)[:, :N]

    Wc2p = jnp.pad(Wc2, ((0, 0), (0, 128 - DC)))
    bc2p = jnp.pad(bc2, (0, 128 - DC)).reshape(1, -1)
    emb, logp = _phase_d(agg2, h2, rdeg, scale, Wl2, Wr2, row(b2), row(g2),
                         row(be2), row(rm2), row(rv2), Wc1, row(bc1),
                         Wc2p, bc2p)
    return (logp[:, :DC], emb)

# --- scband reference (transcript-rebuilt; emitter-appended) ---
"""Pipeline reference for scband-amlgraph-sage-85950885527768 (READ-ONLY COPY).

The authoritative reference and input builder live on the scoring server;
editing this copy changes nothing except your own understanding.
"""

import jax, jax.numpy as jnp
import numpy as np

N = 10000
E = 320000
DIN = 128
DH = 256
DC = 4
EPS = 1e-5


def setup_inputs(seed: int = 0) -> dict:
    key = jax.random.key(seed)
    ks = jax.random.split(key, 20)
    x = jax.random.normal(ks[0], (N, DIN), dtype=jnp.float32)
    edge_index = jax.random.randint(ks[1], (2, E), 0, N, dtype=jnp.int32)
    def lin(k, fan_in, fan_out):
        return jax.random.normal(k, (fan_in, fan_out), dtype=jnp.float32) / np.sqrt(fan_in)
    inp = {
        "x": x,
        "edge_index": edge_index,
        # SAGEConv1: out = mean_agg(x) @ Wl + x @ Wr + b
        "Wl1": lin(ks[2], DIN, DH),
        "Wr1": lin(ks[3], DIN, DH),
        "b1": jnp.zeros((DH,), jnp.float32),
        # BatchNorm1 (eval-mode running stats)
        "g1": jnp.ones((DH,), jnp.float32),
        "be1": jnp.zeros((DH,), jnp.float32),
        "rm1": jnp.zeros((DH,), jnp.float32),
        "rv1": jnp.ones((DH,), jnp.float32),
        # SAGEConv2
        "Wl2": lin(ks[4], DH, DH),
        "Wr2": lin(ks[5], DH, DH),
        "b2": jnp.zeros((DH,), jnp.float32),
        # BatchNorm2
        "g2": jnp.ones((DH,), jnp.float32),
        "be2": jnp.zeros((DH,), jnp.float32),
        "rm2": jnp.zeros((DH,), jnp.float32),
        "rv2": jnp.ones((DH,), jnp.float32),
        # classifier: Linear(DH, DH//2) -> ReLU -> Dropout -> Linear(DH//2, DC)
        "Wc1": lin(ks[6], DH, DH // 2),
        "bc1": jnp.zeros((DH // 2,), jnp.float32),
        "Wc2": lin(ks[7], DH // 2, DC),
        "bc2": jnp.zeros((DC,), jnp.float32),
    }
    return inp


def _sage_conv(x, edge_index, Wl, Wr, b):
    src = edge_index[0]
    dst = edge_index[1]
    msg = jnp.take(x, src, axis=0)
    agg = jax.ops.segment_sum(msg, dst, num_segments=N)
    deg = jax.ops.segment_sum(jnp.ones((msg.shape[0],), x.dtype), dst, num_segments=N)
    mean = agg / jnp.clip(deg, 1.0)[:, None]
    return mean @ Wl + x @ Wr + b


def _bn_eval(x, g, be, rm, rv):
    return (x - rm) / jnp.sqrt(rv + EPS) * g + be


def reference(x, edge_index, Wl1, Wr1, b1, g1, be1, rm1, rv1,
              Wl2, Wr2, b2, g2, be2, rm2, rv2, Wc1, bc1, Wc2, bc2):
    h = _sage_conv(x, edge_index, Wl1, Wr1, b1)
    h = _bn_eval(h, g1, be1, rm1, rv1)
    h = jax.nn.relu(h)
    # dropout is identity in eval mode
    h = _sage_conv(h, edge_index, Wl2, Wr2, b2)
    h = _bn_eval(h, g2, be2, rm2, rv2)
    emb = jax.nn.relu(h)
    hc = jax.nn.relu(emb @ Wc1 + bc1)
    logits = hc @ Wc2 + bc2
    return (logits, emb)

if __name__ == "__main__":
    import jax
    _d = setup_inputs()
    print(jax.jit(kernel)(*tuple(_d.values())))

</pallas_src>

<mosaic_0001>
#map = affine_map<(d0, d1) -> (0, 0)>
#map1 = affine_map<(d0, d1) -> (0, 0, 0)>
module attributes {stable_mosaic.version = 14 : i64} {
  func.func @k(%arg0: i32, %arg1: i32, %arg2: memref<10000x128xi32, #tpu.memory_space<hbm>>, %arg3: memref<1000x4x80xi32, #tpu.memory_space<hbm>>, %arg4: memref<1000x4x80xi32, #tpu.memory_space<hbm>>, %arg5: memref<10240x128xi32, #tpu.memory_space<hbm>>, %arg6: memref<2x10240x128xi32, #tpu.memory_space<hbm>>, %arg7: memref<3x4x80xi32, #tpu.memory_space<vmem>>, %arg8: memref<3x4x80xi32, #tpu.memory_space<vmem>>, %arg9: memref<4x80x128xi32, #tpu.memory_space<vmem>>, %arg10: memref<10240x128xi32, #tpu.memory_space<vmem_shared>>, %arg11: memref<!tpu.dma_semaphore, #tpu.memory_space<semaphore_mem>>, %arg12: memref<!tpu.dma_semaphore, #tpu.memory_space<semaphore_mem>>, %arg13: memref<!tpu.dma_semaphore, #tpu.memory_space<semaphore_mem>>, %arg14: memref<!tpu.dma_semaphore, #tpu.memory_space<semaphore_mem>>, %arg15: memref<!tpu.dma_semaphore, #tpu.memory_space<semaphore_mem>>, %arg16: memref<!tpu.dma_semaphore, #tpu.memory_space<semaphore_mem>>) attributes {dimension_semantics = [#tpu.dimension_semantics<core_parallel>, #tpu.dimension_semantics<subcore_parallel>], iteration_bounds = array<i64: 2, 16>, scalar_prefetch = 0 : i64, scratch_operands = 10 : i64, tpu.core_type = #tpu.core_type<sc_vector_subcore>, window_params = [{transform_indices = #map}, {transform_indices = #map1}, {transform_indices = #map1}, {transform_indices = #map}, {transform_indices = #map1}]} {
    %mul3A = arith.constant 640 : i32
    %mul3A_0 = arith.muli %arg1, %mul3A : i32
    %mul3A_1 = arith.constant 640 : i32
    %mul3A_2 = arith.muli %arg1, %mul3A_1 : i32
    "tpu.region"() ({
      %run_scoped3A = tpu.sem_alloc : memref<!tpu.dma_semaphore, #tpu.memory_space<semaphore_mem>>
      %dma_start3A_119 = arith.constant 0 : i32
      %dma_start3A_120 = tpu.memref_slice %arg10[%mul3A_2, %dma_start3A_119] : memref<10240x128xi32, #tpu.memory_space<vmem_shared>> -> memref<640x128xi32, #tpu.memory_space<vmem_shared>>
      %dma_start3A_121 = arith.constant 0 : i32
      %dma_start3A_122 = tpu.memref_slice %arg5[%mul3A_0, %dma_start3A_121] : memref<10240x128xi32, #tpu.memory_space<hbm>> -> memref<640x128xi32, #tpu.memory_space<hbm>>
      tpu.enqueue_dma source(%dma_start3A_122 : memref<640x128xi32, #tpu.memory_space<hbm>>) target(%dma_start3A_120 : memref<640x128xi32, #tpu.memory_space<vmem_shared>>) target_semaphore(%run_scoped3A : memref<!tpu.dma_semaphore, #tpu.memory_space<semaphore_mem>>)
      %dma_wait3A_123 = arith.constant 0 : i32
      %dma_wait3A_124 = tpu.memref_slice %arg10[%mul3A_2, %dma_wait3A_123] : memref<10240x128xi32, #tpu.memory_space<vmem_shared>> -> memref<640x128xi32, #tpu.memory_space<vmem_shared>>
      %dma_wait3A_125 = arith.constant 0 : i32
      %dma_wait3A_126 = tpu.memref_slice %arg5[%mul3A_0, %dma_wait3A_125] : memref<10240x128xi32, #tpu.memory_space<hbm>> -> memref<640x128xi32, #tpu.memory_space<hbm>>
      tpu.wait_dma2 semaphore(%run_scoped3A : memref<!tpu.dma_semaphore, #tpu.memory_space<semaphore_mem>>) src(%dma_wait3A_126 : memref<640x128xi32, #tpu.memory_space<hbm>>) dst(%dma_wait3A_124 : memref<640x128xi32, #tpu.memory_space<vmem_shared>>)
      tpu.yield
    }) : () -> ()
    %barrier3A = arith.constant 0 : index
    tpu.barrier barrier_id(%barrier3A)
    %mul3A_3 = arith.constant 2 : i32
    %mul3A_4 = arith.muli %arg1, %mul3A_3 : i32
    %add3A = arith.addi %mul3A_4, %arg0 : i32
    %lt3A = arith.constant 8 : i32
    %lt3A_5 = arith.cmpi slt, %add3A, %lt3A : i32
    %jit3A = arith.constant 1 : i32
    %jit3A_6 = arith.constant 0 : i32
    %select_n3A = arith.select %lt3A_5, %jit3A, %jit3A_6 : i32
    %add3A_7 = arith.constant 31 : i32
    %add3A_8 = arith.addi %add3A_7, %select_n3A : i32
    %mul3A_9 = arith.constant 31 : i32
    %mul3A_10 = arith.muli %add3A, %mul3A_9 : i32
    %min3A = arith.constant 8 : i32
    %min3A_11 = arith.minsi %add3A, %min3A : i32
    %add3A_12 = arith.addi %mul3A_10, %min3A_11 : i32
    %dma_start3A = arith.constant 0 : i32
    %dma_start3A_13 = arith.constant 0 : i32
    %dma_start3A_14 = arith.constant 0 : i32
    %dma_start3A_15 = tpu.memref_slice %arg7[%dma_start3A, %dma_start3A_13, %dma_start3A_14] : memref<3x4x80xi32, #tpu.memory_space<vmem>> -> memref<1x4x80xi32, #tpu.memory_space<vmem>>
    %dma_start3A_16 = tpu.memref_squeeze %dma_start3A_15 : memref<1x4x80xi32, #tpu.memory_space<vmem>> -> memref<4x80xi32, #tpu.memory_space<vmem>>
    %dma_start3A_17 = arith.constant 0 : i32
    %dma_start3A_18 = arith.constant 0 : i32
    %dma_start3A_19 = tpu.memref_slice %arg3[%add3A_12, %dma_start3A_17, %dma_start3A_18] : memref<1000x4x80xi32, #tpu.memory_space<hbm>> -> memref<1x4x80xi32, #tpu.memory_space<hbm>>
    %dma_start3A_20 = tpu.memref_squeeze %dma_start3A_19 : memref<1x4x80xi32, #tpu.memory_space<hbm>> -> memref<4x80xi32, #tpu.memory_space<hbm>>
    %dma_start3A_21 = arith.constant 0 : i32
    %dma_start3A_22 = arith.constant 0 : i32
    %dma_start3A_23 = tpu.memref_slice %arg7[%dma_start3A, %dma_start3A_21, %dma_start3A_22] : memref<3x4x80xi32, #tpu.memory_space<vmem>> -> memref<1x4x80xi32, #tpu.memory_space<vmem>>
    %dma_start3A_24 = tpu.memref_squeeze %dma_start3A_23 : memref<1x4x80xi32, #tpu.memory_space<vmem>> -> memref<4x80xi32, #tpu.memory_space<vmem>>
    %dma_start3A_25 = arith.constant 0 : i32
    %dma_start3A_26 = arith.constant 0 : i32
    %dma_start3A_27 = tpu.memref_slice %arg3[%add3A_12, %dma_start3A_25, %dma_start3A_26] : memref<1000x4x80xi32, #tpu.memory_space<hbm>> -> memref<1x4x80xi32, #tpu.memory_space<hbm>>
    %dma_start3A_28 = tpu.memref_squeeze %dma_start3A_27 : memref<1x4x80xi32, #tpu.memory_space<hbm>> -> memref<4x80xi32, #tpu.memory_space<hbm>>
    tpu.enqueue_dma source(%dma_start3A_28 : memref<4x80xi32, #tpu.memory_space<hbm>>) target(%dma_start3A_24 : memref<4x80xi32, #tpu.memory_space<vmem>>) target_semaphore(%arg16 : memref<!tpu.dma_semaphore, #tpu.memory_space<semaphore_mem>>)
    %dma_start3A_29 = arith.constant 0 : i32
    %dma_start3A_30 = arith.constant 0 : i32
    %dma_start3A_31 = arith.constant 0 : i32
    %dma_start3A_32 = tpu.memref_slice %arg8[%dma_start3A_29, %dma_start3A_30, %dma_start3A_31] : memref<3x4x80xi32, #tpu.memory_space<vmem>> -> memref<1x4x80xi32, #tpu.memory_space<vmem>>
    %dma_start3A_33 = tpu.memref_squeeze %dma_start3A_32 : memref<1x4x80xi32, #tpu.memory_space<vmem>> -> memref<4x80xi32, #tpu.memory_space<vmem>>
    %dma_start3A_34 = arith.constant 0 : i32
    %dma_start3A_35 = arith.constant 0 : i32
    %dma_start3A_36 = tpu.memref_slice %arg4[%add3A_12, %dma_start3A_34, %dma_start3A_35] : memref<1000x4x80xi32, #tpu.memory_space<hbm>> -> memref<1x4x80xi32, #tpu.memory_space<hbm>>
    %dma_start3A_37 = tpu.memref_squeeze %dma_start3A_36 : memref<1x4x80xi32, #tpu.memory_space<hbm>> -> memref<4x80xi32, #tpu.memory_space<hbm>>
    %dma_start3A_38 = arith.constant 0 : i32
    %dma_start3A_39 = arith.constant 0 : i32
    %dma_start3A_40 = tpu.memref_slice %arg8[%dma_start3A_29, %dma_start3A_38, %dma_start3A_39] : memref<3x4x80xi32, #tpu.memory_space<vmem>> -> memref<1x4x80xi32, #tpu.memory_space<vmem>>
    %dma_start3A_41 = tpu.memref_squeeze %dma_start3A_40 : memref<1x4x80xi32, #tpu.memory_space<vmem>> -> memref<4x80xi32, #tpu.memory_space<vmem>>
    %dma_start3A_42 = arith.constant 0 : i32
    %dma_start3A_43 = arith.constant 0 : i32
    %dma_start3A_44 = tpu.memref_slice %arg4[%add3A_12, %dma_start3A_42, %dma_start3A_43] : memref<1000x4x80xi32, #tpu.memory_space<hbm>> -> memref<1x4x80xi32, #tpu.memory_space<hbm>>
    %dma_start3A_45 = tpu.memref_squeeze %dma_start3A_44 : memref<1x4x80xi32, #tpu.memory_space<hbm>> -> memref<4x80xi32, #tpu.memory_space<hbm>>
    tpu.enqueue_dma source(%dma_start3A_45 : memref<4x80xi32, #tpu.memory_space<hbm>>) target(%dma_start3A_41 : memref<4x80xi32, #tpu.memory_space<vmem>>) target_semaphore(%arg16 : memref<!tpu.dma_semaphore, #tpu.memory_space<semaphore_mem>>)
    %while3A = arith.constant 0 : i32
    %while3A_46 = arith.constant 0 : i32
    %while3A_47 = arith.subi %add3A_8, %while3A_46 : i32
    %while3A_48 = arith.addi %while3A_46, %while3A_47 : i32
    %while3A_49 = arith.constant 1 : i32
    %while3A_50 = arith.divsi %while3A_47, %while3A_49 : i32
    %while3A_51 = arith.muli %while3A_50, %while3A_49 : i32
    %while3A_52 = arith.addi %while3A_46, %while3A_51 : i32
    %while3A_53 = arith.constant 1 : i32
    scf.for %while3A_119 = %while3A_46 to %while3A_52 step %while3A_53  : i32 {
      %rem3A = arith.constant 3 : i32
      %rem3A_120 = arith.remsi %while3A_119, %rem3A : i32
      %dma_wait3A_121 = arith.constant 0 : i32
      %dma_wait3A_122 = arith.constant 0 : i32
      %dma_wait3A_123 = tpu.memref_slice %arg7[%rem3A_120, %dma_wait3A_121, %dma_wait3A_122] : memref<3x4x80xi32, #tpu.memory_space<vmem>> -> memref<1x4x80xi32, #tpu.memory_space<vmem>>
      %dma_wait3A_124 = tpu.memref_squeeze %dma_wait3A_123 : memref<1x4x80xi32, #tpu.memory_space<vmem>> -> memref<4x80xi32, #tpu.memory_space<vmem>>
      %dma_wait3A_125 = arith.constant 0 : i32
      %dma_wait3A_126 = arith.constant 0 : i32
      %dma_wait3A_127 = tpu.memref_slice %arg3[%add3A_12, %dma_wait3A_125, %dma_wait3A_126] : memref<1000x4x80xi32, #tpu.memory_space<hbm>> -> memref<1x4x80xi32, #tpu.memory_space<hbm>>
      %dma_wait3A_128 = tpu.memref_squeeze %dma_wait3A_127 : memref<1x4x80xi32, #tpu.memory_space<hbm>> -> memref<4x80xi32, #tpu.memory_space<hbm>>
      %dma_wait3A_129 = arith.constant 0 : i32
      %dma_wait3A_130 = arith.constant 0 : i32
      %dma_wait3A_131 = tpu.memref_slice %arg7[%rem3A_120, %dma_wait3A_129, %dma_wait3A_130] : memref<3x4x80xi32, #tpu.memory_space<vmem>> -> memref<1x4x80xi32, #tpu.memory_space<vmem>>
      %dma_wait3A_132 = tpu.memref_squeeze %dma_wait3A_131 : memref<1x4x80xi32, #tpu.memory_space<vmem>> -> memref<4x80xi32, #tpu.memory_space<vmem>>
      %dma_wait3A_133 = arith.constant 0 : i32
      %dma_wait3A_134 = arith.constant 0 : i32
      %dma_wait3A_135 = tpu.memref_slice %arg3[%add3A_12, %dma_wait3A_133, %dma_wait3A_134] : memref<1000x4x80xi32, #tpu.memory_space<hbm>> -> memref<1x4x80xi32, #tpu.memory_space<hbm>>
      %dma_wait3A_136 = tpu.memref_squeeze %dma_wait3A_135 : memref<1x4x80xi32, #tpu.memory_space<hbm>> -> memref<4x80xi32, #tpu.memory_space<hbm>>
      tpu.wait_dma2 semaphore(%arg16 : memref<!tpu.dma_semaphore, #tpu.memory_space<semaphore_mem>>) src(%dma_wait3A_136 : memref<4x80xi32, #tpu.memory_space<hbm>>) dst(%dma_wait3A_132 : memref<4x80xi32, #tpu.memory_space<vmem>>)
      %dma_wait3A_137 = arith.constant 0 : i32
      %dma_wait3A_138 = arith.constant 0 : i32
      %dma_wait3A_139 = tpu.memref_slice %arg8[%rem3A_120, %dma_wait3A_137, %dma_wait3A_138] : memref<3x4x80xi32, #tpu.memory_space<vmem>> -> memref<1x4x80xi32, #tpu.memory_space<vmem>>
      %dma_wait3A_140 = tpu.memref_squeeze %dma_wait3A_139 : memref<1x4x80xi32, #tpu.memory_space<vmem>> -> memref<4x80xi32, #tpu.memory_space<vmem>>
      %dma_wait3A_141 = arith.constant 0 : i32
      %dma_wait3A_142 = arith.constant 0 : i32
      %dma_wait3A_143 = tpu.memref_slice %arg4[%add3A_12, %dma_wait3A_141, %dma_wait3A_142] : memref<1000x4x80xi32, #tpu.memory_space<hbm>> -> memref<1x4x80xi32, #tpu.memory_space<hbm>>
      %dma_wait3A_144 = tpu.memref_squeeze %dma_wait3A_143 : memref<1x4x80xi32, #tpu.memory_space<hbm>> -> memref<4x80xi32, #tpu.memory_space<hbm>>
      %dma_wait3A_145 = arith.constant 0 : i32
      %dma_wait3A_146 = arith.constant 0 : i32
      %dma_wait3A_147 = tpu.memref_slice %arg8[%rem3A_120, %dma_wait3A_145, %dma_wait3A_146] : memref<3x4x80xi32, #tpu.memory_space<vmem>> -> memref<1x4x80xi32, #tpu.memory_space<vmem>>
      %dma_wait3A_148 = tpu.memref_squeeze %dma_wait3A_147 : memref<1x4x80xi32, #tpu.memory_space<vmem>> -> memref<4x80xi32, #tpu.memory_space<vmem>>
      %dma_wait3A_149 = arith.constant 0 : i32
      %dma_wait3A_150 = arith.constant 0 : i32
      %dma_wait3A_151 = tpu.memref_slice %arg4[%add3A_12, %dma_wait3A_149, %dma_wait3A_150] : memref<1000x4x80xi32, #tpu.memory_space<hbm>> -> memref<1x4x80xi32, #tpu.memory_space<hbm>>
      %dma_wait3A_152 = tpu.memref_squeeze %dma_wait3A_151 : memref<1x4x80xi32, #tpu.memory_space<hbm>> -> memref<4x80xi32, #tpu.memory_space<hbm>>
      tpu.wait_dma2 semaphore(%arg16 : memref<!tpu.dma_semaphore, #tpu.memory_space<semaphore_mem>>) src(%dma_wait3A_152 : memref<4x80xi32, #tpu.memory_space<hbm>>) dst(%dma_wait3A_148 : memref<4x80xi32, #tpu.memory_space<vmem>>)
      %add3A_153 = arith.constant 1 : i32
      %add3A_154 = arith.addi %while3A_119, %add3A_153 : i32
      %lt3A_155 = arith.cmpi slt, %add3A_154, %add3A_8 : i32
      %convert_element_type3A = arith.extui %lt3A_155 : i1 to i32
      %cond3A = arith.constant 0 : i32
      %cond3A_156 = arith.cmpi ne, %convert_element_type3A, %cond3A : i32
      scf.if %cond3A_156 {
        %add3A_353 = arith.constant 1 : i32
        %add3A_354 = arith.addi %while3A_119, %add3A_353 : i32
        %rem3A_355 = arith.constant 3 : i32
        %rem3A_356 = arith.remsi %add3A_354, %rem3A_355 : i32
        %add3A_357 = arith.addi %add3A_12, %while3A_119 : i32
        %add3A_358 = arith.constant 1 : i32
        %add3A_359 = arith.addi %add3A_357, %add3A_358 : i32
        %dma_start3A_360 = arith.constant 0 : i32
        %dma_start3A_361 = arith.constant 0 : i32
        %dma_start3A_362 = tpu.memref_slice %arg7[%rem3A_356, %dma_start3A_360, %dma_start3A_361] : memref<3x4x80xi32, #tpu.memory_space<vmem>> -> memref<1x4x80xi32, #tpu.memory_space<vmem>>
        %dma_start3A_363 = tpu.memref_squeeze %dma_start3A_362 : memref<1x4x80xi32, #tpu.memory_space<vmem>> -> memref<4x80xi32, #tpu.memory_space<vmem>>
        %dma_start3A_364 = arith.constant 0 : i32
        %dma_start3A_365 = arith.constant 0 : i32
        %dma_start3A_366 = tpu.memref_slice %arg3[%add3A_359, %dma_start3A_364, %dma_start3A_365] : memref<1000x4x80xi32, #tpu.memory_space<hbm>> -> memref<1x4x80xi32, #tpu.memory_space<hbm>>
        %dma_start3A_367 = tpu.memref_squeeze %dma_start3A_366 : memref<1x4x80xi32, #tpu.memory_space<hbm>> -> memref<4x80xi32, #tpu.memory_space<hbm>>
        %dma_start3A_368 = arith.constant 0 : i32
        %dma_start3A_369 = arith.constant 0 : i32
        %dma_start3A_370 = tpu.memref_slice %arg7[%rem3A_356, %dma_start3A_368, %dma_start3A_369] : memref<3x4x80xi32, #tpu.memory_space<vmem>> -> memref<1x4x80xi32, #tpu.memory_space<vmem>>
        %dma_start3A_371 = tpu.memref_squeeze %dma_start3A_370 : memref<1x4x80xi32, #tpu.memory_space<vmem>> -> memref<4x80xi32, #tpu.memory_space<vmem>>
        %dma_start3A_372 = arith.constant 0 : i32
        %dma_start3A_373 = arith.constant 0 : i32
        %dma_start3A_374 = tpu.memref_slice %arg3[%add3A_359, %dma_start3A_372, %dma_start3A_373] : memref<1000x4x80xi32, #tpu.memory_space<hbm>> -> memref<1x4x80xi32, #tpu.memory_space<hbm>>
        %dma_start3A_375 = tpu.memref_squeeze %dma_start3A_374 : memref<1x4x80xi32, #tpu.memory_space<hbm>> -> memref<4x80xi32, #tpu.memory_space<hbm>>
        tpu.enqueue_dma source(%dma_start3A_375 : memref<4x80xi32, #tpu.memory_space<hbm>>) target(%dma_start3A_371 : memref<4x80xi32, #tpu.memory_space<vmem>>) target_semaphore(%arg16 : memref<!tpu.dma_semaphore, #tpu.memory_space<semaphore_mem>>)
        %add3A_376 = arith.addi %add3A_12, %while3A_119 : i32
        %add3A_377 = arith.constant 1 : i32
        %add3A_378 = arith.addi %add3A_376, %add3A_377 : i32
        %dma_start3A_379 = arith.constant 0 : i32
        %dma_start3A_380 = arith.constant 0 : i32
        %dma_start3A_381 = tpu.memref_slice %arg8[%rem3A_356, %dma_start3A_379, %dma_start3A_380] : memref<3x4x80xi32, #tpu.memory_space<vmem>> -> memref<1x4x80xi32, #tpu.memory_space<vmem>>
        %dma_start3A_382 = tpu.memref_squeeze %dma_start3A_381 : memref<1x4x80xi32, #tpu.memory_space<vmem>> -> memref<4x80xi32, #tpu.memory_space<vmem>>
        %dma_start3A_383 = arith.constant 0 : i32
        %dma_start3A_384 = arith.constant 0 : i32
        %dma_start3A_385 = tpu.memref_slice %arg4[%add3A_378, %dma_start3A_383, %dma_start3A_384] : memref<1000x4x80xi32, #tpu.memory_space<hbm>> -> memref<1x4x80xi32, #tpu.memory_space<hbm>>
        %dma_start3A_386 = tpu.memref_squeeze %dma_start3A_385 : memref<1x4x80xi32, #tpu.memory_space<hbm>> -> memref<4x80xi32, #tpu.memory_space<hbm>>
        %dma_start3A_387 = arith.constant 0 : i32
        %dma_start3A_388 = arith.constant 0 : i32
        %dma_start3A_389 = tpu.memref_slice %arg8[%rem3A_356, %dma_start3A_387, %dma_start3A_388] : memref<3x4x80xi32, #tpu.memory_space<vmem>> -> memref<1x4x80xi32, #tpu.memory_space<vmem>>
        %dma_start3A_390 = tpu.memref_squeeze %dma_start3A_389 : memref<1x4x80xi32, #tpu.memory_space<vmem>> -> memref<4x80xi32, #tpu.memory_space<vmem>>
        %dma_start3A_391 = arith.constant 0 : i32
        %dma_start3A_392 = arith.constant 0 : i32
        %dma_start3A_393 = tpu.memref_slice %arg4[%add3A_378, %dma_start3A_391, %dma_start3A_392] : memref<1000x4x80xi32, #tpu.memory_space<hbm>> -> memref<1x4x80xi32, #tpu.memory_space<hbm>>
        %dma_start3A_394 = tpu.memref_squeeze %dma_start3A_393 : memref<1x4x80xi32, #tpu.memory_space<hbm>> -> memref<4x80xi32, #tpu.memory_space<hbm>>
        tpu.enqueue_dma source(%dma_start3A_394 : memref<4x80xi32, #tpu.memory_space<hbm>>) target(%dma_start3A_390 : memref<4x80xi32, #tpu.memory_space<vmem>>) target_semaphore(%arg16 : memref<!tpu.dma_semaphore, #tpu.memory_space<semaphore_mem>>)
      } else {
      }
      %gt3A = arith.constant 0 : i32
      %gt3A_157 = arith.cmpi sgt, %while3A_119, %gt3A : i32
      %convert_element_type3A_158 = arith.extui %gt3A_157 : i1 to i32
      %cond3A_159 = arith.constant 0 : i32
      %cond3A_160 = arith.cmpi ne, %convert_element_type3A_158, %cond3A_159 : i32
      scf.if %cond3A_160 {
        %dma_wait3A_353 = arith.constant 0 : i32
        %dma_wait3A_354 = arith.constant 0 : i32
        %dma_wait3A_355 = arith.constant 0 : i32
        %dma_wait3A_356 = tpu.memref_slice %arg9[%dma_wait3A_353, %dma_wait3A_354, %dma_wait3A_355] : memref<4x80x128xi32, #tpu.memory_space<vmem>> -> memref<1x80x128xi32, #tpu.memory_space<vmem>>
        %dma_wait3A_357 = tpu.memref_squeeze %dma_wait3A_356 : memref<1x80x128xi32, #tpu.memory_space<vmem>> -> memref<80x128xi32, #tpu.memory_space<vmem>>
        %dma_wait3A_358 = arith.constant 0 : i32
        %dma_wait3A_359 = arith.constant 0 : i32
        %dma_wait3A_360 = tpu.memref_slice %arg5[%dma_wait3A_358, %dma_wait3A_359] : memref<10240x128xi32, #tpu.memory_space<hbm>> -> memref<80x128xi32, #tpu.memory_space<hbm>>
        %dma_wait3A_361 = arith.constant 0 : i32
        %dma_wait3A_362 = arith.constant 0 : i32
        %dma_wait3A_363 = tpu.memref_slice %arg9[%dma_wait3A_353, %dma_wait3A_361, %dma_wait3A_362] : memref<4x80x128xi32, #tpu.memory_space<vmem>> -> memref<1x80x128xi32, #tpu.memory_space<vmem>>
        %dma_wait3A_364 = tpu.memref_squeeze %dma_wait3A_363 : memref<1x80x128xi32, #tpu.memory_space<vmem>> -> memref<80x128xi32, #tpu.memory_space<vmem>>
        %dma_wait3A_365 = arith.constant 0 : i32
        %dma_wait3A_366 = arith.constant 0 : i32
        %dma_wait3A_367 = tpu.memref_slice %arg5[%dma_wait3A_365, %dma_wait3A_366] : memref<10240x128xi32, #tpu.memory_space<hbm>> -> memref<80x128xi32, #tpu.memory_space<hbm>>
        tpu.wait_dma2 semaphore(%arg15 : memref<!tpu.dma_semaphore, #tpu.memory_space<semaphore_mem>>) src(%dma_wait3A_367 : memref<80x128xi32, #tpu.memory_space<hbm>>) dst(%dma_wait3A_364 : memref<80x128xi32, #tpu.memory_space<vmem>>)
        %dma_wait3A_368 = arith.constant 1 : i32
        %dma_wait3A_369 = arith.constant 0 : i32
        %dma_wait3A_370 = arith.constant 0 : i32
        %dma_wait3A_371 = tpu.memref_slice %arg9[%dma_wait3A_368, %dma_wait3A_369, %dma_wait3A_370] : memref<4x80x128xi32, #tpu.memory_space<vmem>> -> memref<1x80x128xi32, #tpu.memory_space<vmem>>
        %dma_wait3A_372 = tpu.memref_squeeze %dma_wait3A_371 : memref<1x80x128xi32, #tpu.memory_space<vmem>> -> memref<80x128xi32, #tpu.memory_space<vmem>>
        %dma_wait3A_373 = arith.constant 0 : i32
        %dma_wait3A_374 = arith.constant 0 : i32
        %dma_wait3A_375 = tpu.memref_slice %arg5[%dma_wait3A_373, %dma_wait3A_374] : memref<10240x128xi32, #tpu.memory_space<hbm>> -> memref<80x128xi32, #tpu.memory_space<hbm>>
        %dma_wait3A_376 = arith.constant 0 : i32
        %dma_wait3A_377 = arith.constant 0 : i32
        %dma_wait3A_378 = tpu.memref_slice %arg9[%dma_wait3A_368, %dma_wait3A_376, %dma_wait3A_377] : memref<4x80x128xi32, #tpu.memory_space<vmem>> -> memref<1x80x128xi32, #tpu.memory_space<vmem>>
        %dma_wait3A_379 = tpu.memref_squeeze %dma_wait3A_378 : memref<1x80x128xi32, #tpu.memory_space<vmem>> -> memref<80x128xi32, #tpu.memory_space<vmem>>
        %dma_wait3A_380 = arith.constant 0 : i32
        %dma_wait3A_381 = arith.constant 0 : i32
        %dma_wait3A_382 = tpu.memref_slice %arg5[%dma_wait3A_380, %dma_wait3A_381] : memref<10240x128xi32, #tpu.memory_space<hbm>> -> memref<80x128xi32, #tpu.memory_space<hbm>>
        tpu.wait_dma2 semaphore(%arg15 : memref<!tpu.dma_semaphore, #tpu.memory_space<semaphore_mem>>) src(%dma_wait3A_382 : memref<80x128xi32, #tpu.memory_space<hbm>>) dst(%dma_wait3A_379 : memref<80x128xi32, #tpu.memory_space<vmem>>)
        %dma_wait3A_383 = arith.constant 2 : i32
        %dma_wait3A_384 = arith.constant 0 : i32
        %dma_wait3A_385 = arith.constant 0 : i32
        %dma_wait3A_386 = tpu.memref_slice %arg9[%dma_wait3A_383, %dma_wait3A_384, %dma_wait3A_385] : memref<4x80x128xi32, #tpu.memory_space<vmem>> -> memref<1x80x128xi32, #tpu.memory_space<vmem>>
        %dma_wait3A_387 = tpu.memref_squeeze %dma_wait3A_386 : memref<1x80x128xi32, #tpu.memory_space<vmem>> -> memref<80x128xi32, #tpu.memory_space<vmem>>
        %dma_wait3A_388 = arith.constant 0 : i32
        %dma_wait3A_389 = arith.constant 0 : i32
        %dma_wait3A_390 = tpu.memref_slice %arg5[%dma_wait3A_388, %dma_wait3A_389] : memref<10240x128xi32, #tpu.memory_space<hbm>> -> memref<80x128xi32, #tpu.memory_space<hbm>>
        %dma_wait3A_391 = arith.constant 0 : i32
        %dma_wait3A_392 = arith.constant 0 : i32
        %dma_wait3A_393 = tpu.memref_slice %arg9[%dma_wait3A_383, %dma_wait3A_391, %dma_wait3A_392] : memref<4x80x128xi32, #tpu.memory_space<vmem>> -> memref<1x80x128xi32, #tpu.memory_space<vmem>>
        %dma_wait3A_394 = tpu.memref_squeeze %dma_wait3A_393 : memref<1x80x128xi32, #tpu.memory_space<vmem>> -> memref<80x128xi32, #tpu.memory_space<vmem>>
        %dma_wait3A_395 = arith.constant 0 : i32
        %dma_wait3A_396 = arith.constant 0 : i32
        %dma_wait3A_397 = tpu.memref_slice %arg5[%dma_wait3A_395, %dma_wait3A_396] : memref<10240x128xi32, #tpu.memory_space<hbm>> -> memref<80x128xi32, #tpu.memory_space<hbm>>
        tpu.wait_dma2 semaphore(%arg15 : memref<!tpu.dma_semaphore, #tpu.memory_space<semaphore_mem>>) src(%dma_wait3A_397 : memref<80x128xi32, #tpu.memory_space<hbm>>) dst(%dma_wait3A_394 : memref<80x128xi32, #tpu.memory_space<vmem>>)
        %dma_wait3A_398 = arith.constant 3 : i32
        %dma_wait3A_399 = arith.constant 0 : i32
        %dma_wait3A_400 = arith.constant 0 : i32
        %dma_wait3A_401 = tpu.memref_slice %arg9[%dma_wait3A_398, %dma_wait3A_399, %dma_wait3A_400] : memref<4x80x128xi32, #tpu.memory_space<vmem>> -> memref<1x80x128xi32, #tpu.memory_space<vmem>>
        %dma_wait3A_402 = tpu.memref_squeeze %dma_wait3A_401 : memref<1x80x128xi32, #tpu.memory_space<vmem>> -> memref<80x128xi32, #tpu.memory_space<vmem>>
        %dma_wait3A_403 = arith.constant 0 : i32
        %dma_wait3A_404 = arith.constant 0 : i32
        %dma_wait3A_405 = tpu.memref_slice %arg5[%dma_wait3A_403, %dma_wait3A_404] : memref<10240x128xi32, #tpu.memory_space<hbm>> -> memref<80x128xi32, #tpu.memory_space<hbm>>
        %dma_wait3A_406 = arith.constant 0 : i32
        %dma_wait3A_407 = arith.constant 0 : i32
        %dma_wait3A_408 = tpu.memref_slice %arg9[%dma_wait3A_398, %dma_wait3A_406, %dma_wait3A_407] : memref<4x80x128xi32, #tpu.memory_space<vmem>> -> memref<1x80x128xi32, #tpu.memory_space<vmem>>
        %dma_wait3A_409 = tpu.memref_squeeze %dma_wait3A_408 : memref<1x80x128xi32, #tpu.memory_space<vmem>> -> memref<80x128xi32, #tpu.memory_space<vmem>>
        %dma_wait3A_410 = arith.constant 0 : i32
        %dma_wait3A_411 = arith.constant 0 : i32
        %dma_wait3A_412 = tpu.memref_slice %arg5[%dma_wait3A_410, %dma_wait3A_411] : memref<10240x128xi32, #tpu.memory_space<hbm>> -> memref<80x128xi32, #tpu.memory_space<hbm>>
        tpu.wait_dma2 semaphore(%arg15 : memref<!tpu.dma_semaphore, #tpu.memory_space<semaphore_mem>>) src(%dma_wait3A_412 : memref<80x128xi32, #tpu.memory_space<hbm>>) dst(%dma_wait3A_409 : memref<80x128xi32, #tpu.memory_space<vmem>>)
      } else {
      }
      %dma_start3A_161 = arith.constant 0 : i32
      %dma_start3A_162 = arith.constant 0 : i32
      %dma_start3A_163 = arith.constant 0 : i32
      %dma_start3A_164 = arith.constant 0 : i32
      %dma_start3A_165 = tpu.memref_slice %arg9[%dma_start3A_162, %dma_start3A_163, %dma_start3A_164] : memref<4x80x128xi32, #tpu.memory_space<vmem>> -> memref<1x80x128xi32, #tpu.memory_space<vmem>>
      %dma_start3A_166 = tpu.memref_squeeze %dma_start3A_165 : memref<1x80x128xi32, #tpu.memory_space<vmem>> -> memref<80x128xi32, #tpu.memory_space<vmem>>
      %dma_start3A_167 = arith.constant 0 : i32
      %dma_start3A_168 = arith.constant 0 : i32
      %dma_start3A_169 = tpu.memref_slice %arg7[%rem3A_120, %dma_start3A_167, %dma_start3A_168] : memref<3x4x80xi32, #tpu.memory_space<vmem>> -> memref<1x4x80xi32, #tpu.memory_space<vmem>>
      %dma_start3A_170 = tpu.memref_squeeze %dma_start3A_169 : memref<1x4x80xi32, #tpu.memory_space<vmem>> -> memref<4x80xi32, #tpu.memory_space<vmem>>
      %dma_start3A_171 = arith.constant 0 : i32
      %dma_start3A_172 = tpu.memref_slice %dma_start3A_170[%dma_start3A_161, %dma_start3A_171] : memref<4x80xi32, #tpu.memory_space<vmem>> -> memref<1x80xi32, #tpu.memory_space<vmem>>
      %dma_start3A_173 = tpu.memref_squeeze %dma_start3A_172 : memref<1x80xi32, #tpu.memory_space<vmem>> -> memref<80xi32, #tpu.memory_space<vmem>>
      %dma_start3A_174 = arith.constant 0 : i32
      %dma_start3A_175 = arith.constant 0 : i32
      %dma_start3A_176 = tpu.memref_slice %arg2[%dma_start3A_174, %dma_start3A_175] : memref<10000x128xi32, #tpu.memory_space<hbm>> -> memref<10000x128xi32, #tpu.memory_space<hbm>>
      tpu.enqueue_indirect_dma source(%dma_start3A_176 : memref<10000x128xi32, #tpu.memory_space<hbm>>) target(%dma_start3A_166 : memref<80x128xi32, #tpu.memory_space<vmem>>) offsets(%dma_start3A_173 : memref<80xi32, #tpu.memory_space<vmem>>) semaphore(%arg11 : memref<!tpu.dma_semaphore, #tpu.memory_space<semaphore_mem>>)
      %dma_start3A_177 = arith.constant 1 : i32
      %dma_start3A_178 = arith.constant 1 : i32
      %dma_start3A_179 = arith.constant 0 : i32
      %dma_start3A_180 = arith.constant 0 : i32
      %dma_start3A_181 = tpu.memref_slice %arg9[%dma_start3A_178, %dma_start3A_179, %dma_start3A_180] : memref<4x80x128xi32, #tpu.memory_space<vmem>> -> memref<1x80x128xi32, #tpu.memory_space<vmem>>
      %dma_start3A_182 = tpu.memref_squeeze %dma_start3A_181 : memref<1x80x128xi32, #tpu.memory_space<vmem>> -> memref<80x128xi32, #tpu.memory_space<vmem>>
      %dma_start3A_183 = arith.constant 0 : i32
      %dma_start3A_184 = arith.constant 0 : i32
      %dma_start3A_185 = tpu.memref_slice %arg7[%rem3A_120, %dma_start3A_183, %dma_start3A_184] : memref<3x4x80xi32, #tpu.memory_space<vmem>> -> memref<1x4x80xi32, #tpu.memory_space<vmem>>
      %dma_start3A_186 = tpu.memref_squeeze %dma_start3A_185 : memref<1x4x80xi32, #tpu.memory_space<vmem>> -> memref<4x80xi32, #tpu.memory_space<vmem>>
      %dma_start3A_187 = arith.constant 0 : i32
      %dma_start3A_188 = tpu.memref_slice %dma_start3A_186[%dma_start3A_177, %dma_start3A_187] : memref<4x80xi32, #tpu.memory_space<vmem>> -> memref<1x80xi32, #tpu.memory_space<vmem>>
      %dma_start3A_189 = tpu.memref_squeeze %dma_start3A_188 : memref<1x80xi32, #tpu.memory_space<vmem>> -> memref<80xi32, #tpu.memory_space<vmem>>
      %dma_start3A_190 = arith.constant 0 : i32
      %dma_start3A_191 = arith.constant 0 : i32
      %dma_start3A_192 = tpu.memref_slice %arg2[%dma_start3A_190, %dma_start3A_191] : memref<10000x128xi32, #tpu.memory_space<hbm>> -> memref<10000x128xi32, #tpu.memory_space<hbm>>
      tpu.enqueue_indirect_dma source(%dma_start3A_192 : memref<10000x128xi32, #tpu.memory_space<hbm>>) target(%dma_start3A_182 : memref<80x128xi32, #tpu.memory_space<vmem>>) offsets(%dma_start3A_189 : memref<80xi32, #tpu.memory_space<vmem>>) semaphore(%arg12 : memref<!tpu.dma_semaphore, #tpu.memory_space<semaphore_mem>>)
      %dma_start3A_193 = arith.constant 2 : i32
      %dma_start3A_194 = arith.constant 2 : i32
      %dma_start3A_195 = arith.constant 0 : i32
      %dma_start3A_196 = arith.constant 0 : i32
      %dma_start3A_197 = tpu.memref_slice %arg9[%dma_start3A_194, %dma_start3A_195, %dma_start3A_196] : memref<4x80x128xi32, #tpu.memory_space<vmem>> -> memref<1x80x128xi32, #tpu.memory_space<vmem>>
      %dma_start3A_198 = tpu.memref_squeeze %dma_start3A_197 : memref<1x80x128xi32, #tpu.memory_space<vmem>> -> memref<80x128xi32, #tpu.memory_space<vmem>>
      %dma_start3A_199 = arith.constant 0 : i32
      %dma_start3A_200 = arith.constant 0 : i32
      %dma_start3A_201 = tpu.memref_slice %arg7[%rem3A_120, %dma_start3A_199, %dma_start3A_200] : memref<3x4x80xi32, #tpu.memory_space<vmem>> -> memref<1x4x80xi32, #tpu.memory_space<vmem>>
      %dma_start3A_202 = tpu.memref_squeeze %dma_start3A_201 : memref<1x4x80xi32, #tpu.memory_space<vmem>> -> memref<4x80xi32, #tpu.memory_space<vmem>>
      %dma_start3A_203 = arith.constant 0 : i32
      %dma_start3A_204 = tpu.memref_slice %dma_start3A_202[%dma_start3A_193, %dma_start3A_203] : memref<4x80xi32, #tpu.memory_space<vmem>> -> memref<1x80xi32, #tpu.memory_space<vmem>>
      %dma_start3A_205 = tpu.memref_squeeze %dma_start3A_204 : memref<1x80xi32, #tpu.memory_space<vmem>> -> memref<80xi32, #tpu.memory_space<vmem>>
      %dma_start3A_206 = arith.constant 0 : i32
      %dma_start3A_207 = arith.constant 0 : i32
      %dma_start3A_208 = tpu.memref_slice %arg2[%dma_start3A_206, %dma_start3A_207] : memref<10000x128xi32, #tpu.memory_space<hbm>> -> memref<10000x128xi32, #tpu.memory_space<hbm>>
      tpu.enqueue_indirect_dma source(%dma_start3A_208 : memref<10000x128xi32, #tpu.memory_space<hbm>>) target(%dma_start3A_198 : memref<80x128xi32, #tpu.memory_space<vmem>>) offsets(%dma_start3A_205 : memref<80xi32, #tpu.memory_space<vmem>>) semaphore(%arg13 : memref<!tpu.dma_semaphore, #tpu.memory_space<semaphore_mem>>)
      %dma_start3A_209 = arith.constant 3 : i32
      %dma_start3A_210 = arith.constant 3 : i32
      %dma_start3A_211 = arith.constant 0 : i32
      %dma_start3A_212 = arith.constant 0 : i32
      %dma_start3A_213 = tpu.memref_slice %arg9[%dma_start3A_210, %dma_start3A_211, %dma_start3A_212] : memref<4x80x128xi32, #tpu.memory_space<vmem>> -> memref<1x80x128xi32, #tpu.memory_space<vmem>>
      %dma_start3A_214 = tpu.memref_squeeze %dma_start3A_213 : memref<1x80x128xi32, #tpu.memory_space<vmem>> -> memref<80x128xi32, #tpu.memory_space<vmem>>
      %dma_start3A_215 = arith.constant 0 : i32
      %dma_start3A_216 = arith.constant 0 : i32
      %dma_start3A_217 = tpu.memref_slice %arg7[%rem3A_120, %dma_start3A_215, %dma_start3A_216] : memref<3x4x80xi32, #tpu.memory_space<vmem>> -> memref<1x4x80xi32, #tpu.memory_space<vmem>>
      %dma_start3A_218 = tpu.memref_squeeze %dma_start3A_217 : memref<1x4x80xi32, #tpu.memory_space<vmem>> -> memref<4x80xi32, #tpu.memory_space<vmem>>
      %dma_start3A_219 = arith.constant 0 : i32
      %dma_start3A_220 = tpu.memref_slice %dma_start3A_218[%dma_start3A_209, %dma_start3A_219] : memref<4x80xi32, #tpu.memory_space<vmem>> -> memref<1x80xi32, #tpu.memory_space<vmem>>
      %dma_start3A_221 = tpu.memref_squeeze %dma_start3A_220 : memref<1x80xi32, #tpu.memory_space<vmem>> -> memref<80xi32, #tpu.memory_space<vmem>>
      %dma_start3A_222 = arith.constant 0 : i32
      %dma_start3A_223 = arith.constant 0 : i32
      %dma_start3A_224 = tpu.memref_slice %arg2[%dma_start3A_222, %dma_start3A_223] : memref<10000x128xi32, #tpu.memory_space<hbm>> -> memref<10000x128xi32, #tpu.memory_space<hbm>>
      tpu.enqueue_indirect_dma source(%dma_start3A_224 : memref<10000x128xi32, #tpu.memory_space<hbm>>) target(%dma_start3A_214 : memref<80x128xi32, #tpu.memory_space<vmem>>) offsets(%dma_start3A_221 : memref<80xi32, #tpu.memory_space<vmem>>) semaphore(%arg14 : memref<!tpu.dma_semaphore, #tpu.memory_space<semaphore_mem>>)
      %dma_wait3A_225 = arith.constant 0 : i32
      %dma_wait3A_226 = arith.constant 0 : i32
      %dma_wait3A_227 = arith.constant 0 : i32
      %dma_wait3A_228 = arith.constant 0 : i32
      %dma_wait3A_229 = tpu.memref_slice %arg9[%dma_wait3A_226, %dma_wait3A_227, %dma_wait3A_228] : memref<4x80x128xi32, #tpu.memory_space<vmem>> -> memref<1x80x128xi32, #tpu.memory_space<vmem>>
      %dma_wait3A_230 = tpu.memref_squeeze %dma_wait3A_229 : memref<1x80x128xi32, #tpu.memory_space<vmem>> -> memref<80x128xi32, #tpu.memory_space<vmem>>
      %dma_wait3A_231 = arith.constant 0 : i32
      %dma_wait3A_232 = arith.constant 0 : i32
      %dma_wait3A_233 = tpu.memref_slice %arg7[%rem3A_120, %dma_wait3A_231, %dma_wait3A_232] : memref<3x4x80xi32, #tpu.memory_space<vmem>> -> memref<1x4x80xi32, #tpu.memory_space<vmem>>
      %dma_wait3A_234 = tpu.memref_squeeze %dma_wait3A_233 : memref<1x4x80xi32, #tpu.memory_space<vmem>> -> memref<4x80xi32, #tpu.memory_space<vmem>>
      %dma_wait3A_235 = arith.constant 0 : i32
      %dma_wait3A_236 = tpu.memref_slice %dma_wait3A_234[%dma_wait3A_225, %dma_wait3A_235] : memref<4x80xi32, #tpu.memory_space<vmem>> -> memref<1x80xi32, #tpu.memory_space<vmem>>
      %dma_wait3A_237 = tpu.memref_squeeze %dma_wait3A_236 : memref<1x80xi32, #tpu.memory_space<vmem>> -> memref<80xi32, #tpu.memory_space<vmem>>
      %dma_wait3A_238 = arith.constant 0 : i32
      %dma_wait3A_239 = arith.constant 0 : i32
      %dma_wait3A_240 = tpu.memref_slice %arg2[%dma_wait3A_238, %dma_wait3A_239] : memref<10000x128xi32, #tpu.memory_space<hbm>> -> memref<10000x128xi32, #tpu.memory_space<hbm>>
      tpu.wait_indirect_dma semaphore(%arg11 : memref<!tpu.dma_semaphore, #tpu.memory_space<semaphore_mem>>) src(%dma_wait3A_240 : memref<10000x128xi32, #tpu.memory_space<hbm>>) dst(%dma_wait3A_230 : memref<80x128xi32, #tpu.memory_space<vmem>>)
      %dma_start3A_241 = arith.constant 0 : i32
      %dma_start3A_242 = arith.constant 0 : i32
      %dma_start3A_243 = arith.constant 0 : i32
      %dma_start3A_244 = arith.constant 0 : i32
      %dma_start3A_245 = tpu.memref_slice %arg9[%dma_start3A_241, %dma_start3A_243, %dma_start3A_244] : memref<4x80x128xi32, #tpu.memory_space<vmem>> -> memref<1x80x128xi32, #tpu.memory_space<vmem>>
      %dma_start3A_246 = tpu.memref_squeeze %dma_start3A_245 : memref<1x80x128xi32, #tpu.memory_space<vmem>> -> memref<80x128xi32, #tpu.memory_space<vmem>>
      %dma_start3A_247 = arith.constant 0 : i32
      %dma_start3A_248 = arith.constant 0 : i32
      %dma_start3A_249 = tpu.memref_slice %arg8[%rem3A_120, %dma_start3A_247, %dma_start3A_248] : memref<3x4x80xi32, #tpu.memory_space<vmem>> -> memref<1x4x80xi32, #tpu.memory_space<vmem>>
      %dma_start3A_250 = tpu.memref_squeeze %dma_start3A_249 : memref<1x4x80xi32, #tpu.memory_space<vmem>> -> memref<4x80xi32, #tpu.memory_space<vmem>>
      %dma_start3A_251 = arith.constant 0 : i32
      %dma_start3A_252 = tpu.memref_slice %dma_start3A_250[%dma_start3A_242, %dma_start3A_251] : memref<4x80xi32, #tpu.memory_space<vmem>> -> memref<1x80xi32, #tpu.memory_space<vmem>>
      %dma_start3A_253 = tpu.memref_squeeze %dma_start3A_252 : memref<1x80xi32, #tpu.memory_space<vmem>> -> memref<80xi32, #tpu.memory_space<vmem>>
      %dma_start3A_254 = arith.constant 0 : i32
      %dma_start3A_255 = arith.constant 0 : i32
      %dma_start3A_256 = tpu.memref_slice %arg10[%dma_start3A_254, %dma_start3A_255] : memref<10240x128xi32, #tpu.memory_space<vmem_shared>> -> memref<10240x128xi32, #tpu.memory_space<vmem_shared>>
      tpu.enqueue_indirect_dma source(%dma_start3A_246 : memref<80x128xi32, #tpu.memory_space<vmem>>) target(%dma_start3A_256 : memref<10240x128xi32, #tpu.memory_space<vmem_shared>>) offsets(%dma_start3A_253 : memref<80xi32, #tpu.memory_space<vmem>>) semaphore(%arg15 : memref<!tpu.dma_semaphore, #tpu.memory_space<semaphore_mem>>) {add = true}
      %dma_wait3A_257 = arith.constant 1 : i32
      %dma_wait3A_258 = arith.constant 1 : i32
      %dma_wait3A_259 = arith.constant 0 : i32
      %dma_wait3A_260 = arith.constant 0 : i32
      %dma_wait3A_261 = tpu.memref_slice %arg9[%dma_wait3A_258, %dma_wait3A_259, %dma_wait3A_260] : memref<4x80x128xi32, #tpu.memory_space<vmem>> -> memref<1x80x128xi32, #tpu.memory_space<vmem>>
      %dma_wait3A_262 = tpu.memref_squeeze %dma_wait3A_261 : memref<1x80x128xi32, #tpu.memory_space<vmem>> -> memref<80x128xi32, #tpu.memory_space<vmem>>
      %dma_wait3A_263 = arith.constant 0 : i32
      %dma_wait3A_264 = arith.constant 0 : i32
      %dma_wait3A_265 = tpu.memref_slice %arg7[%rem3A_120, %dma_wait3A_263, %dma_wait3A_264] : memref<3x4x80xi32, #tpu.memory_space<vmem>> -> memref<1x4x80xi32, #tpu.memory_space<vmem>>
      %dma_wait3A_266 = tpu.memref_squeeze %dma_wait3A_265 : memref<1x4x80xi32, #tpu.memory_space<vmem>> -> memref<4x80xi32, #tpu.memory_space<vmem>>
      %dma_wait3A_267 = arith.constant 0 : i32
      %dma_wait3A_268 = tpu.memref_slice %dma_wait3A_266[%dma_wait3A_257, %dma_wait3A_267] : memref<4x80xi32, #tpu.memory_space<vmem>> -> memref<1x80xi32, #tpu.memory_space<vmem>>
      %dma_wait3A_269 = tpu.memref_squeeze %dma_wait3A_268 : memref<1x80xi32, #tpu.memory_space<vmem>> -> memref<80xi32, #tpu.memory_space<vmem>>
      %dma_wait3A_270 = arith.constant 0 : i32
      %dma_wait3A_271 = arith.constant 0 : i32
      %dma_wait3A_272 = tpu.memref_slice %arg2[%dma_wait3A_270, %dma_wait3A_271] : memref<10000x128xi32, #tpu.memory_space<hbm>> -> memref<10000x128xi32, #tpu.memory_space<hbm>>
      tpu.wait_indirect_dma semaphore(%arg12 : memref<!tpu.dma_semaphore, #tpu.memory_space<semaphore_mem>>) src(%dma_wait3A_272 : memref<10000x128xi32, #tpu.memory_space<hbm>>) dst(%dma_wait3A_262 : memref<80x128xi32, #tpu.memory_space<vmem>>)
      %dma_start3A_273 = arith.constant 1 : i32
      %dma_start3A_274 = arith.constant 1 : i32
      %dma_start3A_275 = arith.constant 0 : i32
      %dma_start3A_276 = arith.constant 0 : i32
      %dma_start3A_277 = tpu.memref_slice %arg9[%dma_start3A_273, %dma_start3A_275, %dma_start3A_276] : memref<4x80x128xi32, #tpu.memory_space<vmem>> -> memref<1x80x128xi32, #tpu.memory_space<vmem>>
      %dma_start3A_278 = tpu.memref_squeeze %dma_start3A_277 : memref<1x80x128xi32, #tpu.memory_space<vmem>> -> memref<80x128xi32, #tpu.memory_space<vmem>>
      %dma_start3A_279 = arith.constant 0 : i32
      %dma_start3A_280 = arith.constant 0 : i32
      %dma_start3A_281 = tpu.memref_slice %arg8[%rem3A_120, %dma_start3A_279, %dma_start3A_280] : memref<3x4x80xi32, #tpu.memory_space<vmem>> -> memref<1x4x80xi32, #tpu.memory_space<vmem>>
      %dma_start3A_282 = tpu.memref_squeeze %dma_start3A_281 : memref<1x4x80xi32, #tpu.memory_space<vmem>> -> memref<4x80xi32, #tpu.memory_space<vmem>>
      %dma_start3A_283 = arith.constant 0 : i32
      %dma_start3A_284 = tpu.memref_slice %dma_start3A_282[%dma_start3A_274, %dma_start3A_283] : memref<4x80xi32, #tpu.memory_space<vmem>> -> memref<1x80xi32, #tpu.memory_space<vmem>>
      %dma_start3A_285 = tpu.memref_squeeze %dma_start3A_284 : memref<1x80xi32, #tpu.memory_space<vmem>> -> memref<80xi32, #tpu.memory_space<vmem>>
      %dma_start3A_286 = arith.constant 0 : i32
      %dma_start3A_287 = arith.constant 0 : i32
      %dma_start3A_288 = tpu.memref_slice %arg10[%dma_start3A_286, %dma_start3A_287] : memref<10240x128xi32, #tpu.memory_space<vmem_shared>> -> memref<10240x128xi32, #tpu.memory_space<vmem_shared>>
      tpu.enqueue_indirect_dma source(%dma_start3A_278 : memref<80x128xi32, #tpu.memory_space<vmem>>) target(%dma_start3A_288 : memref<10240x128xi32, #tpu.memory_space<vmem_shared>>) offsets(%dma_start3A_285 : memref<80xi32, #tpu.memory_space<vmem>>) semaphore(%arg15 : memref<!tpu.dma_semaphore, #tpu.memory_space<semaphore_mem>>) {add = true}
      %dma_wait3A_289 = arith.constant 2 : i32
      %dma_wait3A_290 = arith.constant 2 : i32
      %dma_wait3A_291 = arith.constant 0 : i32
      %dma_wait3A_292 = arith.constant 0 : i32
      %dma_wait3A_293 = tpu.memref_slice %arg9[%dma_wait3A_290, %dma_wait3A_291, %dma_wait3A_292] : memref<4x80x128xi32, #tpu.memory_space<vmem>> -> memref<1x80x128xi32, #tpu.memory_space<vmem>>
      %dma_wait3A_294 = tpu.memref_squeeze %dma_wait3A_293 : memref<1x80x128xi32, #tpu.memory_space<vmem>> -> memref<80x128xi32, #tpu.memory_space<vmem>>
      %dma_wait3A_295 = arith.constant 0 : i32
      %dma_wait3A_296 = arith.constant 0 : i32
      %dma_wait3A_297 = tpu.memref_slice %arg7[%rem3A_120, %dma_wait3A_295, %dma_wait3A_296] : memref<3x4x80xi32, #tpu.memory_space<vmem>> -> memref<1x4x80xi32, #tpu.memory_space<vmem>>
      %dma_wait3A_298 = tpu.memref_squeeze %dma_wait3A_297 : memref<1x4x80xi32, #tpu.memory_space<vmem>> -> memref<4x80xi32, #tpu.memory_space<vmem>>
      %dma_wait3A_299 = arith.constant 0 : i32
      %dma_wait3A_300 = tpu.memref_slice %dma_wait3A_298[%dma_wait3A_289, %dma_wait3A_299] : memref<4x80xi32, #tpu.memory_space<vmem>> -> memref<1x80xi32, #tpu.memory_space<vmem>>
      %dma_wait3A_301 = tpu.memref_squeeze %dma_wait3A_300 : memref<1x80xi32, #tpu.memory_space<vmem>> -> memref<80xi32, #tpu.memory_space<vmem>>
      %dma_wait3A_302 = arith.constant 0 : i32
      %dma_wait3A_303 = arith.constant 0 : i32
      %dma_wait3A_304 = tpu.memref_slice %arg2[%dma_wait3A_302, %dma_wait3A_303] : memref<10000x128xi32, #tpu.memory_space<hbm>> -> memref<10000x128xi32, #tpu.memory_space<hbm>>
      tpu.wait_indirect_dma semaphore(%arg13 : memref<!tpu.dma_semaphore, #tpu.memory_space<semaphore_mem>>) src(%dma_wait3A_304 : memref<10000x128xi32, #tpu.memory_space<hbm>>) dst(%dma_wait3A_294 : memref<80x128xi32, #tpu.memory_space<vmem>>)
      %dma_start3A_305 = arith.constant 2 : i32
      %dma_start3A_306 = arith.constant 2 : i32
      %dma_start3A_307 = arith.constant 0 : i32
      %dma_start3A_308 = arith.constant 0 : i32
      %dma_start3A_309 = tpu.memref_slice %arg9[%dma_start3A_305, %dma_start3A_307, %dma_start3A_308] : memref<4x80x128xi32, #tpu.memory_space<vmem>> -> memref<1x80x128xi32, #tpu.memory_space<vmem>>
      %dma_start3A_310 = tpu.memref_squeeze %dma_start3A_309 : memref<1x80x128xi32, #tpu.memory_space<vmem>> -> memref<80x128xi32, #tpu.memory_space<vmem>>
      %dma_start3A_311 = arith.constant 0 : i32
      %dma_start3A_312 = arith.constant 0 : i32
      %dma_start3A_313 = tpu.memref_slice %arg8[%rem3A_120, %dma_start3A_311, %dma_start3A_312] : memref<3x4x80xi32, #tpu.memory_space<vmem>> -> memref<1x4x80xi32, #tpu.memory_space<vmem>>
      %dma_start3A_314 = tpu.memref_squeeze %dma_start3A_313 : memref<1x4x80xi32, #tpu.memory_space<vmem>> -> memref<4x80xi32, #tpu.memory_space<vmem>>
      %dma_start3A_315 = arith.constant 0 : i32
      %dma_start3A_316 = tpu.memref_slice %dma_start3A_314[%dma_start3A_306, %dma_start3A_315] : memref<4x80xi32, #tpu.memory_space<vmem>> -> memref<1x80xi32, #tpu.memory_space<vmem>>
      %dma_start3A_317 = tpu.memref_squeeze %dma_start3A_316 : memref<1x80xi32, #tpu.memory_space<vmem>> -> memref<80xi32, #tpu.memory_space<vmem>>
      %dma_start3A_318 = arith.constant 0 : i32
      %dma_start3A_319 = arith.constant 0 : i32
      %dma_start3A_320 = tpu.memref_slice %arg10[%dma_start3A_318, %dma_start3A_319] : memref<10240x128xi32, #tpu.memory_space<vmem_shared>> -> memref<10240x128xi32, #tpu.memory_space<vmem_shared>>
      tpu.enqueue_indirect_dma source(%dma_start3A_310 : memref<80x128xi32, #tpu.memory_space<vmem>>) target(%dma_start3A_320 : memref<10240x128xi32, #tpu.memory_space<vmem_shared>>) offsets(%dma_start3A_317 : memref<80xi32, #tpu.memory_space<vmem>>) semaphore(%arg15 : memref<!tpu.dma_semaphore, #tpu.memory_space<semaphore_mem>>) {add = true}
      %dma_wait3A_321 = arith.constant 3 : i32
      %dma_wait3A_322 = arith.constant 3 : i32
      %dma_wait3A_323 = arith.constant 0 : i32
      %dma_wait3A_324 = arith.constant 0 : i32
      %dma_wait3A_325 = tpu.memref_slice %arg9[%dma_wait3A_322, %dma_wait3A_323, %dma_wait3A_324] : memref<4x80x128xi32, #tpu.memory_space<vmem>> -> memref<1x80x128xi32, #tpu.memory_space<vmem>>
      %dma_wait3A_326 = tpu.memref_squeeze %dma_wait3A_325 : memref<1x80x128xi32, #tpu.memory_space<vmem>> -> memref<80x128xi32, #tpu.memory_space<vmem>>
      %dma_wait3A_327 = arith.constant 0 : i32
      %dma_wait3A_328 = arith.constant 0 : i32
      %dma_wait3A_329 = tpu.memref_slice %arg7[%rem3A_120, %dma_wait3A_327, %dma_wait3A_328] : memref<3x4x80xi32, #tpu.memory_space<vmem>> -> memref<1x4x80xi32, #tpu.memory_space<vmem>>
      %dma_wait3A_330 = tpu.memref_squeeze %dma_wait3A_329 : memref<1x4x80xi32, #tpu.memory_space<vmem>> -> memref<4x80xi32, #tpu.memory_space<vmem>>
      %dma_wait3A_331 = arith.constant 0 : i32
      %dma_wait3A_332 = tpu.memref_slice %dma_wait3A_330[%dma_wait3A_321, %dma_wait3A_331] : memref<4x80xi32, #tpu.memory_space<vmem>> -> memref<1x80xi32, #tpu.memory_space<vmem>>
      %dma_wait3A_333 = tpu.memref_squeeze %dma_wait3A_332 : memref<1x80xi32, #tpu.memory_space<vmem>> -> memref<80xi32, #tpu.memory_space<vmem>>
      %dma_wait3A_334 = arith.constant 0 : i32
      %dma_wait3A_335 = arith.constant 0 : i32
      %dma_wait3A_336 = tpu.memref_slice %arg2[%dma_wait3A_334, %dma_wait3A_335] : memref<10000x128xi32, #tpu.memory_space<hbm>> -> memref<10000x128xi32, #tpu.memory_space<hbm>>
      tpu.wait_indirect_dma semaphore(%arg14 : memref<!tpu.dma_semaphore, #tpu.memory_space<semaphore_mem>>) src(%dma_wait3A_336 : memref<10000x128xi32, #tpu.memory_space<hbm>>) dst(%dma_wait3A_326 : memref<80x128xi32, #tpu.memory_space<vmem>>)
      %dma_start3A_337 = arith.constant 3 : i32
      %dma_start3A_338 = arith.constant 3 : i32
      %dma_start3A_339 = arith.constant 0 : i32
      %dma_start3A_340 = arith.constant 0 : i32
      %dma_start3A_341 = tpu.memref_slice %arg9[%dma_start3A_337, %dma_start3A_339, %dma_start3A_340] : memref<4x80x128xi32, #tpu.memory_space<vmem>> -> memref<1x80x128xi32, #tpu.memory_space<vmem>>
      %dma_start3A_342 = tpu.memref_squeeze %dma_start3A_341 : memref<1x80x128xi32, #tpu.memory_space<vmem>> -> memref<80x128xi32, #tpu.memory_space<vmem>>
      %dma_start3A_343 = arith.constant 0 : i32
      %dma_start3A_344 = arith.constant 0 : i32
      %dma_start3A_345 = tpu.memref_slice %arg8[%rem3A_120, %dma_start3A_343, %dma_start3A_344] : memref<3x4x80xi32, #tpu.memory_space<vmem>> -> memref<1x4x80xi32, #tpu.memory_space<vmem>>
      %dma_start3A_346 = tpu.memref_squeeze %dma_start3A_345 : memref<1x4x80xi32, #tpu.memory_space<vmem>> -> memref<4x80xi32, #tpu.memory_space<vmem>>
      %dma_start3A_347 = arith.constant 0 : i32
      %dma_start3A_348 = tpu.memref_slice %dma_start3A_346[%dma_start3A_338, %dma_start3A_347] : memref<4x80xi32, #tpu.memory_space<vmem>> -> memref<1x80xi32, #tpu.memory_space<vmem>>
      %dma_start3A_349 = tpu.memref_squeeze %dma_start3A_348 : memref<1x80xi32, #tpu.memory_space<vmem>> -> memref<80xi32, #tpu.memory_space<vmem>>
      %dma_start3A_350 = arith.constant 0 : i32
      %dma_start3A_351 = arith.constant 0 : i32
      %dma_start3A_352 = tpu.memref_slice %arg10[%dma_start3A_350, %dma_start3A_351] : memref<10240x128xi32, #tpu.memory_space<vmem_shared>> -> memref<10240x128xi32, #tpu.memory_space<vmem_shared>>
      tpu.enqueue_indirect_dma source(%dma_start3A_342 : memref<80x128xi32, #tpu.memory_space<vmem>>) target(%dma_start3A_352 : memref<10240x128xi32, #tpu.memory_space<vmem_shared>>) offsets(%dma_start3A_349 : memref<80xi32, #tpu.memory_space<vmem>>) semaphore(%arg15 : memref<!tpu.dma_semaphore, #tpu.memory_space<semaphore_mem>>) {add = true}
    }
    %while3A_54 = arith.constant 1 : i32
    scf.for %while3A_119 = %while3A_52 to %while3A_48 step %while3A_54  : i32 {
      %rem3A = arith.constant 3 : i32
      %rem3A_120 = arith.remsi %while3A_119, %rem3A : i32
      %dma_wait3A_121 = arith.constant 0 : i32
      %dma_wait3A_122 = arith.constant 0 : i32
      %dma_wait3A_123 = tpu.memref_slice %arg7[%rem3A_120, %dma_wait3A_121, %dma_wait3A_122] : memref<3x4x80xi32, #tpu.memory_space<vmem>> -> memref<1x4x80xi32, #tpu.memory_space<vmem>>
      %dma_wait3A_124 = tpu.memref_squeeze %dma_wait3A_123 : memref<1x4x80xi32, #tpu.memory_space<vmem>> -> memref<4x80xi32, #tpu.memory_space<vmem>>
      %dma_wait3A_125 = arith.constant 0 : i32
      %dma_wait3A_126 = arith.constant 0 : i32
      %dma_wait3A_127 = tpu.memref_slice %arg3[%add3A_12, %dma_wait3A_125, %dma_wait3A_126] : memref<1000x4x80xi32, #tpu.memory_space<hbm>> -> memref<1x4x80xi32, #tpu.memory_space<hbm>>
      %dma_wait3A_128 = tpu.memref_squeeze %dma_wait3A_127 : memref<1x4x80xi32, #tpu.memory_space<hbm>> -> memref<4x80xi32, #tpu.memory_space<hbm>>
      %dma_wait3A_129 = arith.constant 0 : i32
      %dma_wait3A_130 = arith.constant 0 : i32
      %dma_wait3A_131 = tpu.memref_slice %arg7[%rem3A_120, %dma_wait3A_129, %dma_wait3A_130] : memref<3x4x80xi32, #tpu.memory_space<vmem>> -> memref<1x4x80xi32, #tpu.memory_space<vmem>>
      %dma_wait3A_132 = tpu.memref_squeeze %dma_wait3A_131 : memref<1x4x80xi32, #tpu.memory_space<vmem>> -> memref<4x80xi32, #tpu.memory_space<vmem>>
      %dma_wait3A_133 = arith.constant 0 : i32
      %dma_wait3A_134 = arith.constant 0 : i32
      %dma_wait3A_135 = tpu.memref_slice %arg3[%add3A_12, %dma_wait3A_133, %dma_wait3A_134] : memref<1000x4x80xi32, #tpu.memory_space<hbm>> -> memref<1x4x80xi32, #tpu.memory_space<hbm>>
      %dma_wait3A_136 = tpu.memref_squeeze %dma_wait3A_135 : memref<1x4x80xi32, #tpu.memory_space<hbm>> -> memref<4x80xi32, #tpu.memory_space<hbm>>
      tpu.wait_dma2 semaphore(%arg16 : memref<!tpu.dma_semaphore, #tpu.memory_space<semaphore_mem>>) src(%dma_wait3A_136 : memref<4x80xi32, #tpu.memory_space<hbm>>) dst(%dma_wait3A_132 : memref<4x80xi32, #tpu.memory_space<vmem>>)
      %dma_wait3A_137 = arith.constant 0 : i32
      %dma_wait3A_138 = arith.constant 0 : i32
      %dma_wait3A_139 = tpu.memref_slice %arg8[%rem3A_120, %dma_wait3A_137, %dma_wait3A_138] : memref<3x4x80xi32, #tpu.memory_space<vmem>> -> memref<1x4x80xi32, #tpu.memory_space<vmem>>
      %dma_wait3A_140 = tpu.memref_squeeze %dma_wait3A_139 : memref<1x4x80xi32, #tpu.memory_space<vmem>> -> memref<4x80xi32, #tpu.memory_space<vmem>>
      %dma_wait3A_141 = arith.constant 0 : i32
      %dma_wait3A_142 = arith.constant 0 : i32
      %dma_wait3A_143 = tpu.memref_slice %arg4[%add3A_12, %dma_wait3A_141, %dma_wait3A_142] : memref<1000x4x80xi32, #tpu.memory_space<hbm>> -> memref<1x4x80xi32, #tpu.memory_space<hbm>>
      %dma_wait3A_144 = tpu.memref_squeeze %dma_wait3A_143 : memref<1x4x80xi32, #tpu.memory_space<hbm>> -> memref<4x80xi32, #tpu.memory_space<hbm>>
      %dma_wait3A_145 = arith.constant 0 : i32
      %dma_wait3A_146 = arith.constant 0 : i32
      %dma_wait3A_147 = tpu.memref_slice %arg8[%rem3A_120, %dma_wait3A_145, %dma_wait3A_146] : memref<3x4x80xi32, #tpu.memory_space<vmem>> -> memref<1x4x80xi32, #tpu.memory_space<vmem>>
      %dma_wait3A_148 = tpu.memref_squeeze %dma_wait3A_147 : memref<1x4x80xi32, #tpu.memory_space<vmem>> -> memref<4x80xi32, #tpu.memory_space<vmem>>
      %dma_wait3A_149 = arith.constant 0 : i32
      %dma_wait3A_150 = arith.constant 0 : i32
      %dma_wait3A_151 = tpu.memref_slice %arg4[%add3A_12, %dma_wait3A_149, %dma_wait3A_150] : memref<1000x4x80xi32, #tpu.memory_space<hbm>> -> memref<1x4x80xi32, #tpu.memory_space<hbm>>
      %dma_wait3A_152 = tpu.memref_squeeze %dma_wait3A_151 : memref<1x4x80xi32, #tpu.memory_space<hbm>> -> memref<4x80xi32, #tpu.memory_space<hbm>>
      tpu.wait_dma2 semaphore(%arg16 : memref<!tpu.dma_semaphore, #tpu.memory_space<semaphore_mem>>) src(%dma_wait3A_152 : memref<4x80xi32, #tpu.memory_space<hbm>>) dst(%dma_wait3A_148 : memref<4x80xi32, #tpu.memory_space<vmem>>)
      %add3A_153 = arith.constant 1 : i32
      %add3A_154 = arith.addi %while3A_119, %add3A_153 : i32
      %lt3A_155 = arith.cmpi slt, %add3A_154, %add3A_8 : i32
      %convert_element_type3A = arith.extui %lt3A_155 : i1 to i32
      %cond3A = arith.constant 0 : i32
      %cond3A_156 = arith.cmpi ne, %convert_element_type3A, %cond3A : i32
      scf.if %cond3A_156 {
        %add3A_353 = arith.constant 1 : i32
        %add3A_354 = arith.addi %while3A_119, %add3A_353 : i32
        %rem3A_355 = arith.constant 3 : i32
        %rem3A_356 = arith.remsi %add3A_354, %rem3A_355 : i32
        %add3A_357 = arith.addi %add3A_12, %while3A_119 : i32
        %add3A_358 = arith.constant 1 : i32
        %add3A_359 = arith.addi %add3A_357, %add3A_358 : i32
        %dma_start3A_360 = arith.constant 0 : i32
        %dma_start3A_361 = arith.constant 0 : i32
        %dma_start3A_362 = tpu.memref_slice %arg7[%rem3A_356, %dma_start3A_360, %dma_start3A_361] : memref<3x4x80xi32, #tpu.memory_space<vmem>> -> memref<1x4x80xi32, #tpu.memory_space<vmem>>
        %dma_start3A_363 = tpu.memref_squeeze %dma_start3A_362 : memref<1x4x80xi32, #tpu.memory_space<vmem>> -> memref<4x80xi32, #tpu.memory_space<vmem>>
        %dma_start3A_364 = arith.constant 0 : i32
        %dma_start3A_365 = arith.constant 0 : i32
        %dma_start3A_366 = tpu.memref_slice %arg3[%add3A_359, %dma_start3A_364, %dma_start3A_365] : memref<1000x4x80xi32, #tpu.memory_space<hbm>> -> memref<1x4x80xi32, #tpu.memory_space<hbm>>
        %dma_start3A_367 = tpu.memref_squeeze %dma_start3A_366 : memref<1x4x80xi32, #tpu.memory_space<hbm>> -> memref<4x80xi32, #tpu.memory_space<hbm>>
        %dma_start3A_368 = arith.constant 0 : i32
        %dma_start3A_369 = arith.constant 0 : i32
        %dma_start3A_370 = tpu.memref_slice %arg7[%rem3A_356, %dma_start3A_368, %dma_start3A_369] : memref<3x4x80xi32, #tpu.memory_space<vmem>> -> memref<1x4x80xi32, #tpu.memory_space<vmem>>
        %dma_start3A_371 = tpu.memref_squeeze %dma_start3A_370 : memref<1x4x80xi32, #tpu.memory_space<vmem>> -> memref<4x80xi32, #tpu.memory_space<vmem>>
        %dma_start3A_372 = arith.constant 0 : i32
        %dma_start3A_373 = arith.constant 0 : i32
        %dma_start3A_374 = tpu.memref_slice %arg3[%add3A_359, %dma_start3A_372, %dma_start3A_373] : memref<1000x4x80xi32, #tpu.memory_space<hbm>> -> memref<1x4x80xi32, #tpu.memory_space<hbm>>
        %dma_start3A_375 = tpu.memref_squeeze %dma_start3A_374 : memref<1x4x80xi32, #tpu.memory_space<hbm>> -> memref<4x80xi32, #tpu.memory_space<hbm>>
        tpu.enqueue_dma source(%dma_start3A_375 : memref<4x80xi32, #tpu.memory_space<hbm>>) target(%dma_start3A_371 : memref<4x80xi32, #tpu.memory_space<vmem>>) target_semaphore(%arg16 : memref<!tpu.dma_semaphore, #tpu.memory_space<semaphore_mem>>)
        %add3A_376 = arith.addi %add3A_12, %while3A_119 : i32
        %add3A_377 = arith.constant 1 : i32
        %add3A_378 = arith.addi %add3A_376, %add3A_377 : i32
        %dma_start3A_379 = arith.constant 0 : i32
        %dma_start3A_380 = arith.constant 0 : i32
        %dma_start3A_381 = tpu.memref_slice %arg8[%rem3A_356, %dma_start3A_379, %dma_start3A_380] : memref<3x4x80xi32, #tpu.memory_space<vmem>> -> memref<1x4x80xi32, #tpu.memory_space<vmem>>
        %dma_start3A_382 = tpu.memref_squeeze %dma_start3A_381 : memref<1x4x80xi32, #tpu.memory_space<vmem>> -> memref<4x80xi32, #tpu.memory_space<vmem>>
        %dma_start3A_383 = arith.constant 0 : i32
        %dma_start3A_384 = arith.constant 0 : i32
        %dma_start3A_385 = tpu.memref_slice %arg4[%add3A_378, %dma_start3A_383, %dma_start3A_384] : memref<1000x4x80xi32, #tpu.memory_space<hbm>> -> memref<1x4x80xi32, #tpu.memory_space<hbm>>
        %dma_start3A_386 = tpu.memref_squeeze %dma_start3A_385 : memref<1x4x80xi32, #tpu.memory_space<hbm>> -> memref<4x80xi32, #tpu.memory_space<hbm>>
        %dma_start3A_387 = arith.constant 0 : i32
        %dma_start3A_388 = arith.constant 0 : i32
        %dma_start3A_389 = tpu.memref_slice %arg8[%rem3A_356, %dma_start3A_387, %dma_start3A_388] : memref<3x4x80xi32, #tpu.memory_space<vmem>> -> memref<1x4x80xi32, #tpu.memory_space<vmem>>
        %dma_start3A_390 = tpu.memref_squeeze %dma_start3A_389 : memref<1x4x80xi32, #tpu.memory_space<vmem>> -> memref<4x80xi32, #tpu.memory_space<vmem>>
        %dma_start3A_391 = arith.constant 0 : i32
        %dma_start3A_392 = arith.constant 0 : i32
        %dma_start3A_393 = tpu.memref_slice %arg4[%add3A_378, %dma_start3A_391, %dma_start3A_392] : memref<1000x4x80xi32, #tpu.memory_space<hbm>> -> memref<1x4x80xi32, #tpu.memory_space<hbm>>
        %dma_start3A_394 = tpu.memref_squeeze %dma_start3A_393 : memref<1x4x80xi32, #tpu.memory_space<hbm>> -> memref<4x80xi32, #tpu.memory_space<hbm>>
        tpu.enqueue_dma source(%dma_start3A_394 : memref<4x80xi32, #tpu.memory_space<hbm>>) target(%dma_start3A_390 : memref<4x80xi32, #tpu.memory_space<vmem>>) target_semaphore(%arg16 : memref<!tpu.dma_semaphore, #tpu.memory_space<semaphore_mem>>)
      } else {
      }
      %gt3A = arith.constant 0 : i32
      %gt3A_157 = arith.cmpi sgt, %while3A_119, %gt3A : i32
      %convert_element_type3A_158 = arith.extui %gt3A_157 : i1 to i32
      %cond3A_159 = arith.constant 0 : i32
      %cond3A_160 = arith.cmpi ne, %convert_element_type3A_158, %cond3A_159 : i32
      scf.if %cond3A_160 {
        %dma_wait3A_353 = arith.constant 0 : i32
        %dma_wait3A_354 = arith.constant 0 : i32
        %dma_wait3A_355 = arith.constant 0 : i32
        %dma_wait3A_356 = tpu.memref_slice %arg9[%dma_wait3A_353, %dma_wait3A_354, %dma_wait3A_355] : memref<4x80x128xi32, #tpu.memory_space<vmem>> -> memref<1x80x128xi32, #tpu.memory_space<vmem>>
        %dma_wait3A_357 = tpu.memref_squeeze %dma_wait3A_356 : memref<1x80x128xi32, #tpu.memory_space<vmem>> -> memref<80x128xi32, #tpu.memory_space<vmem>>
        %dma_wait3A_358 = arith.constant 0 : i32
        %dma_wait3A_359 = arith.constant 0 : i32
        %dma_wait3A_360 = tpu.memref_slice %arg5[%dma_wait3A_358, %dma_wait3A_359] : memref<10240x128xi32, #tpu.memory_space<hbm>> -> memref<80x128xi32, #tpu.memory_space<hbm>>
        %dma_wait3A_361 = arith.constant 0 : i32
        %dma_wait3A_362 = arith.constant 0 : i32
        %dma_wait3A_363 = tpu.memref_slice %arg9[%dma_wait3A_353, %dma_wait3A_361, %dma_wait3A_362] : memref<4x80x128xi32, #tpu.memory_space<vmem>> -> memref<1x80x128xi32, #tpu.memory_space<vmem>>
        %dma_wait3A_364 = tpu.memref_squeeze %dma_wait3A_363 : memref<1x80x128xi32, #tpu.memory_space<vmem>> -> memref<80x128xi32, #tpu.memory_space<vmem>>
        %dma_wait3A_365 = arith.constant 0 : i32
        %dma_wait3A_366 = arith.constant 0 : i32
        %dma_wait3A_367 = tpu.memref_slice %arg5[%dma_wait3A_365, %dma_wait3A_366] : memref<10240x128xi32, #tpu.memory_space<hbm>> -> memref<80x128xi32, #tpu.memory_space<hbm>>
        tpu.wait_dma2 semaphore(%arg15 : memref<!tpu.dma_semaphore, #tpu.memory_space<semaphore_mem>>) src(%dma_wait3A_367 : memref<80x128xi32, #tpu.memory_space<hbm>>) dst(%dma_wait3A_364 : memref<80x128xi32, #tpu.memory_space<vmem>>)
        %dma_wait3A_368 = arith.constant 1 : i32
        %dma_wait3A_369 = arith.constant 0 : i32
        %dma_wait3A_370 = arith.constant 0 : i32
        %dma_wait3A_371 = tpu.memref_slice %arg9[%dma_wait3A_368, %dma_wait3A_369, %dma_wait3A_370] : memref<4x80x128xi32, #tpu.memory_space<vmem>> -> memref<1x80x128xi32, #tpu.memory_space<vmem>>
        %dma_wait3A_372 = tpu.memref_squeeze %dma_wait3A_371 : memref<1x80x128xi32, #tpu.memory_space<vmem>> -> memref<80x128xi32, #tpu.memory_space<vmem>>
        %dma_wait3A_373 = arith.constant 0 : i32
        %dma_wait3A_374 = arith.constant 0 : i32
        %dma_wait3A_375 = tpu.memref_slice %arg5[%dma_wait3A_373, %dma_wait3A_374] : memref<10240x128xi32, #tpu.memory_space<hbm>> -> memref<80x128xi32, #tpu.memory_space<hbm>>
        %dma_wait3A_376 = arith.constant 0 : i32
        %dma_wait3A_377 = arith.constant 0 : i32
        %dma_wait3A_378 = tpu.memref_slice %arg9[%dma_wait3A_368, %dma_wait3A_376, %dma_wait3A_377] : memref<4x80x128xi32, #tpu.memory_space<vmem>> -> memref<1x80x128xi32, #tpu.memory_space<vmem>>
        %dma_wait3A_379 = tpu.memref_squeeze %dma_wait3A_378 : memref<1x80x128xi32, #tpu.memory_space<vmem>> -> memref<80x128xi32, #tpu.memory_space<vmem>>
        %dma_wait3A_380 = arith.constant 0 : i32
        %dma_wait3A_381 = arith.constant 0 : i32
        %dma_wait3A_382 = tpu.memref_slice %arg5[%dma_wait3A_380, %dma_wait3A_381] : memref<10240x128xi32, #tpu.memory_space<hbm>> -> memref<80x128xi32, #tpu.memory_space<hbm>>
        tpu.wait_dma2 semaphore(%arg15 : memref<!tpu.dma_semaphore, #tpu.memory_space<semaphore_mem>>) src(%dma_wait3A_382 : memref<80x128xi32, #tpu.memory_space<hbm>>) dst(%dma_wait3A_379 : memref<80x128xi32, #tpu.memory_space<vmem>>)
        %dma_wait3A_383 = arith.constant 2 : i32
        %dma_wait3A_384 = arith.constant 0 : i32
        %dma_wait3A_385 = arith.constant 0 : i32
        %dma_wait3A_386 = tpu.memref_slice %arg9[%dma_wait3A_383, %dma_wait3A_384, %dma_wait3A_385] : memref<4x80x128xi32, #tpu.memory_space<vmem>> -> memref<1x80x128xi32, #tpu.memory_space<vmem>>
        %dma_wait3A_387 = tpu.memref_squeeze %dma_wait3A_386 : memref<1x80x128xi32, #tpu.memory_space<vmem>> -> memref<80x128xi32, #tpu.memory_space<vmem>>
        %dma_wait3A_388 = arith.constant 0 : i32
        %dma_wait3A_389 = arith.constant 0 : i32
        %dma_wait3A_390 = tpu.memref_slice %arg5[%dma_wait3A_388, %dma_wait3A_389] : memref<10240x128xi32, #tpu.memory_space<hbm>> -> memref<80x128xi32, #tpu.memory_space<hbm>>
        %dma_wait3A_391 = arith.constant 0 : i32
        %dma_wait3A_392 = arith.constant 0 : i32
        %dma_wait3A_393 = tpu.memref_slice %arg9[%dma_wait3A_383, %dma_wait3A_391, %dma_wait3A_392] : memref<4x80x128xi32, #tpu.memory_space<vmem>> -> memref<1x80x128xi32, #tpu.memory_space<vmem>>
        %dma_wait3A_394 = tpu.memref_squeeze %dma_wait3A_393 : memref<1x80x128xi32, #tpu.memory_space<vmem>> -> memref<80x128xi32, #tpu.memory_space<vmem>>
        %dma_wait3A_395 = arith.constant 0 : i32
        %dma_wait3A_396 = arith.constant 0 : i32
        %dma_wait3A_397 = tpu.memref_slice %arg5[%dma_wait3A_395, %dma_wait3A_396] : memref<10240x128xi32, #tpu.memory_space<hbm>> -> memref<80x128xi32, #tpu.memory_space<hbm>>
        tpu.wait_dma2 semaphore(%arg15 : memref<!tpu.dma_semaphore, #tpu.memory_space<semaphore_mem>>) src(%dma_wait3A_397 : memref<80x128xi32, #tpu.memory_space<hbm>>) dst(%dma_wait3A_394 : memref<80x128xi32, #tpu.memory_space<vmem>>)
        %dma_wait3A_398 = arith.constant 3 : i32
        %dma_wait3A_399 = arith.constant 0 : i32
        %dma_wait3A_400 = arith.constant 0 : i32
        %dma_wait3A_401 = tpu.memref_slice %arg9[%dma_wait3A_398, %dma_wait3A_399, %dma_wait3A_400] : memref<4x80x128xi32, #tpu.memory_space<vmem>> -> memref<1x80x128xi32, #tpu.memory_space<vmem>>
        %dma_wait3A_402 = tpu.memref_squeeze %dma_wait3A_401 : memref<1x80x128xi32, #tpu.memory_space<vmem>> -> memref<80x128xi32, #tpu.memory_space<vmem>>
        %dma_wait3A_403 = arith.constant 0 : i32
        %dma_wait3A_404 = arith.constant 0 : i32
        %dma_wait3A_405 = tpu.memref_slice %arg5[%dma_wait3A_403, %dma_wait3A_404] : memref<10240x128xi32, #tpu.memory_space<hbm>> -> memref<80x128xi32, #tpu.memory_space<hbm>>
        %dma_wait3A_406 = arith.constant 0 : i32
        %dma_wait3A_407 = arith.constant 0 : i32
        %dma_wait3A_408 = tpu.memref_slice %arg9[%dma_wait3A_398, %dma_wait3A_406, %dma_wait3A_407] : memref<4x80x128xi32, #tpu.memory_space<vmem>> -> memref<1x80x128xi32, #tpu.memory_space<vmem>>
        %dma_wait3A_409 = tpu.memref_squeeze %dma_wait3A_408 : memref<1x80x128xi32, #tpu.memory_space<vmem>> -> memref<80x128xi32, #tpu.memory_space<vmem>>
        %dma_wait3A_410 = arith.constant 0 : i32
        %dma_wait3A_411 = arith.constant 0 : i32
        %dma_wait3A_412 = tpu.memref_slice %arg5[%dma_wait3A_410, %dma_wait3A_411] : memref<10240x128xi32, #tpu.memory_space<hbm>> -> memref<80x128xi32, #tpu.memory_space<hbm>>
        tpu.wait_dma2 semaphore(%arg15 : memref<!tpu.dma_semaphore, #tpu.memory_space<semaphore_mem>>) src(%dma_wait3A_412 : memref<80x128xi32, #tpu.memory_space<hbm>>) dst(%dma_wait3A_409 : memref<80x128xi32, #tpu.memory_space<vmem>>)
      } else {
      }
      %dma_start3A_161 = arith.constant 0 : i32
      %dma_start3A_162 = arith.constant 0 : i32
      %dma_start3A_163 = arith.constant 0 : i32
      %dma_start3A_164 = arith.constant 0 : i32
      %dma_start3A_165 = tpu.memref_slice %arg9[%dma_start3A_162, %dma_start3A_163, %dma_start3A_164] : memref<4x80x128xi32, #tpu.memory_space<vmem>> -> memref<1x80x128xi32, #tpu.memory_space<vmem>>
      %dma_start3A_166 = tpu.memref_squeeze %dma_start3A_165 : memref<1x80x128xi32, #tpu.memory_space<vmem>> -> memref<80x128xi32, #tpu.memory_space<vmem>>
      %dma_start3A_167 = arith.constant 0 : i32
      %dma_start3A_168 = arith.constant 0 : i32
      %dma_start3A_169 = tpu.memref_slice %arg7[%rem3A_120, %dma_start3A_167, %dma_start3A_168] : memref<3x4x80xi32, #tpu.memory_space<vmem>> -> memref<1x4x80xi32, #tpu.memory_space<vmem>>
      %dma_start3A_170 = tpu.memref_squeeze %dma_start3A_169 : memref<1x4x80xi32, #tpu.memory_space<vmem>> -> memref<4x80xi32, #tpu.memory_space<vmem>>
      %dma_start3A_171 = arith.constant 0 : i32
      %dma_start3A_172 = tpu.memref_slice %dma_start3A_170[%dma_start3A_161, %dma_start3A_171] : memref<4x80xi32, #tpu.memory_space<vmem>> -> memref<1x80xi32, #tpu.memory_space<vmem>>
      %dma_start3A_173 = tpu.memref_squeeze %dma_start3A_172 : memref<1x80xi32, #tpu.memory_space<vmem>> -> memref<80xi32, #tpu.memory_space<vmem>>
      %dma_start3A_174 = arith.constant 0 : i32
      %dma_start3A_175 = arith.constant 0 : i32
      %dma_start3A_176 = tpu.memref_slice %arg2[%dma_start3A_174, %dma_start3A_175] : memref<10000x128xi32, #tpu.memory_space<hbm>> -> memref<10000x128xi32, #tpu.memory_space<hbm>>
      tpu.enqueue_indirect_dma source(%dma_start3A_176 : memref<10000x128xi32, #tpu.memory_space<hbm>>) target(%dma_start3A_166 : memref<80x128xi32, #tpu.memory_space<vmem>>) offsets(%dma_start3A_173 : memref<80xi32, #tpu.memory_space<vmem>>) semaphore(%arg11 : memref<!tpu.dma_semaphore, #tpu.memory_space<semaphore_mem>>)
      %dma_start3A_177 = arith.constant 1 : i32
      %dma_start3A_178 = arith.constant 1 : i32
      %dma_start3A_179 = arith.constant 0 : i32
      %dma_start3A_180 = arith.constant 0 : i32
      %dma_start3A_181 = tpu.memref_slice %arg9[%dma_start3A_178, %dma_start3A_179, %dma_start3A_180] : memref<4x80x128xi32, #tpu.memory_space<vmem>> -> memref<1x80x128xi32, #tpu.memory_space<vmem>>
      %dma_start3A_182 = tpu.memref_squeeze %dma_start3A_181 : memref<1x80x128xi32, #tpu.memory_space<vmem>> -> memref<80x128xi32, #tpu.memory_space<vmem>>
      %dma_start3A_183 = arith.constant 0 : i32
      %dma_start3A_184 = arith.constant 0 : i32
      %dma_start3A_185 = tpu.memref_slice %arg7[%rem3A_120, %dma_start3A_183, %dma_start3A_184] : memref<3x4x80xi32, #tpu.memory_space<vmem>> -> memref<1x4x80xi32, #tpu.memory_space<vmem>>
      %dma_start3A_186 = tpu.memref_squeeze %dma_start3A_185 : memref<1x4x80xi32, #tpu.memory_space<vmem>> -> memref<4x80xi32, #tpu.memory_space<vmem>>
      %dma_start3A_187 = arith.constant 0 : i32
      %dma_start3A_188 = tpu.memref_slice %dma_start3A_186[%dma_start3A_177, %dma_start3A_187] : memref<4x80xi32, #tpu.memory_space<vmem>> -> memref<1x80xi32, #tpu.memory_space<vmem>>
      %dma_start3A_189 = tpu.memref_squeeze %dma_start3A_188 : memref<1x80xi32, #tpu.memory_space<vmem>> -> memref<80xi32, #tpu.memory_space<vmem>>
      %dma_start3A_190 = arith.constant 0 : i32
      %dma_start3A_191 = arith.constant 0 : i32
      %dma_start3A_192 = tpu.memref_slice %arg2[%dma_start3A_190, %dma_start3A_191] : memref<10000x128xi32, #tpu.memory_space<hbm>> -> memref<10000x128xi32, #tpu.memory_space<hbm>>
      tpu.enqueue_indirect_dma source(%dma_start3A_192 : memref<10000x128xi32, #tpu.memory_space<hbm>>) target(%dma_start3A_182 : memref<80x128xi32, #tpu.memory_space<vmem>>) offsets(%dma_start3A_189 : memref<80xi32, #tpu.memory_space<vmem>>) semaphore(%arg12 : memref<!tpu.dma_semaphore, #tpu.memory_space<semaphore_mem>>)
      %dma_start3A_193 = arith.constant 2 : i32
      %dma_start3A_194 = arith.constant 2 : i32
      %dma_start3A_195 = arith.constant 0 : i32
      %dma_start3A_196 = arith.constant 0 : i32
      %dma_start3A_197 = tpu.memref_slice %arg9[%dma_start3A_194, %dma_start3A_195, %dma_start3A_196] : memref<4x80x128xi32, #tpu.memory_space<vmem>> -> memref<1x80x128xi32, #tpu.memory_space<vmem>>
      %dma_start3A_198 = tpu.memref_squeeze %dma_start3A_197 : memref<1x80x128xi32, #tpu.memory_space<vmem>> -> memref<80x128xi32, #tpu.memory_space<vmem>>
      %dma_start3A_199 = arith.constant 0 : i32
      %dma_start3A_200 = arith.constant 0 : i32
      %dma_start3A_201 = tpu.memref_slice %arg7[%rem3A_120, %dma_start3A_199, %dma_start3A_200] : memref<3x4x80xi32, #tpu.memory_space<vmem>> -> memref<1x4x80xi32, #tpu.memory_space<vmem>>
      %dma_start3A_202 = tpu.memref_squeeze %dma_start3A_201 : memref<1x4x80xi32, #tpu.memory_space<vmem>> -> memref<4x80xi32, #tpu.memory_space<vmem>>
      %dma_start3A_203 = arith.constant 0 : i32
      %dma_start3A_204 = tpu.memref_slice %dma_start3A_202[%dma_start3A_193, %dma_start3A_203] : memref<4x80xi32, #tpu.memory_space<vmem>> -> memref<1x80xi32, #tpu.memory_space<vmem>>
      %dma_start3A_205 = tpu.memref_squeeze %dma_start3A_204 : memref<1x80xi32, #tpu.memory_space<vmem>> -> memref<80xi32, #tpu.memory_space<vmem>>
      %dma_start3A_206 = arith.constant 0 : i32
      %dma_start3A_207 = arith.constant 0 : i32
      %dma_start3A_208 = tpu.memref_slice %arg2[%dma_start3A_206, %dma_start3A_207] : memref<10000x128xi32, #tpu.memory_space<hbm>> -> memref<10000x128xi32, #tpu.memory_space<hbm>>
      tpu.enqueue_indirect_dma source(%dma_start3A_208 : memref<10000x128xi32, #tpu.memory_space<hbm>>) target(%dma_start3A_198 : memref<80x128xi32, #tpu.memory_space<vmem>>) offsets(%dma_start3A_205 : memref<80xi32, #tpu.memory_space<vmem>>) semaphore(%arg13 : memref<!tpu.dma_semaphore, #tpu.memory_space<semaphore_mem>>)
      %dma_start3A_209 = arith.constant 3 : i32
      %dma_start3A_210 = arith.constant 3 : i32
      %dma_start3A_211 = arith.constant 0 : i32
      %dma_start3A_212 = arith.constant 0 : i32
      %dma_start3A_213 = tpu.memref_slice %arg9[%dma_start3A_210, %dma_start3A_211, %dma_start3A_212] : memref<4x80x128xi32, #tpu.memory_space<vmem>> -> memref<1x80x128xi32, #tpu.memory_space<vmem>>
      %dma_start3A_214 = tpu.memref_squeeze %dma_start3A_213 : memref<1x80x128xi32, #tpu.memory_space<vmem>> -> memref<80x128xi32, #tpu.memory_space<vmem>>
      %dma_start3A_215 = arith.constant 0 : i32
      %dma_start3A_216 = arith.constant 0 : i32
      %dma_start3A_217 = tpu.memref_slice %arg7[%rem3A_120, %dma_start3A_215, %dma_start3A_216] : memref<3x4x80xi32, #tpu.memory_space<vmem>> -> memref<1x4x80xi32, #tpu.memory_space<vmem>>
      %dma_start3A_218 = tpu.memref_squeeze %dma_start3A_217 : memref<1x4x80xi32, #tpu.memory_space<vmem>> -> memref<4x80xi32, #tpu.memory_space<vmem>>
      %dma_start3A_219 = arith.constant 0 : i32
      %dma_start3A_220 = tpu.memref_slice %dma_start3A_218[%dma_start3A_209, %dma_start3A_219] : memref<4x80xi32, #tpu.memory_space<vmem>> -> memref<1x80xi32, #tpu.memory_space<vmem>>
      %dma_start3A_221 = tpu.memref_squeeze %dma_start3A_220 : memref<1x80xi32, #tpu.memory_space<vmem>> -> memref<80xi32, #tpu.memory_space<vmem>>
      %dma_start3A_222 = arith.constant 0 : i32
      %dma_start3A_223 = arith.constant 0 : i32
      %dma_start3A_224 = tpu.memref_slice %arg2[%dma_start3A_222, %dma_start3A_223] : memref<10000x128xi32, #tpu.memory_space<hbm>> -> memref<10000x128xi32, #tpu.memory_space<hbm>>
      tpu.enqueue_indirect_dma source(%dma_start3A_224 : memref<10000x128xi32, #tpu.memory_space<hbm>>) target(%dma_start3A_214 : memref<80x128xi32, #tpu.memory_space<vmem>>) offsets(%dma_start3A_221 : memref<80xi32, #tpu.memory_space<vmem>>) semaphore(%arg14 : memref<!tpu.dma_semaphore, #tpu.memory_space<semaphore_mem>>)
      %dma_wait3A_225 = arith.constant 0 : i32
      %dma_wait3A_226 = arith.constant 0 : i32
      %dma_wait3A_227 = arith.constant 0 : i32
      %dma_wait3A_228 = arith.constant 0 : i32
      %dma_wait3A_229 = tpu.memref_slice %arg9[%dma_wait3A_226, %dma_wait3A_227, %dma_wait3A_228] : memref<4x80x128xi32, #tpu.memory_space<vmem>> -> memref<1x80x128xi32, #tpu.memory_space<vmem>>
      %dma_wait3A_230 = tpu.memref_squeeze %dma_wait3A_229 : memref<1x80x128xi32, #tpu.memory_space<vmem>> -> memref<80x128xi32, #tpu.memory_space<vmem>>
      %dma_wait3A_231 = arith.constant 0 : i32
      %dma_wait3A_232 = arith.constant 0 : i32
      %dma_wait3A_233 = tpu.memref_slice %arg7[%rem3A_120, %dma_wait3A_231, %dma_wait3A_232] : memref<3x4x80xi32, #tpu.memory_space<vmem>> -> memref<1x4x80xi32, #tpu.memory_space<vmem>>
      %dma_wait3A_234 = tpu.memref_squeeze %dma_wait3A_233 : memref<1x4x80xi32, #tpu.memory_space<vmem>> -> memref<4x80xi32, #tpu.memory_space<vmem>>
      %dma_wait3A_235 = arith.constant 0 : i32
      %dma_wait3A_236 = tpu.memref_slice %dma_wait3A_234[%dma_wait3A_225, %dma_wait3A_235] : memref<4x80xi32, #tpu.memory_space<vmem>> -> memref<1x80xi32, #tpu.memory_space<vmem>>
      %dma_wait3A_237 = tpu.memref_squeeze %dma_wait3A_236 : memref<1x80xi32, #tpu.memory_space<vmem>> -> memref<80xi32, #tpu.memory_space<vmem>>
      %dma_wait3A_238 = arith.constant 0 : i32
      %dma_wait3A_239 = arith.constant 0 : i32
      %dma_wait3A_240 = tpu.memref_slice %arg2[%dma_wait3A_238, %dma_wait3A_239] : memref<10000x128xi32, #tpu.memory_space<hbm>> -> memref<10000x128xi32, #tpu.memory_space<hbm>>
      tpu.wait_indirect_dma semaphore(%arg11 : memref<!tpu.dma_semaphore, #tpu.memory_space<semaphore_mem>>) src(%dma_wait3A_240 : memref<10000x128xi32, #tpu.memory_space<hbm>>) dst(%dma_wait3A_230 : memref<80x128xi32, #tpu.memory_space<vmem>>)
      %dma_start3A_241 = arith.constant 0 : i32
      %dma_start3A_242 = arith.constant 0 : i32
      %dma_start3A_243 = arith.constant 0 : i32
      %dma_start3A_244 = arith.constant 0 : i32
      %dma_start3A_245 = tpu.memref_slice %arg9[%dma_start3A_241, %dma_start3A_243, %dma_start3A_244] : memref<4x80x128xi32, #tpu.memory_space<vmem>> -> memref<1x80x128xi32, #tpu.memory_space<vmem>>
      %dma_start3A_246 = tpu.memref_squeeze %dma_start3A_245 : memref<1x80x128xi32, #tpu.memory_space<vmem>> -> memref<80x128xi32, #tpu.memory_space<vmem>>
      %dma_start3A_247 = arith.constant 0 : i32
      %dma_start3A_248 = arith.constant 0 : i32
      %dma_start3A_249 = tpu.memref_slice %arg8[%rem3A_120, %dma_start3A_247, %dma_start3A_248] : memref<3x4x80xi32, #tpu.memory_space<vmem>> -> memref<1x4x80xi32, #tpu.memory_space<vmem>>
      %dma_start3A_250 = tpu.memref_squeeze %dma_start3A_249 : memref<1x4x80xi32, #tpu.memory_space<vmem>> -> memref<4x80xi32, #tpu.memory_space<vmem>>
      %dma_start3A_251 = arith.constant 0 : i32
      %dma_start3A_252 = tpu.memref_slice %dma_start3A_250[%dma_start3A_242, %dma_start3A_251] : memref<4x80xi32, #tpu.memory_space<vmem>> -> memref<1x80xi32, #tpu.memory_space<vmem>>
      %dma_start3A_253 = tpu.memref_squeeze %dma_start3A_252 : memref<1x80xi32, #tpu.memory_space<vmem>> -> memref<80xi32, #tpu.memory_space<vmem>>
      %dma_start3A_254 = arith.constant 0 : i32
      %dma_start3A_255 = arith.constant 0 : i32
      %dma_start3A_256 = tpu.memref_slice %arg10[%dma_start3A_254, %dma_start3A_255] : memref<10240x128xi32, #tpu.memory_space<vmem_shared>> -> memref<10240x128xi32, #tpu.memory_space<vmem_shared>>
      tpu.enqueue_indirect_dma source(%dma_start3A_246 : memref<80x128xi32, #tpu.memory_space<vmem>>) target(%dma_start3A_256 : memref<10240x128xi32, #tpu.memory_space<vmem_shared>>) offsets(%dma_start3A_253 : memref<80xi32, #tpu.memory_space<vmem>>) semaphore(%arg15 : memref<!tpu.dma_semaphore, #tpu.memory_space<semaphore_mem>>) {add = true}
      %dma_wait3A_257 = arith.constant 1 : i32
      %dma_wait3A_258 = arith.constant 1 : i32
      %dma_wait3A_259 = arith.constant 0 : i32
      %dma_wait3A_260 = arith.constant 0 : i32
      %dma_wait3A_261 = tpu.memref_slice %arg9[%dma_wait3A_258, %dma_wait3A_259, %dma_wait3A_260] : memref<4x80x128xi32, #tpu.memory_space<vmem>> -> memref<1x80x128xi32, #tpu.memory_space<vmem>>
      %dma_wait3A_262 = tpu.memref_squeeze %dma_wait3A_261 : memref<1x80x128xi32, #tpu.memory_space<vmem>> -> memref<80x128xi32, #tpu.memory_space<vmem>>
      %dma_wait3A_263 = arith.constant 0 : i32
      %dma_wait3A_264 = arith.constant 0 : i32
      %dma_wait3A_265 = tpu.memref_slice %arg7[%rem3A_120, %dma_wait3A_263, %dma_wait3A_264] : memref<3x4x80xi32, #tpu.memory_space<vmem>> -> memref<1x4x80xi32, #tpu.memory_space<vmem>>
      %dma_wait3A_266 = tpu.memref_squeeze %dma_wait3A_265 : memref<1x4x80xi32, #tpu.memory_space<vmem>> -> memref<4x80xi32, #tpu.memory_space<vmem>>
      %dma_wait3A_267 = arith.constant 0 : i32
      %dma_wait3A_268 = tpu.memref_slice %dma_wait3A_266[%dma_wait3A_257, %dma_wait3A_267] : memref<4x80xi32, #tpu.memory_space<vmem>> -> memref<1x80xi32, #tpu.memory_space<vmem>>
      %dma_wait3A_269 = tpu.memref_squeeze %dma_wait3A_268 : memref<1x80xi32, #tpu.memory_space<vmem>> -> memref<80xi32, #tpu.memory_space<vmem>>
      %dma_wait3A_270 = arith.constant 0 : i32
      %dma_wait3A_271 = arith.constant 0 : i32
      %dma_wait3A_272 = tpu.memref_slice %arg2[%dma_wait3A_270, %dma_wait3A_271] : memref<10000x128xi32, #tpu.memory_space<hbm>> -> memref<10000x128xi32, #tpu.memory_space<hbm>>
      tpu.wait_indirect_dma semaphore(%arg12 : memref<!tpu.dma_semaphore, #tpu.memory_space<semaphore_mem>>) src(%dma_wait3A_272 : memref<10000x128xi32, #tpu.memory_space<hbm>>) dst(%dma_wait3A_262 : memref<80x128xi32, #tpu.memory_space<vmem>>)
      %dma_start3A_273 = arith.constant 1 : i32
      %dma_start3A_274 = arith.constant 1 : i32
      %dma_start3A_275 = arith.constant 0 : i32
      %dma_start3A_276 = arith.constant 0 : i32
      %dma_start3A_277 = tpu.memref_slice %arg9[%dma_start3A_273, %dma_start3A_275, %dma_start3A_276] : memref<4x80x128xi32, #tpu.memory_space<vmem>> -> memref<1x80x128xi32, #tpu.memory_space<vmem>>
      %dma_start3A_278 = tpu.memref_squeeze %dma_start3A_277 : memref<1x80x128xi32, #tpu.memory_space<vmem>> -> memref<80x128xi32, #tpu.memory_space<vmem>>
      %dma_start3A_279 = arith.constant 0 : i32
      %dma_start3A_280 = arith.constant 0 : i32
      %dma_start3A_281 = tpu.memref_slice %arg8[%rem3A_120, %dma_start3A_279, %dma_start3A_280] : memref<3x4x80xi32, #tpu.memory_space<vmem>> -> memref<1x4x80xi32, #tpu.memory_space<vmem>>
      %dma_start3A_282 = tpu.memref_squeeze %dma_start3A_281 : memref<1x4x80xi32, #tpu.memory_space<vmem>> -> memref<4x80xi32, #tpu.memory_space<vmem>>
      %dma_start3A_283 = arith.constant 0 : i32
      %dma_start3A_284 = tpu.memref_slice %dma_start3A_282[%dma_start3A_274, %dma_start3A_283] : memref<4x80xi32, #tpu.memory_space<vmem>> -> memref<1x80xi32, #tpu.memory_space<vmem>>
      %dma_start3A_285 = tpu.memref_squeeze %dma_start3A_284 : memref<1x80xi32, #tpu.memory_space<vmem>> -> memref<80xi32, #tpu.memory_space<vmem>>
      %dma_start3A_286 = arith.constant 0 : i32
      %dma_start3A_287 = arith.constant 0 : i32
      %dma_start3A_288 = tpu.memref_slice %arg10[%dma_start3A_286, %dma_start3A_287] : memref<10240x128xi32, #tpu.memory_space<vmem_shared>> -> memref<10240x128xi32, #tpu.memory_space<vmem_shared>>
      tpu.enqueue_indirect_dma source(%dma_start3A_278 : memref<80x128xi32, #tpu.memory_space<vmem>>) target(%dma_start3A_288 : memref<10240x128xi32, #tpu.memory_space<vmem_shared>>) offsets(%dma_start3A_285 : memref<80xi32, #tpu.memory_space<vmem>>) semaphore(%arg15 : memref<!tpu.dma_semaphore, #tpu.memory_space<semaphore_mem>>) {add = true}
      %dma_wait3A_289 = arith.constant 2 : i32
      %dma_wait3A_290 = arith.constant 2 : i32
      %dma_wait3A_291 = arith.constant 0 : i32
      %dma_wait3A_292 = arith.constant 0 : i32
      %dma_wait3A_293 = tpu.memref_slice %arg9[%dma_wait3A_290, %dma_wait3A_291, %dma_wait3A_292] : memref<4x80x128xi32, #tpu.memory_space<vmem>> -> memref<1x80x128xi32, #tpu.memory_space<vmem>>
      %dma_wait3A_294 = tpu.memref_squeeze %dma_wait3A_293 : memref<1x80x128xi32, #tpu.memory_space<vmem>> -> memref<80x128xi32, #tpu.memory_space<vmem>>
      %dma_wait3A_295 = arith.constant 0 : i32
      %dma_wait3A_296 = arith.constant 0 : i32
      %dma_wait3A_297 = tpu.memref_slice %arg7[%rem3A_120, %dma_wait3A_295, %dma_wait3A_296] : memref<3x4x80xi32, #tpu.memory_space<vmem>> -> memref<1x4x80xi32, #tpu.memory_space<vmem>>
      %dma_wait3A_298 = tpu.memref_squeeze %dma_wait3A_297 : memref<1x4x80xi32, #tpu.memory_space<vmem>> -> memref<4x80xi32, #tpu.memory_space<vmem>>
      %dma_wait3A_299 = arith.constant 0 : i32
      %dma_wait3A_300 = tpu.memref_slice %dma_wait3A_298[%dma_wait3A_289, %dma_wait3A_299] : memref<4x80xi32, #tpu.memory_space<vmem>> -> memref<1x80xi32, #tpu.memory_space<vmem>>
      %dma_wait3A_301 = tpu.memref_squeeze %dma_wait3A_300 : memref<1x80xi32, #tpu.memory_space<vmem>> -> memref<80xi32, #tpu.memory_space<vmem>>
      %dma_wait3A_302 = arith.constant 0 : i32
      %dma_wait3A_303 = arith.constant 0 : i32
      %dma_wait3A_304 = tpu.memref_slice %arg2[%dma_wait3A_302, %dma_wait3A_303] : memref<10000x128xi32, #tpu.memory_space<hbm>> -> memref<10000x128xi32, #tpu.memory_space<hbm>>
      tpu.wait_indirect_dma semaphore(%arg13 : memref<!tpu.dma_semaphore, #tpu.memory_space<semaphore_mem>>) src(%dma_wait3A_304 : memref<10000x128xi32, #tpu.memory_space<hbm>>) dst(%dma_wait3A_294 : memref<80x128xi32, #tpu.memory_space<vmem>>)
      %dma_start3A_305 = arith.constant 2 : i32
      %dma_start3A_306 = arith.constant 2 : i32
      %dma_start3A_307 = arith.constant 0 : i32
      %dma_start3A_308 = arith.constant 0 : i32
      %dma_start3A_309 = tpu.memref_slice %arg9[%dma_start3A_305, %dma_start3A_307, %dma_start3A_308] : memref<4x80x128xi32, #tpu.memory_space<vmem>> -> memref<1x80x128xi32, #tpu.memory_space<vmem>>
      %dma_start3A_310 = tpu.memref_squeeze %dma_start3A_309 : memref<1x80x128xi32, #tpu.memory_space<vmem>> -> memref<80x128xi32, #tpu.memory_space<vmem>>
      %dma_start3A_311 = arith.constant 0 : i32
      %dma_start3A_312 = arith.constant 0 : i32
      %dma_start3A_313 = tpu.memref_slice %arg8[%rem3A_120, %dma_start3A_311, %dma_start3A_312] : memref<3x4x80xi32, #tpu.memory_space<vmem>> -> memref<1x4x80xi32, #tpu.memory_space<vmem>>
      %dma_start3A_314 = tpu.memref_squeeze %dma_start3A_313 : memref<1x4x80xi32, #tpu.memory_space<vmem>> -> memref<4x80xi32, #tpu.memory_space<vmem>>
      %dma_start3A_315 = arith.constant 0 : i32
      %dma_start3A_316 = tpu.memref_slice %dma_start3A_314[%dma_start3A_306, %dma_start3A_315] : memref<4x80xi32, #tpu.memory_space<vmem>> -> memref<1x80xi32, #tpu.memory_space<vmem>>
      %dma_start3A_317 = tpu.memref_squeeze %dma_start3A_316 : memref<1x80xi32, #tpu.memory_space<vmem>> -> memref<80xi32, #tpu.memory_space<vmem>>
      %dma_start3A_318 = arith.constant 0 : i32
      %dma_start3A_319 = arith.constant 0 : i32
      %dma_start3A_320 = tpu.memref_slice %arg10[%dma_start3A_318, %dma_start3A_319] : memref<10240x128xi32, #tpu.memory_space<vmem_shared>> -> memref<10240x128xi32, #tpu.memory_space<vmem_shared>>
      tpu.enqueue_indirect_dma source(%dma_start3A_310 : memref<80x128xi32, #tpu.memory_space<vmem>>) target(%dma_start3A_320 : memref<10240x128xi32, #tpu.memory_space<vmem_shared>>) offsets(%dma_start3A_317 : memref<80xi32, #tpu.memory_space<vmem>>) semaphore(%arg15 : memref<!tpu.dma_semaphore, #tpu.memory_space<semaphore_mem>>) {add = true}
      %dma_wait3A_321 = arith.constant 3 : i32
      %dma_wait3A_322 = arith.constant 3 : i32
      %dma_wait3A_323 = arith.constant 0 : i32
      %dma_wait3A_324 = arith.constant 0 : i32
      %dma_wait3A_325 = tpu.memref_slice %arg9[%dma_wait3A_322, %dma_wait3A_323, %dma_wait3A_324] : memref<4x80x128xi32, #tpu.memory_space<vmem>> -> memref<1x80x128xi32, #tpu.memory_space<vmem>>
      %dma_wait3A_326 = tpu.memref_squeeze %dma_wait3A_325 : memref<1x80x128xi32, #tpu.memory_space<vmem>> -> memref<80x128xi32, #tpu.memory_space<vmem>>
      %dma_wait3A_327 = arith.constant 0 : i32
      %dma_wait3A_328 = arith.constant 0 : i32
      %dma_wait3A_329 = tpu.memref_slice %arg7[%rem3A_120, %dma_wait3A_327, %dma_wait3A_328] : memref<3x4x80xi32, #tpu.memory_space<vmem>> -> memref<1x4x80xi32, #tpu.memory_space<vmem>>
      %dma_wait3A_330 = tpu.memref_squeeze %dma_wait3A_329 : memref<1x4x80xi32, #tpu.memory_space<vmem>> -> memref<4x80xi32, #tpu.memory_space<vmem>>
      %dma_wait3A_331 = arith.constant 0 : i32
      %dma_wait3A_332 = tpu.memref_slice %dma_wait3A_330[%dma_wait3A_321, %dma_wait3A_331] : memref<4x80xi32, #tpu.memory_space<vmem>> -> memref<1x80xi32, #tpu.memory_space<vmem>>
      %dma_wait3A_333 = tpu.memref_squeeze %dma_wait3A_332 : memref<1x80xi32, #tpu.memory_space<vmem>> -> memref<80xi32, #tpu.memory_space<vmem>>
      %dma_wait3A_334 = arith.constant 0 : i32
      %dma_wait3A_335 = arith.constant 0 : i32
      %dma_wait3A_336 = tpu.memref_slice %arg2[%dma_wait3A_334, %dma_wait3A_335] : memref<10000x128xi32, #tpu.memory_space<hbm>> -> memref<10000x128xi32, #tpu.memory_space<hbm>>
      tpu.wait_indirect_dma semaphore(%arg14 : memref<!tpu.dma_semaphore, #tpu.memory_space<semaphore_mem>>) src(%dma_wait3A_336 : memref<10000x128xi32, #tpu.memory_space<hbm>>) dst(%dma_wait3A_326 : memref<80x128xi32, #tpu.memory_space<vmem>>)
      %dma_start3A_337 = arith.constant 3 : i32
      %dma_start3A_338 = arith.constant 3 : i32
      %dma_start3A_339 = arith.constant 0 : i32
      %dma_start3A_340 = arith.constant 0 : i32
      %dma_start3A_341 = tpu.memref_slice %arg9[%dma_start3A_337, %dma_start3A_339, %dma_start3A_340] : memref<4x80x128xi32, #tpu.memory_space<vmem>> -> memref<1x80x128xi32, #tpu.memory_space<vmem>>
      %dma_start3A_342 = tpu.memref_squeeze %dma_start3A_341 : memref<1x80x128xi32, #tpu.memory_space<vmem>> -> memref<80x128xi32, #tpu.memory_space<vmem>>
      %dma_start3A_343 = arith.constant 0 : i32
      %dma_start3A_344 = arith.constant 0 : i32
      %dma_start3A_345 = tpu.memref_slice %arg8[%rem3A_120, %dma_start3A_343, %dma_start3A_344] : memref<3x4x80xi32, #tpu.memory_space<vmem>> -> memref<1x4x80xi32, #tpu.memory_space<vmem>>
      %dma_start3A_346 = tpu.memref_squeeze %dma_start3A_345 : memref<1x4x80xi32, #tpu.memory_space<vmem>> -> memref<4x80xi32, #tpu.memory_space<vmem>>
      %dma_start3A_347 = arith.constant 0 : i32
      %dma_start3A_348 = tpu.memref_slice %dma_start3A_346[%dma_start3A_338, %dma_start3A_347] : memref<4x80xi32, #tpu.memory_space<vmem>> -> memref<1x80xi32, #tpu.memory_space<vmem>>
      %dma_start3A_349 = tpu.memref_squeeze %dma_start3A_348 : memref<1x80xi32, #tpu.memory_space<vmem>> -> memref<80xi32, #tpu.memory_space<vmem>>
      %dma_start3A_350 = arith.constant 0 : i32
      %dma_start3A_351 = arith.constant 0 : i32
      %dma_start3A_352 = tpu.memref_slice %arg10[%dma_start3A_350, %dma_start3A_351] : memref<10240x128xi32, #tpu.memory_space<vmem_shared>> -> memref<10240x128xi32, #tpu.memory_space<vmem_shared>>
      tpu.enqueue_indirect_dma source(%dma_start3A_342 : memref<80x128xi32, #tpu.memory_space<vmem>>) target(%dma_start3A_352 : memref<10240x128xi32, #tpu.memory_space<vmem_shared>>) offsets(%dma_start3A_349 : memref<80xi32, #tpu.memory_space<vmem>>) semaphore(%arg15 : memref<!tpu.dma_semaphore, #tpu.memory_space<semaphore_mem>>) {add = true}
    }
    %dma_wait3A = arith.constant 0 : i32
    %dma_wait3A_55 = arith.constant 0 : i32
    %dma_wait3A_56 = arith.constant 0 : i32
    %dma_wait3A_57 = tpu.memref_slice %arg9[%dma_wait3A, %dma_wait3A_55, %dma_wait3A_56] : memref<4x80x128xi32, #tpu.memory_space<vmem>> -> memref<1x80x128xi32, #tpu.memory_space<vmem>>
    %dma_wait3A_58 = tpu.memref_squeeze %dma_wait3A_57 : memref<1x80x128xi32, #tpu.memory_space<vmem>> -> memref<80x128xi32, #tpu.memory_space<vmem>>
    %dma_wait3A_59 = arith.constant 0 : i32
    %dma_wait3A_60 = arith.constant 0 : i32
    %dma_wait3A_61 = tpu.memref_slice %arg5[%dma_wait3A_59, %dma_wait3A_60] : memref<10240x128xi32, #tpu.memory_space<hbm>> -> memref<80x128xi32, #tpu.memory_space<hbm>>
    %dma_wait3A_62 = arith.constant 0 : i32
    %dma_wait3A_63 = arith.constant 0 : i32
    %dma_wait3A_64 = tpu.memref_slice %arg9[%dma_wait3A, %dma_wait3A_62, %dma_wait3A_63] : memref<4x80x128xi32, #tpu.memory_space<vmem>> -> memref<1x80x128xi32, #tpu.memory_space<vmem>>
    %dma_wait3A_65 = tpu.memref_squeeze %dma_wait3A_64 : memref<1x80x128xi32, #tpu.memory_space<vmem>> -> memref<80x128xi32, #tpu.memory_space<vmem>>
    %dma_wait3A_66 = arith.constant 0 : i32
    %dma_wait3A_67 = arith.constant 0 : i32
    %dma_wait3A_68 = tpu.memref_slice %arg5[%dma_wait3A_66, %dma_wait3A_67] : memref<10240x128xi32, #tpu.memory_space<hbm>> -> memref<80x128xi32, #tpu.memory_space<hbm>>
    tpu.wait_dma2 semaphore(%arg15 : memref<!tpu.dma_semaphore, #tpu.memory_space<semaphore_mem>>) src(%dma_wait3A_68 : memref<80x128xi32, #tpu.memory_space<hbm>>) dst(%dma_wait3A_65 : memref<80x128xi32, #tpu.memory_space<vmem>>)
    %dma_wait3A_69 = arith.constant 1 : i32
    %dma_wait3A_70 = arith.constant 0 : i32
    %dma_wait3A_71 = arith.constant 0 : i32
    %dma_wait3A_72 = tpu.memref_slice %arg9[%dma_wait3A_69, %dma_wait3A_70, %dma_wait3A_71] : memref<4x80x128xi32, #tpu.memory_space<vmem>> -> memref<1x80x128xi32, #tpu.memory_space<vmem>>
    %dma_wait3A_73 = tpu.memref_squeeze %dma_wait3A_72 : memref<1x80x128xi32, #tpu.memory_space<vmem>> -> memref<80x128xi32, #tpu.memory_space<vmem>>
    %dma_wait3A_74 = arith.constant 0 : i32
    %dma_wait3A_75 = arith.constant 0 : i32
    %dma_wait3A_76 = tpu.memref_slice %arg5[%dma_wait3A_74, %dma_wait3A_75] : memref<10240x128xi32, #tpu.memory_space<hbm>> -> memref<80x128xi32, #tpu.memory_space<hbm>>
    %dma_wait3A_77 = arith.constant 0 : i32
    %dma_wait3A_78 = arith.constant 0 : i32
    %dma_wait3A_79 = tpu.memref_slice %arg9[%dma_wait3A_69, %dma_wait3A_77, %dma_wait3A_78] : memref<4x80x128xi32, #tpu.memory_space<vmem>> -> memref<1x80x128xi32, #tpu.memory_space<vmem>>
    %dma_wait3A_80 = tpu.memref_squeeze %dma_wait3A_79 : memref<1x80x128xi32, #tpu.memory_space<vmem>> -> memref<80x128xi32, #tpu.memory_space<vmem>>
    %dma_wait3A_81 = arith.constant 0 : i32
    %dma_wait3A_82 = arith.constant 0 : i32
    %dma_wait3A_83 = tpu.memref_slice %arg5[%dma_wait3A_81, %dma_wait3A_82] : memref<10240x128xi32, #tpu.memory_space<hbm>> -> memref<80x128xi32, #tpu.memory_space<hbm>>
    tpu.wait_dma2 semaphore(%arg15 : memref<!tpu.dma_semaphore, #tpu.memory_space<semaphore_mem>>) src(%dma_wait3A_83 : memref<80x128xi32, #tpu.memory_space<hbm>>) dst(%dma_wait3A_80 : memref<80x128xi32, #tpu.memory_space<vmem>>)
    %dma_wait3A_84 = arith.constant 2 : i32
    %dma_wait3A_85 = arith.constant 0 : i32
    %dma_wait3A_86 = arith.constant 0 : i32
    %dma_wait3A_87 = tpu.memref_slice %arg9[%dma_wait3A_84, %dma_wait3A_85, %dma_wait3A_86] : memref<4x80x128xi32, #tpu.memory_space<vmem>> -> memref<1x80x128xi32, #tpu.memory_space<vmem>>
    %dma_wait3A_88 = tpu.memref_squeeze %dma_wait3A_87 : memref<1x80x128xi32, #tpu.memory_space<vmem>> -> memref<80x128xi32, #tpu.memory_space<vmem>>
    %dma_wait3A_89 = arith.constant 0 : i32
    %dma_wait3A_90 = arith.constant 0 : i32
    %dma_wait3A_91 = tpu.memref_slice %arg5[%dma_wait3A_89, %dma_wait3A_90] : memref<10240x128xi32, #tpu.memory_space<hbm>> -> memref<80x128xi32, #tpu.memory_space<hbm>>
    %dma_wait3A_92 = arith.constant 0 : i32
    %dma_wait3A_93 = arith.constant 0 : i32
    %dma_wait3A_94 = tpu.memref_slice %arg9[%dma_wait3A_84, %dma_wait3A_92, %dma_wait3A_93] : memref<4x80x128xi32, #tpu.memory_space<vmem>> -> memref<1x80x128xi32, #tpu.memory_space<vmem>>
    %dma_wait3A_95 = tpu.memref_squeeze %dma_wait3A_94 : memref<1x80x128xi32, #tpu.memory_space<vmem>> -> memref<80x128xi32, #tpu.memory_space<vmem>>
    %dma_wait3A_96 = arith.constant 0 : i32
    %dma_wait3A_97 = arith.constant 0 : i32
    %dma_wait3A_98 = tpu.memref_slice %arg5[%dma_wait3A_96, %dma_wait3A_97] : memref<10240x128xi32, #tpu.memory_space<hbm>> -> memref<80x128xi32, #tpu.memory_space<hbm>>
    tpu.wait_dma2 semaphore(%arg15 : memref<!tpu.dma_semaphore, #tpu.memory_space<semaphore_mem>>) src(%dma_wait3A_98 : memref<80x128xi32, #tpu.memory_space<hbm>>) dst(%dma_wait3A_95 : memref<80x128xi32, #tpu.memory_space<vmem>>)
    %dma_wait3A_99 = arith.constant 3 : i32
    %dma_wait3A_100 = arith.constant 0 : i32
    %dma_wait3A_101 = arith.constant 0 : i32
    %dma_wait3A_102 = tpu.memref_slice %arg9[%dma_wait3A_99, %dma_wait3A_100, %dma_wait3A_101] : memref<4x80x128xi32, #tpu.memory_space<vmem>> -> memref<1x80x128xi32, #tpu.memory_space<vmem>>
    %dma_wait3A_103 = tpu.memref_squeeze %dma_wait3A_102 : memref<1x80x128xi32, #tpu.memory_space<vmem>> -> memref<80x128xi32, #tpu.memory_space<vmem>>
    %dma_wait3A_104 = arith.constant 0 : i32
    %dma_wait3A_105 = arith.constant 0 : i32
    %dma_wait3A_106 = tpu.memref_slice %arg5[%dma_wait3A_104, %dma_wait3A_105] : memref<10240x128xi32, #tpu.memory_space<hbm>> -> memref<80x128xi32, #tpu.memory_space<hbm>>
    %dma_wait3A_107 = arith.constant 0 : i32
    %dma_wait3A_108 = arith.constant 0 : i32
    %dma_wait3A_109 = tpu.memref_slice %arg9[%dma_wait3A_99, %dma_wait3A_107, %dma_wait3A_108] : memref<4x80x128xi32, #tpu.memory_space<vmem>> -> memref<1x80x128xi32, #tpu.memory_space<vmem>>
    %dma_wait3A_110 = tpu.memref_squeeze %dma_wait3A_109 : memref<1x80x128xi32, #tpu.memory_space<vmem>> -> memref<80x128xi32, #tpu.memory_space<vmem>>
    %dma_wait3A_111 = arith.constant 0 : i32
    %dma_wait3A_112 = arith.constant 0 : i32
    %dma_wait3A_113 = tpu.memref_slice %arg5[%dma_wait3A_111, %dma_wait3A_112] : memref<10240x128xi32, #tpu.memory_space<hbm>> -> memref<80x128xi32, #tpu.memory_space<hbm>>
    tpu.wait_dma2 semaphore(%arg15 : memref<!tpu.dma_semaphore, #tpu.memory_space<semaphore_mem>>) src(%dma_wait3A_113 : memref<80x128xi32, #tpu.memory_space<hbm>>) dst(%dma_wait3A_110 : memref<80x128xi32, #tpu.memory_space<vmem>>)
    %barrier3A_114 = arith.constant 0 : index
    tpu.barrier barrier_id(%barrier3A_114)
    %mul3A_115 = arith.constant 640 : i32
    %mul3A_116 = arith.muli %arg1, %mul3A_115 : i32
    %mul3A_117 = arith.constant 640 : i32
    %mul3A_118 = arith.muli %arg1, %mul3A_117 : i32
    "tpu.region"() ({
      %run_scoped3A = tpu.sem_alloc : memref<!tpu.dma_semaphore, #tpu.memory_space<semaphore_mem>>
      %dma_start3A_119 = arith.constant 0 : i32
      %dma_start3A_120 = tpu.memref_slice %arg6[%arg0, %mul3A_118, %dma_start3A_119] : memref<2x10240x128xi32, #tpu.memory_space<hbm>> -> memref<1x640x128xi32, #tpu.memory_space<hbm>>
      %dma_start3A_121 = tpu.memref_squeeze %dma_start3A_120 : memref<1x640x128xi32, #tpu.memory_space<hbm>> -> memref<640x128xi32, #tpu.memory_space<hbm>>
      %dma_start3A_122 = arith.constant 0 : i32
      %dma_start3A_123 = tpu.memref_slice %arg10[%mul3A_116, %dma_start3A_122] : memref<10240x128xi32, #tpu.memory_space<vmem_shared>> -> memref<640x128xi32, #tpu.memory_space<vmem_shared>>
      tpu.enqueue_dma source(%dma_start3A_123 : memref<640x128xi32, #tpu.memory_space<vmem_shared>>) target(%dma_start3A_121 : memref<640x128xi32, #tpu.memory_space<hbm>>) target_semaphore(%run_scoped3A : memref<!tpu.dma_semaphore, #tpu.memory_space<semaphore_mem>>)
      %dma_wait3A_124 = arith.constant 0 : i32
      %dma_wait3A_125 = tpu.memref_slice %arg6[%arg0, %mul3A_118, %dma_wait3A_124] : memref<2x10240x128xi32, #tpu.memory_space<hbm>> -> memref<1x640x128xi32, #tpu.memory_space<hbm>>
      %dma_wait3A_126 = tpu.memref_squeeze %dma_wait3A_125 : memref<1x640x128xi32, #tpu.memory_space<hbm>> -> memref<640x128xi32, #tpu.memory_space<hbm>>
      %dma_wait3A_127 = arith.constant 0 : i32
      %dma_wait3A_128 = tpu.memref_slice %arg10[%mul3A_116, %dma_wait3A_127] : memref<10240x128xi32, #tpu.memory_space<vmem_shared>> -> memref<640x128xi32, #tpu.memory_space<vmem_shared>>
      tpu.wait_dma2 semaphore(%run_scoped3A : memref<!tpu.dma_semaphore, #tpu.memory_space<semaphore_mem>>) src(%dma_wait3A_128 : memref<640x128xi32, #tpu.memory_space<vmem_shared>>) dst(%dma_wait3A_126 : memref<640x128xi32, #tpu.memory_space<hbm>>)
      tpu.yield
    }) : () -> ()
    return
  }
}

#map = affine_map<(d0, d1) -> (0, 0)>
#map1 = affine_map<(d0, d1) -> (0, 0, 0)>
module attributes {stable_mosaic.version = 14 : i64} {
  func.func @k(%arg0: i32, %arg1: i32, %arg2: memref<10000x128xf32, #tpu.memory_space<hbm>>, %arg3: memref<1000x4x80xi32, #tpu.memory_space<hbm>>, %arg4: memref<1000x4x80xi32, #tpu.memory_space<hbm>>, %arg5: memref<10240x128xf32, #tpu.memory_space<hbm>>, %arg6: memref<2x10240x128xf32, #tpu.memory_space<hbm>>, %arg7: memref<3x4x80xi32, #tpu.memory_space<vmem>>, %arg8: memref<3x4x80xi32, #tpu.memory_space<vmem>>, %arg9: memref<4x80x128xf32, #tpu.memory_space<vmem>>, %arg10: memref<10240x128xf32, #tpu.memory_space<vmem_shared>>, %arg11: memref<!tpu.dma_semaphore, #tpu.memory_space<semaphore_mem>>, %arg12: memref<!tpu.dma_semaphore, #tpu.memory_space<semaphore_mem>>, %arg13: memref<!tpu.dma_semaphore, #tpu.memory_space<semaphore_mem>>, %arg14: memref<!tpu.dma_semaphore, #tpu.memory_space<semaphore_mem>>, %arg15: memref<!tpu.dma_semaphore, #tpu.memory_space<semaphore_mem>>, %arg16: memref<!tpu.dma_semaphore, #tpu.memory_space<semaphore_mem>>) attributes {dimension_semantics = [#tpu.dimension_semantics<core_parallel>, #tpu.dimension_semantics<subcore_parallel>], iteration_bounds = array<i64: 2, 16>, scalar_prefetch = 0 : i64, scratch_operands = 10 : i64, tpu.core_type = #tpu.core_type<sc_vector_subcore>, window_params = [{transform_indices = #map}, {transform_indices = #map1}, {transform_indices = #map1}, {transform_indices = #map}, {transform_indices = #map1}]} {
    %mul3A = arith.constant 640 : i32
    %mul3A_0 = arith.muli %arg1, %mul3A : i32
    %mul3A_1 = arith.constant 640 : i32
    %mul3A_2 = arith.muli %arg1, %mul3A_1 : i32
    "tpu.region"() ({
      %run_scoped3A = tpu.sem_alloc : memref<!tpu.dma_semaphore, #tpu.memory_space<semaphore_mem>>
      %dma_start3A_119 = arith.constant 0 : i32
      %dma_start3A_120 = tpu.memref_slice %arg10[%mul3A_2, %dma_start3A_119] : memref<10240x128xf32, #tpu.memory_space<vmem_shared>> -> memref<640x128xf32, #tpu.memory_space<vmem_shared>>
      %dma_start3A_121 = arith.constant 0 : i32
      %dma_start3A_122 = tpu.memref_slice %arg5[%mul3A_0, %dma_start3A_121] : memref<10240x128xf32, #tpu.memory_space<hbm>> -> memref<640x128xf32, #tpu.memory_space<hbm>>
      tpu.enqueue_dma source(%dma_start3A_122 : memref<640x128xf32, #tpu.memory_space<hbm>>) target(%dma_start3A_120 : memref<640x128xf32, #tpu.memory_space<vmem_shared>>) target_semaphore(%run_scoped3A : memref<!tpu.dma_semaphore, #tpu.memory_space<semaphore_mem>>)
      %dma_wait3A_123 = arith.constant 0 : i32
      %dma_wait3A_124 = tpu.memref_slice %arg10[%mul3A_2, %dma_wait3A_123] : memref<10240x128xf32, #tpu.memory_space<vmem_shared>> -> memref<640x128xf32, #tpu.memory_space<vmem_shared>>
      %dma_wait3A_125 = arith.constant 0 : i32
      %dma_wait3A_126 = tpu.memref_slice %arg5[%mul3A_0, %dma_wait3A_125] : memref<10240x128xf32, #tpu.memory_space<hbm>> -> memref<640x128xf32, #tpu.memory_space<hbm>>
      tpu.wait_dma2 semaphore(%run_scoped3A : memref<!tpu.dma_semaphore, #tpu.memory_space<semaphore_mem>>) src(%dma_wait3A_126 : memref<640x128xf32, #tpu.memory_space<hbm>>) dst(%dma_wait3A_124 : memref<640x128xf32, #tpu.memory_space<vmem_shared>>)
      tpu.yield
    }) : () -> ()
    %barrier3A = arith.constant 0 : index
    tpu.barrier barrier_id(%barrier3A)
    %mul3A_3 = arith.constant 2 : i32
    %mul3A_4 = arith.muli %arg1, %mul3A_3 : i32
    %add3A = arith.addi %mul3A_4, %arg0 : i32
    %lt3A = arith.constant 8 : i32
    %lt3A_5 = arith.cmpi slt, %add3A, %lt3A : i32
    %jit3A = arith.constant 1 : i32
    %jit3A_6 = arith.constant 0 : i32
    %select_n3A = arith.select %lt3A_5, %jit3A, %jit3A_6 : i32
    %add3A_7 = arith.constant 31 : i32
    %add3A_8 = arith.addi %add3A_7, %select_n3A : i32
    %mul3A_9 = arith.constant 31 : i32
    %mul3A_10 = arith.muli %add3A, %mul3A_9 : i32
    %min3A = arith.constant 8 : i32
    %min3A_11 = arith.minsi %add3A, %min3A : i32
    %add3A_12 = arith.addi %mul3A_10, %min3A_11 : i32
    %dma_start3A = arith.constant 0 : i32
    %dma_start3A_13 = arith.constant 0 : i32
    %dma_start3A_14 = arith.constant 0 : i32
    %dma_start3A_15 = tpu.memref_slice %arg7[%dma_start3A, %dma_start3A_13, %dma_start3A_14] : memref<3x4x80xi32, #tpu.memory_space<vmem>> -> memref<1x4x80xi32, #tpu.memory_space<vmem>>
    %dma_start3A_16 = tpu.memref_squeeze %dma_start3A_15 : memref<1x4x80xi32, #tpu.memory_space<vmem>> -> memref<4x80xi32, #tpu.memory_space<vmem>>
    %dma_start3A_17 = arith.constant 0 : i32
    %dma_start3A_18 = arith.constant 0 : i32
    %dma_start3A_19 = tpu.memref_slice %arg3[%add3A_12, %dma_start3A_17, %dma_start3A_18] : memref<1000x4x80xi32, #tpu.memory_space<hbm>> -> memref<1x4x80xi32, #tpu.memory_space<hbm>>
    %dma_start3A_20 = tpu.memref_squeeze %dma_start3A_19 : memref<1x4x80xi32, #tpu.memory_space<hbm>> -> memref<4x80xi32, #tpu.memory_space<hbm>>
    %dma_start3A_21 = arith.constant 0 : i32
    %dma_start3A_22 = arith.constant 0 : i32
    %dma_start3A_23 = tpu.memref_slice %arg7[%dma_start3A, %dma_start3A_21, %dma_start3A_22] : memref<3x4x80xi32, #tpu.memory_space<vmem>> -> memref<1x4x80xi32, #tpu.memory_space<vmem>>
    %dma_start3A_24 = tpu.memref_squeeze %dma_start3A_23 : memref<1x4x80xi32, #tpu.memory_space<vmem>> -> memref<4x80xi32, #tpu.memory_space<vmem>>
    %dma_start3A_25 = arith.constant 0 : i32
    %dma_start3A_26 = arith.constant 0 : i32
    %dma_start3A_27 = tpu.memref_slice %arg3[%add3A_12, %dma_start3A_25, %dma_start3A_26] : memref<1000x4x80xi32, #tpu.memory_space<hbm>> -> memref<1x4x80xi32, #tpu.memory_space<hbm>>
    %dma_start3A_28 = tpu.memref_squeeze %dma_start3A_27 : memref<1x4x80xi32, #tpu.memory_space<hbm>> -> memref<4x80xi32, #tpu.memory_space<hbm>>
    tpu.enqueue_dma source(%dma_start3A_28 : memref<4x80xi32, #tpu.memory_space<hbm>>) target(%dma_start3A_24 : memref<4x80xi32, #tpu.memory_space<vmem>>) target_semaphore(%arg16 : memref<!tpu.dma_semaphore, #tpu.memory_space<semaphore_mem>>)
    %dma_start3A_29 = arith.constant 0 : i32
    %dma_start3A_30 = arith.constant 0 : i32
    %dma_start3A_31 = arith.constant 0 : i32
    %dma_start3A_32 = tpu.memref_slice %arg8[%dma_start3A_29, %dma_start3A_30, %dma_start3A_31] : memref<3x4x80xi32, #tpu.memory_space<vmem>> -> memref<1x4x80xi32, #tpu.memory_space<vmem>>
    %dma_start3A_33 = tpu.memref_squeeze %dma_start3A_32 : memref<1x4x80xi32, #tpu.memory_space<vmem>> -> memref<4x80xi32, #tpu.memory_space<vmem>>
    %dma_start3A_34 = arith.constant 0 : i32
    %dma_start3A_35 = arith.constant 0 : i32
    %dma_start3A_36 = tpu.memref_slice %arg4[%add3A_12, %dma_start3A_34, %dma_start3A_35] : memref<1000x4x80xi32, #tpu.memory_space<hbm>> -> memref<1x4x80xi32, #tpu.memory_space<hbm>>
    %dma_start3A_37 = tpu.memref_squeeze %dma_start3A_36 : memref<1x4x80xi32, #tpu.memory_space<hbm>> -> memref<4x80xi32, #tpu.memory_space<hbm>>
    %dma_start3A_38 = arith.constant 0 : i32
    %dma_start3A_39 = arith.constant 0 : i32
    %dma_start3A_40 = tpu.memref_slice %arg8[%dma_start3A_29, %dma_start3A_38, %dma_start3A_39] : memref<3x4x80xi32, #tpu.memory_space<vmem>> -> memref<1x4x80xi32, #tpu.memory_space<vmem>>
    %dma_start3A_41 = tpu.memref_squeeze %dma_start3A_40 : memref<1x4x80xi32, #tpu.memory_space<vmem>> -> memref<4x80xi32, #tpu.memory_space<vmem>>
    %dma_start3A_42 = arith.constant 0 : i32
    %dma_start3A_43 = arith.constant 0 : i32
    %dma_start3A_44 = tpu.memref_slice %arg4[%add3A_12, %dma_start3A_42, %dma_start3A_43] : memref<1000x4x80xi32, #tpu.memory_space<hbm>> -> memref<1x4x80xi32, #tpu.memory_space<hbm>>
    %dma_start3A_45 = tpu.memref_squeeze %dma_start3A_44 : memref<1x4x80xi32, #tpu.memory_space<hbm>> -> memref<4x80xi32, #tpu.memory_space<hbm>>
    tpu.enqueue_dma source(%dma_start3A_45 : memref<4x80xi32, #tpu.memory_space<hbm>>) target(%dma_start3A_41 : memref<4x80xi32, #tpu.memory_space<vmem>>) target_semaphore(%arg16 : memref<!tpu.dma_semaphore, #tpu.memory_space<semaphore_mem>>)
    %while3A = arith.constant 0 : i32
    %while3A_46 = arith.constant 0 : i32
    %while3A_47 = arith.subi %add3A_8, %while3A_46 : i32
    %while3A_48 = arith.addi %while3A_46, %while3A_47 : i32
    %while3A_49 = arith.constant 1 : i32
    %while3A_50 = arith.divsi %while3A_47, %while3A_49 : i32
    %while3A_51 = arith.muli %while3A_50, %while3A_49 : i32
    %while3A_52 = arith.addi %while3A_46, %while3A_51 : i32
    %while3A_53 = arith.constant 1 : i32
    scf.for %while3A_119 = %while3A_46 to %while3A_52 step %while3A_53  : i32 {
      %rem3A = arith.constant 3 : i32
      %rem3A_120 = arith.remsi %while3A_119, %rem3A : i32
      %dma_wait3A_121 = arith.constant 0 : i32
      %dma_wait3A_122 = arith.constant 0 : i32
      %dma_wait3A_123 = tpu.memref_slice %arg7[%rem3A_120, %dma_wait3A_121, %dma_wait3A_122] : memref<3x4x80xi32, #tpu.memory_space<vmem>> -> memref<1x4x80xi32, #tpu.memory_space<vmem>>
      %dma_wait3A_124 = tpu.memref_squeeze %dma_wait3A_123 : memref<1x4x80xi32, #tpu.memory_space<vmem>> -> memref<4x80xi32, #tpu.memory_space<vmem>>
      %dma_wait3A_125 = arith.constant 0 : i32
      %dma_wait3A_126 = arith.constant 0 : i32
      %dma_wait3A_127 = tpu.memref_slice %arg3[%add3A_12, %dma_wait3A_125, %dma_wait3A_126] : memref<1000x4x80xi32, #tpu.memory_space<hbm>> -> memref<1x4x80xi32, #tpu.memory_space<hbm>>
      %dma_wait3A_128 = tpu.memref_squeeze %dma_wait3A_127 : memref<1x4x80xi32, #tpu.memory_space<hbm>> -> memref<4x80xi32, #tpu.memory_space<hbm>>
      %dma_wait3A_129 = arith.constant 0 : i32
      %dma_wait3A_130 = arith.constant 0 : i32
      %dma_wait3A_131 = tpu.memref_slice %arg7[%rem3A_120, %dma_wait3A_129, %dma_wait3A_130] : memref<3x4x80xi32, #tpu.memory_space<vmem>> -> memref<1x4x80xi32, #tpu.memory_space<vmem>>
      %dma_wait3A_132 = tpu.memref_squeeze %dma_wait3A_131 : memref<1x4x80xi32, #tpu.memory_space<vmem>> -> memref<4x80xi32, #tpu.memory_space<vmem>>
      %dma_wait3A_133 = arith.constant 0 : i32
      %dma_wait3A_134 = arith.constant 0 : i32
      %dma_wait3A_135 = tpu.memref_slice %arg3[%add3A_12, %dma_wait3A_133, %dma_wait3A_134] : memref<1000x4x80xi32, #tpu.memory_space<hbm>> -> memref<1x4x80xi32, #tpu.memory_space<hbm>>
      %dma_wait3A_136 = tpu.memref_squeeze %dma_wait3A_135 : memref<1x4x80xi32, #tpu.memory_space<hbm>> -> memref<4x80xi32, #tpu.memory_space<hbm>>
      tpu.wait_dma2 semaphore(%arg16 : memref<!tpu.dma_semaphore, #tpu.memory_space<semaphore_mem>>) src(%dma_wait3A_136 : memref<4x80xi32, #tpu.memory_space<hbm>>) dst(%dma_wait3A_132 : memref<4x80xi32, #tpu.memory_space<vmem>>)
      %dma_wait3A_137 = arith.constant 0 : i32
      %dma_wait3A_138 = arith.constant 0 : i32
      %dma_wait3A_139 = tpu.memref_slice %arg8[%rem3A_120, %dma_wait3A_137, %dma_wait3A_138] : memref<3x4x80xi32, #tpu.memory_space<vmem>> -> memref<1x4x80xi32, #tpu.memory_space<vmem>>
      %dma_wait3A_140 = tpu.memref_squeeze %dma_wait3A_139 : memref<1x4x80xi32, #tpu.memory_space<vmem>> -> memref<4x80xi32, #tpu.memory_space<vmem>>
      %dma_wait3A_141 = arith.constant 0 : i32
      %dma_wait3A_142 = arith.constant 0 : i32
      %dma_wait3A_143 = tpu.memref_slice %arg4[%add3A_12, %dma_wait3A_141, %dma_wait3A_142] : memref<1000x4x80xi32, #tpu.memory_space<hbm>> -> memref<1x4x80xi32, #tpu.memory_space<hbm>>
      %dma_wait3A_144 = tpu.memref_squeeze %dma_wait3A_143 : memref<1x4x80xi32, #tpu.memory_space<hbm>> -> memref<4x80xi32, #tpu.memory_space<hbm>>
      %dma_wait3A_145 = arith.constant 0 : i32
      %dma_wait3A_146 = arith.constant 0 : i32
      %dma_wait3A_147 = tpu.memref_slice %arg8[%rem3A_120, %dma_wait3A_145, %dma_wait3A_146] : memref<3x4x80xi32, #tpu.memory_space<vmem>> -> memref<1x4x80xi32, #tpu.memory_space<vmem>>
      %dma_wait3A_148 = tpu.memref_squeeze %dma_wait3A_147 : memref<1x4x80xi32, #tpu.memory_space<vmem>> -> memref<4x80xi32, #tpu.memory_space<vmem>>
      %dma_wait3A_149 = arith.constant 0 : i32
      %dma_wait3A_150 = arith.constant 0 : i32
      %dma_wait3A_151 = tpu.memref_slice %arg4[%add3A_12, %dma_wait3A_149, %dma_wait3A_150] : memref<1000x4x80xi32, #tpu.memory_space<hbm>> -> memref<1x4x80xi32, #tpu.memory_space<hbm>>
      %dma_wait3A_152 = tpu.memref_squeeze %dma_wait3A_151 : memref<1x4x80xi32, #tpu.memory_space<hbm>> -> memref<4x80xi32, #tpu.memory_space<hbm>>
      tpu.wait_dma2 semaphore(%arg16 : memref<!tpu.dma_semaphore, #tpu.memory_space<semaphore_mem>>) src(%dma_wait3A_152 : memref<4x80xi32, #tpu.memory_space<hbm>>) dst(%dma_wait3A_148 : memref<4x80xi32, #tpu.memory_space<vmem>>)
      %add3A_153 = arith.constant 1 : i32
      %add3A_154 = arith.addi %while3A_119, %add3A_153 : i32
      %lt3A_155 = arith.cmpi slt, %add3A_154, %add3A_8 : i32
      %convert_element_type3A = arith.extui %lt3A_155 : i1 to i32
      %cond3A = arith.constant 0 : i32
      %cond3A_156 = arith.cmpi ne, %convert_element_type3A, %cond3A : i32
      scf.if %cond3A_156 {
        %add3A_353 = arith.constant 1 : i32
        %add3A_354 = arith.addi %while3A_119, %add3A_353 : i32
        %rem3A_355 = arith.constant 3 : i32
        %rem3A_356 = arith.remsi %add3A_354, %rem3A_355 : i32
        %add3A_357 = arith.addi %add3A_12, %while3A_119 : i32
        %add3A_358 = arith.constant 1 : i32
        %add3A_359 = arith.addi %add3A_357, %add3A_358 : i32
        %dma_start3A_360 = arith.constant 0 : i32
        %dma_start3A_361 = arith.constant 0 : i32
        %dma_start3A_362 = tpu.memref_slice %arg7[%rem3A_356, %dma_start3A_360, %dma_start3A_361] : memref<3x4x80xi32, #tpu.memory_space<vmem>> -> memref<1x4x80xi32, #tpu.memory_space<vmem>>
        %dma_start3A_363 = tpu.memref_squeeze %dma_start3A_362 : memref<1x4x80xi32, #tpu.memory_space<vmem>> -> memref<4x80xi32, #tpu.memory_space<vmem>>
        %dma_start3A_364 = arith.constant 0 : i32
        %dma_start3A_365 = arith.constant 0 : i32
        %dma_start3A_366 = tpu.memref_slice %arg3[%add3A_359, %dma_start3A_364, %dma_start3A_365] : memref<1000x4x80xi32, #tpu.memory_space<hbm>> -> memref<1x4x80xi32, #tpu.memory_space<hbm>>
        %dma_start3A_367 = tpu.memref_squeeze %dma_start3A_366 : memref<1x4x80xi32, #tpu.memory_space<hbm>> -> memref<4x80xi32, #tpu.memory_space<hbm>>
        %dma_start3A_368 = arith.constant 0 : i32
        %dma_start3A_369 = arith.constant 0 : i32
        %dma_start3A_370 = tpu.memref_slice %arg7[%rem3A_356, %dma_start3A_368, %dma_start3A_369] : memref<3x4x80xi32, #tpu.memory_space<vmem>> -> memref<1x4x80xi32, #tpu.memory_space<vmem>>
        %dma_start3A_371 = tpu.memref_squeeze %dma_start3A_370 : memref<1x4x80xi32, #tpu.memory_space<vmem>> -> memref<4x80xi32, #tpu.memory_space<vmem>>
        %dma_start3A_372 = arith.constant 0 : i32
        %dma_start3A_373 = arith.constant 0 : i32
        %dma_start3A_374 = tpu.memref_slice %arg3[%add3A_359, %dma_start3A_372, %dma_start3A_373] : memref<1000x4x80xi32, #tpu.memory_space<hbm>> -> memref<1x4x80xi32, #tpu.memory_space<hbm>>
        %dma_start3A_375 = tpu.memref_squeeze %dma_start3A_374 : memref<1x4x80xi32, #tpu.memory_space<hbm>> -> memref<4x80xi32, #tpu.memory_space<hbm>>
        tpu.enqueue_dma source(%dma_start3A_375 : memref<4x80xi32, #tpu.memory_space<hbm>>) target(%dma_start3A_371 : memref<4x80xi32, #tpu.memory_space<vmem>>) target_semaphore(%arg16 : memref<!tpu.dma_semaphore, #tpu.memory_space<semaphore_mem>>)
        %add3A_376 = arith.addi %add3A_12, %while3A_119 : i32
        %add3A_377 = arith.constant 1 : i32
        %add3A_378 = arith.addi %add3A_376, %add3A_377 : i32
        %dma_start3A_379 = arith.constant 0 : i32
        %dma_start3A_380 = arith.constant 0 : i32
        %dma_start3A_381 = tpu.memref_slice %arg8[%rem3A_356, %dma_start3A_379, %dma_start3A_380] : memref<3x4x80xi32, #tpu.memory_space<vmem>> -> memref<1x4x80xi32, #tpu.memory_space<vmem>>
        %dma_start3A_382 = tpu.memref_squeeze %dma_start3A_381 : memref<1x4x80xi32, #tpu.memory_space<vmem>> -> memref<4x80xi32, #tpu.memory_space<vmem>>
        %dma_start3A_383 = arith.constant 0 : i32
        %dma_start3A_384 = arith.constant 0 : i32
        %dma_start3A_385 = tpu.memref_slice %arg4[%add3A_378, %dma_start3A_383, %dma_start3A_384] : memref<1000x4x80xi32, #tpu.memory_space<hbm>> -> memref<1x4x80xi32, #tpu.memory_space<hbm>>
        %dma_start3A_386 = tpu.memref_squeeze %dma_start3A_385 : memref<1x4x80xi32, #tpu.memory_space<hbm>> -> memref<4x80xi32, #tpu.memory_space<hbm>>
        %dma_start3A_387 = arith.constant 0 : i32
        %dma_start3A_388 = arith.constant 0 : i32
        %dma_start3A_389 = tpu.memref_slice %arg8[%rem3A_356, %dma_start3A_387, %dma_start3A_388] : memref<3x4x80xi32, #tpu.memory_space<vmem>> -> memref<1x4x80xi32, #tpu.memory_space<vmem>>
        %dma_start3A_390 = tpu.memref_squeeze %dma_start3A_389 : memref<1x4x80xi32, #tpu.memory_space<vmem>> -> memref<4x80xi32, #tpu.memory_space<vmem>>
        %dma_start3A_391 = arith.constant 0 : i32
        %dma_start3A_392 = arith.constant 0 : i32
        %dma_start3A_393 = tpu.memref_slice %arg4[%add3A_378, %dma_start3A_391, %dma_start3A_392] : memref<1000x4x80xi32, #tpu.memory_space<hbm>> -> memref<1x4x80xi32, #tpu.memory_space<hbm>>
        %dma_start3A_394 = tpu.memref_squeeze %dma_start3A_393 : memref<1x4x80xi32, #tpu.memory_space<hbm>> -> memref<4x80xi32, #tpu.memory_space<hbm>>
        tpu.enqueue_dma source(%dma_start3A_394 : memref<4x80xi32, #tpu.memory_space<hbm>>) target(%dma_start3A_390 : memref<4x80xi32, #tpu.memory_space<vmem>>) target_semaphore(%arg16 : memref<!tpu.dma_semaphore, #tpu.memory_space<semaphore_mem>>)
      } else {
      }
      %gt3A = arith.constant 0 : i32
      %gt3A_157 = arith.cmpi sgt, %while3A_119, %gt3A : i32
      %convert_element_type3A_158 = arith.extui %gt3A_157 : i1 to i32
      %cond3A_159 = arith.constant 0 : i32
      %cond3A_160 = arith.cmpi ne, %convert_element_type3A_158, %cond3A_159 : i32
      scf.if %cond3A_160 {
        %dma_wait3A_353 = arith.constant 0 : i32
        %dma_wait3A_354 = arith.constant 0 : i32
        %dma_wait3A_355 = arith.constant 0 : i32
        %dma_wait3A_356 = tpu.memref_slice %arg9[%dma_wait3A_353, %dma_wait3A_354, %dma_wait3A_355] : memref<4x80x128xf32, #tpu.memory_space<vmem>> -> memref<1x80x128xf32, #tpu.memory_space<vmem>>
        %dma_wait3A_357 = tpu.memref_squeeze %dma_wait3A_356 : memref<1x80x128xf32, #tpu.memory_space<vmem>> -> memref<80x128xf32, #tpu.memory_space<vmem>>
        %dma_wait3A_358 = arith.constant 0 : i32
        %dma_wait3A_359 = arith.constant 0 : i32
        %dma_wait3A_360 = tpu.memref_slice %arg5[%dma_wait3A_358, %dma_wait3A_359] : memref<10240x128xf32, #tpu.memory_space<hbm>> -> memref<80x128xf32, #tpu.memory_space<hbm>>
        %dma_wait3A_361 = arith.constant 0 : i32
        %dma_wait3A_362 = arith.constant 0 : i32
        %dma_wait3A_363 = tpu.memref_slice %arg9[%dma_wait3A_353, %dma_wait3A_361, %dma_wait3A_362] : memref<4x80x128xf32, #tpu.memory_space<vmem>> -> memref<1x80x128xf32, #tpu.memory_space<vmem>>
        %dma_wait3A_364 = tpu.memref_squeeze %dma_wait3A_363 : memref<1x80x128xf32, #tpu.memory_space<vmem>> -> memref<80x128xf32, #tpu.memory_space<vmem>>
        %dma_wait3A_365 = arith.constant 0 : i32
        %dma_wait3A_366 = arith.constant 0 : i32
        %dma_wait3A_367 = tpu.memref_slice %arg5[%dma_wait3A_365, %dma_wait3A_366] : memref<10240x128xf32, #tpu.memory_space<hbm>> -> memref<80x128xf32, #tpu.memory_space<hbm>>
        tpu.wait_dma2 semaphore(%arg15 : memref<!tpu.dma_semaphore, #tpu.memory_space<semaphore_mem>>) src(%dma_wait3A_367 : memref<80x128xf32, #tpu.memory_space<hbm>>) dst(%dma_wait3A_364 : memref<80x128xf32, #tpu.memory_space<vmem>>)
        %dma_wait3A_368 = arith.constant 1 : i32
        %dma_wait3A_369 = arith.constant 0 : i32
        %dma_wait3A_370 = arith.constant 0 : i32
        %dma_wait3A_371 = tpu.memref_slice %arg9[%dma_wait3A_368, %dma_wait3A_369, %dma_wait3A_370] : memref<4x80x128xf32, #tpu.memory_space<vmem>> -> memref<1x80x128xf32, #tpu.memory_space<vmem>>
        %dma_wait3A_372 = tpu.memref_squeeze %dma_wait3A_371 : memref<1x80x128xf32, #tpu.memory_space<vmem>> -> memref<80x128xf32, #tpu.memory_space<vmem>>
        %dma_wait3A_373 = arith.constant 0 : i32
        %dma_wait3A_374 = arith.constant 0 : i32
        %dma_wait3A_375 = tpu.memref_slice %arg5[%dma_wait3A_373, %dma_wait3A_374] : memref<10240x128xf32, #tpu.memory_space<hbm>> -> memref<80x128xf32, #tpu.memory_space<hbm>>
        %dma_wait3A_376 = arith.constant 0 : i32
        %dma_wait3A_377 = arith.constant 0 : i32
        %dma_wait3A_378 = tpu.memref_slice %arg9[%dma_wait3A_368, %dma_wait3A_376, %dma_wait3A_377] : memref<4x80x128xf32, #tpu.memory_space<vmem>> -> memref<1x80x128xf32, #tpu.memory_space<vmem>>
        %dma_wait3A_379 = tpu.memref_squeeze %dma_wait3A_378 : memref<1x80x128xf32, #tpu.memory_space<vmem>> -> memref<80x128xf32, #tpu.memory_space<vmem>>
        %dma_wait3A_380 = arith.constant 0 : i32
        %dma_wait3A_381 = arith.constant 0 : i32
        %dma_wait3A_382 = tpu.memref_slice %arg5[%dma_wait3A_380, %dma_wait3A_381] : memref<10240x128xf32, #tpu.memory_space<hbm>> -> memref<80x128xf32, #tpu.memory_space<hbm>>
        tpu.wait_dma2 semaphore(%arg15 : memref<!tpu.dma_semaphore, #tpu.memory_space<semaphore_mem>>) src(%dma_wait3A_382 : memref<80x128xf32, #tpu.memory_space<hbm>>) dst(%dma_wait3A_379 : memref<80x128xf32, #tpu.memory_space<vmem>>)
        %dma_wait3A_383 = arith.constant 2 : i32
        %dma_wait3A_384 = arith.constant 0 : i32
        %dma_wait3A_385 = arith.constant 0 : i32
        %dma_wait3A_386 = tpu.memref_slice %arg9[%dma_wait3A_383, %dma_wait3A_384, %dma_wait3A_385] : memref<4x80x128xf32, #tpu.memory_space<vmem>> -> memref<1x80x128xf32, #tpu.memory_space<vmem>>
        %dma_wait3A_387 = tpu.memref_squeeze %dma_wait3A_386 : memref<1x80x128xf32, #tpu.memory_space<vmem>> -> memref<80x128xf32, #tpu.memory_space<vmem>>
        %dma_wait3A_388 = arith.constant 0 : i32
        %dma_wait3A_389 = arith.constant 0 : i32
        %dma_wait3A_390 = tpu.memref_slice %arg5[%dma_wait3A_388, %dma_wait3A_389] : memref<10240x128xf32, #tpu.memory_space<hbm>> -> memref<80x128xf32, #tpu.memory_space<hbm>>
        %dma_wait3A_391 = arith.constant 0 : i32
        %dma_wait3A_392 = arith.constant 0 : i32
        %dma_wait3A_393 = tpu.memref_slice %arg9[%dma_wait3A_383, %dma_wait3A_391, %dma_wait3A_392] : memref<4x80x128xf32, #tpu.memory_space<vmem>> -> memref<1x80x128xf32, #tpu.memory_space<vmem>>
        %dma_wait3A_394 = tpu.memref_squeeze %dma_wait3A_393 : memref<1x80x128xf32, #tpu.memory_space<vmem>> -> memref<80x128xf32, #tpu.memory_space<vmem>>
        %dma_wait3A_395 = arith.constant 0 : i32
        %dma_wait3A_396 = arith.constant 0 : i32
        %dma_wait3A_397 = tpu.memref_slice %arg5[%dma_wait3A_395, %dma_wait3A_396] : memref<10240x128xf32, #tpu.memory_space<hbm>> -> memref<80x128xf32, #tpu.memory_space<hbm>>
        tpu.wait_dma2 semaphore(%arg15 : memref<!tpu.dma_semaphore, #tpu.memory_space<semaphore_mem>>) src(%dma_wait3A_397 : memref<80x128xf32, #tpu.memory_space<hbm>>) dst(%dma_wait3A_394 : memref<80x128xf32, #tpu.memory_space<vmem>>)
        %dma_wait3A_398 = arith.constant 3 : i32
        %dma_wait3A_399 = arith.constant 0 : i32
        %dma_wait3A_400 = arith.constant 0 : i32
        %dma_wait3A_401 = tpu.memref_slice %arg9[%dma_wait3A_398, %dma_wait3A_399, %dma_wait3A_400] : memref<4x80x128xf32, #tpu.memory_space<vmem>> -> memref<1x80x128xf32, #tpu.memory_space<vmem>>
        %dma_wait3A_402 = tpu.memref_squeeze %dma_wait3A_401 : memref<1x80x128xf32, #tpu.memory_space<vmem>> -> memref<80x128xf32, #tpu.memory_space<vmem>>
        %dma_wait3A_403 = arith.constant 0 : i32
        %dma_wait3A_404 = arith.constant 0 : i32
        %dma_wait3A_405 = tpu.memref_slice %arg5[%dma_wait3A_403, %dma_wait3A_404] : memref<10240x128xf32, #tpu.memory_space<hbm>> -> memref<80x128xf32, #tpu.memory_space<hbm>>
        %dma_wait3A_406 = arith.constant 0 : i32
        %dma_wait3A_407 = arith.constant 0 : i32
        %dma_wait3A_408 = tpu.memref_slice %arg9[%dma_wait3A_398, %dma_wait3A_406, %dma_wait3A_407] : memref<4x80x128xf32, #tpu.memory_space<vmem>> -> memref<1x80x128xf32, #tpu.memory_space<vmem>>
        %dma_wait3A_409 = tpu.memref_squeeze %dma_wait3A_408 : memref<1x80x128xf32, #tpu.memory_space<vmem>> -> memref<80x128xf32, #tpu.memory_space<vmem>>
        %dma_wait3A_410 = arith.constant 0 : i32
        %dma_wait3A_411 = arith.constant 0 : i32
        %dma_wait3A_412 = tpu.memref_slice %arg5[%dma_wait3A_410, %dma_wait3A_411] : memref<10240x128xf32, #tpu.memory_space<hbm>> -> memref<80x128xf32, #tpu.memory_space<hbm>>
        tpu.wait_dma2 semaphore(%arg15 : memref<!tpu.dma_semaphore, #tpu.memory_space<semaphore_mem>>) src(%dma_wait3A_412 : memref<80x128xf32, #tpu.memory_space<hbm>>) dst(%dma_wait3A_409 : memref<80x128xf32, #tpu.memory_space<vmem>>)
      } else {
      }
      %dma_start3A_161 = arith.constant 0 : i32
      %dma_start3A_162 = arith.constant 0 : i32
      %dma_start3A_163 = arith.constant 0 : i32
      %dma_start3A_164 = arith.constant 0 : i32
      %dma_start3A_165 = tpu.memref_slice %arg9[%dma_start3A_162, %dma_start3A_163, %dma_start3A_164] : memref<4x80x128xf32, #tpu.memory_space<vmem>> -> memref<1x80x128xf32, #tpu.memory_space<vmem>>
      %dma_start3A_166 = tpu.memref_squeeze %dma_start3A_165 : memref<1x80x128xf32, #tpu.memory_space<vmem>> -> memref<80x128xf32, #tpu.memory_space<vmem>>
      %dma_start3A_167 = arith.constant 0 : i32
      %dma_start3A_168 = arith.constant 0 : i32
      %dma_start3A_169 = tpu.memref_slice %arg7[%rem3A_120, %dma_start3A_167, %dma_start3A_168] : memref<3x4x80xi32, #tpu.memory_space<vmem>> -> memref<1x4x80xi32, #tpu.memory_space<vmem>>
      %dma_start3A_170 = tpu.memref_squeeze %dma_start3A_169 : memref<1x4x80xi32, #tpu.memory_space<vmem>> -> memref<4x80xi32, #tpu.memory_space<vmem>>
      %dma_start3A_171 = arith.constant 0 : i32
      %dma_start3A_172 = tpu.memref_slice %dma_start3A_170[%dma_start3A_161, %dma_start3A_171] : memref<4x80xi32, #tpu.memory_space<vmem>> -> memref<1x80xi32, #tpu.memory_space<vmem>>
      %dma_start3A_173 = tpu.memref_squeeze %dma_start3A_172 : memref<1x80xi32, #tpu.memory_space<vmem>> -> memref<80xi32, #tpu.memory_space<vmem>>
      %dma_start3A_174 = arith.constant 0 : i32
      %dma_start3A_175 = arith.constant 0 : i32
      %dma_start3A_176 = tpu.memref_slice %arg2[%dma_start3A_174, %dma_start3A_175] : memref<10000x128xf32, #tpu.memory_space<hbm>> -> memref<10000x128xf32, #tpu.memory_space<hbm>>
      tpu.enqueue_indirect_dma source(%dma_start3A_176 : memref<10000x128xf32, #tpu.memory_space<hbm>>) target(%dma_start3A_166 : memref<80x128xf32, #tpu.memory_space<vmem>>) offsets(%dma_start3A_173 : memref<80xi32, #tpu.memory_space<vmem>>) semaphore(%arg11 : memref<!tpu.dma_semaphore, #tpu.memory_space<semaphore_mem>>)
      %dma_start3A_177 = arith.constant 1 : i32
      %dma_start3A_178 = arith.constant 1 : i32
      %dma_start3A_179 = arith.constant 0 : i32
      %dma_start3A_180 = arith.constant 0 : i32
      %dma_start3A_181 = tpu.memref_slice %arg9[%dma_start3A_178, %dma_start3A_179, %dma_start3A_180] : memref<4x80x128xf32, #tpu.memory_space<vmem>> -> memref<1x80x128xf32, #tpu.memory_space<vmem>>
      %dma_start3A_182 = tpu.memref_squeeze %dma_start3A_181 : memref<1x80x128xf32, #tpu.memory_space<vmem>> -> memref<80x128xf32, #tpu.memory_space<vmem>>
      %dma_start3A_183 = arith.constant 0 : i32
      %dma_start3A_184 = arith.constant 0 : i32
      %dma_start3A_185 = tpu.memref_slice %arg7[%rem3A_120, %dma_start3A_183, %dma_start3A_184] : memref<3x4x80xi32, #tpu.memory_space<vmem>> -> memref<1x4x80xi32, #tpu.memory_space<vmem>>
      %dma_start3A_186 = tpu.memref_squeeze %dma_start3A_185 : memref<1x4x80xi32, #tpu.memory_space<vmem>> -> memref<4x80xi32, #tpu.memory_space<vmem>>
      %dma_start3A_187 = arith.constant 0 : i32
      %dma_start3A_188 = tpu.memref_slice %dma_start3A_186[%dma_start3A_177, %dma_start3A_187] : memref<4x80xi32, #tpu.memory_space<vmem>> -> memref<1x80xi32, #tpu.memory_space<vmem>>
      %dma_start3A_189 = tpu.memref_squeeze %dma_start3A_188 : memref<1x80xi32, #tpu.memory_space<vmem>> -> memref<80xi32, #tpu.memory_space<vmem>>
      %dma_start3A_190 = arith.constant 0 : i32
      %dma_start3A_191 = arith.constant 0 : i32
      %dma_start3A_192 = tpu.memref_slice %arg2[%dma_start3A_190, %dma_start3A_191] : memref<10000x128xf32, #tpu.memory_space<hbm>> -> memref<10000x128xf32, #tpu.memory_space<hbm>>
      tpu.enqueue_indirect_dma source(%dma_start3A_192 : memref<10000x128xf32, #tpu.memory_space<hbm>>) target(%dma_start3A_182 : memref<80x128xf32, #tpu.memory_space<vmem>>) offsets(%dma_start3A_189 : memref<80xi32, #tpu.memory_space<vmem>>) semaphore(%arg12 : memref<!tpu.dma_semaphore, #tpu.memory_space<semaphore_mem>>)
      %dma_start3A_193 = arith.constant 2 : i32
      %dma_start3A_194 = arith.constant 2 : i32
      %dma_start3A_195 = arith.constant 0 : i32
      %dma_start3A_196 = arith.constant 0 : i32
      %dma_start3A_197 = tpu.memref_slice %arg9[%dma_start3A_194, %dma_start3A_195, %dma_start3A_196] : memref<4x80x128xf32, #tpu.memory_space<vmem>> -> memref<1x80x128xf32, #tpu.memory_space<vmem>>
      %dma_start3A_198 = tpu.memref_squeeze %dma_start3A_197 : memref<1x80x128xf32, #tpu.memory_space<vmem>> -> memref<80x128xf32, #tpu.memory_space<vmem>>
      %dma_start3A_199 = arith.constant 0 : i32
      %dma_start3A_200 = arith.constant 0 : i32
      %dma_start3A_201 = tpu.memref_slice %arg7[%rem3A_120, %dma_start3A_199, %dma_start3A_200] : memref<3x4x80xi32, #tpu.memory_space<vmem>> -> memref<1x4x80xi32, #tpu.memory_space<vmem>>
      %dma_start3A_202 = tpu.memref_squeeze %dma_start3A_201 : memref<1x4x80xi32, #tpu.memory_space<vmem>> -> memref<4x80xi32, #tpu.memory_space<vmem>>
      %dma_start3A_203 = arith.constant 0 : i32
      %dma_start3A_204 = tpu.memref_slice %dma_start3A_202[%dma_start3A_193, %dma_start3A_203] : memref<4x80xi32, #tpu.memory_space<vmem>> -> memref<1x80xi32, #tpu.memory_space<vmem>>
      %dma_start3A_205 = tpu.memref_squeeze %dma_start3A_204 : memref<1x80xi32, #tpu.memory_space<vmem>> -> memref<80xi32, #tpu.memory_space<vmem>>
      %dma_start3A_206 = arith.constant 0 : i32
      %dma_start3A_207 = arith.constant 0 : i32
      %dma_start3A_208 = tpu.memref_slice %arg2[%dma_start3A_206, %dma_start3A_207] : memref<10000x128xf32, #tpu.memory_space<hbm>> -> memref<10000x128xf32, #tpu.memory_space<hbm>>
      tpu.enqueue_indirect_dma source(%dma_start3A_208 : memref<10000x128xf32, #tpu.memory_space<hbm>>) target(%dma_start3A_198 : memref<80x128xf32, #tpu.memory_space<vmem>>) offsets(%dma_start3A_205 : memref<80xi32, #tpu.memory_space<vmem>>) semaphore(%arg13 : memref<!tpu.dma_semaphore, #tpu.memory_space<semaphore_mem>>)
      %dma_start3A_209 = arith.constant 3 : i32
      %dma_start3A_210 = arith.constant 3 : i32
      %dma_start3A_211 = arith.constant 0 : i32
      %dma_start3A_212 = arith.constant 0 : i32
      %dma_start3A_213 = tpu.memref_slice %arg9[%dma_start3A_210, %dma_start3A_211, %dma_start3A_212] : memref<4x80x128xf32, #tpu.memory_space<vmem>> -> memref<1x80x128xf32, #tpu.memory_space<vmem>>
      %dma_start3A_214 = tpu.memref_squeeze %dma_start3A_213 : memref<1x80x128xf32, #tpu.memory_space<vmem>> -> memref<80x128xf32, #tpu.memory_space<vmem>>
      %dma_start3A_215 = arith.constant 0 : i32
      %dma_start3A_216 = arith.constant 0 : i32
      %dma_start3A_217 = tpu.memref_slice %arg7[%rem3A_120, %dma_start3A_215, %dma_start3A_216] : memref<3x4x80xi32, #tpu.memory_space<vmem>> -> memref<1x4x80xi32, #tpu.memory_space<vmem>>
      %dma_start3A_218 = tpu.memref_squeeze %dma_start3A_217 : memref<1x4x80xi32, #tpu.memory_space<vmem>> -> memref<4x80xi32, #tpu.memory_space<vmem>>
      %dma_start3A_219 = arith.constant 0 : i32
      %dma_start3A_220 = tpu.memref_slice %dma_start3A_218[%dma_start3A_209, %dma_start3A_219] : memref<4x80xi32, #tpu.memory_space<vmem>> -> memref<1x80xi32, #tpu.memory_space<vmem>>
      %dma_start3A_221 = tpu.memref_squeeze %dma_start3A_220 : memref<1x80xi32, #tpu.memory_space<vmem>> -> memref<80xi32, #tpu.memory_space<vmem>>
      %dma_start3A_222 = arith.constant 0 : i32
      %dma_start3A_223 = arith.constant 0 : i32
      %dma_start3A_224 = tpu.memref_slice %arg2[%dma_start3A_222, %dma_start3A_223] : memref<10000x128xf32, #tpu.memory_space<hbm>> -> memref<10000x128xf32, #tpu.memory_space<hbm>>
      tpu.enqueue_indirect_dma source(%dma_start3A_224 : memref<10000x128xf32, #tpu.memory_space<hbm>>) target(%dma_start3A_214 : memref<80x128xf32, #tpu.memory_space<vmem>>) offsets(%dma_start3A_221 : memref<80xi32, #tpu.memory_space<vmem>>) semaphore(%arg14 : memref<!tpu.dma_semaphore, #tpu.memory_space<semaphore_mem>>)
      %dma_wait3A_225 = arith.constant 0 : i32
      %dma_wait3A_226 = arith.constant 0 : i32
      %dma_wait3A_227 = arith.constant 0 : i32
      %dma_wait3A_228 = arith.constant 0 : i32
      %dma_wait3A_229 = tpu.memref_slice %arg9[%dma_wait3A_226, %dma_wait3A_227, %dma_wait3A_228] : memref<4x80x128xf32, #tpu.memory_space<vmem>> -> memref<1x80x128xf32, #tpu.memory_space<vmem>>
      %dma_wait3A_230 = tpu.memref_squeeze %dma_wait3A_229 : memref<1x80x128xf32, #tpu.memory_space<vmem>> -> memref<80x128xf32, #tpu.memory_space<vmem>>
      %dma_wait3A_231 = arith.constant 0 : i32
      %dma_wait3A_232 = arith.constant 0 : i32
      %dma_wait3A_233 = tpu.memref_slice %arg7[%rem3A_120, %dma_wait3A_231, %dma_wait3A_232] : memref<3x4x80xi32, #tpu.memory_space<vmem>> -> memref<1x4x80xi32, #tpu.memory_space<vmem>>
      %dma_wait3A_234 = tpu.memref_squeeze %dma_wait3A_233 : memref<1x4x80xi32, #tpu.memory_space<vmem>> -> memref<4x80xi32, #tpu.memory_space<vmem>>
      %dma_wait3A_235 = arith.constant 0 : i32
      %dma_wait3A_236 = tpu.memref_slice %dma_wait3A_234[%dma_wait3A_225, %dma_wait3A_235] : memref<4x80xi32, #tpu.memory_space<vmem>> -> memref<1x80xi32, #tpu.memory_space<vmem>>
      %dma_wait3A_237 = tpu.memref_squeeze %dma_wait3A_236 : memref<1x80xi32, #tpu.memory_space<vmem>> -> memref<80xi32, #tpu.memory_space<vmem>>
      %dma_wait3A_238 = arith.constant 0 : i32
      %dma_wait3A_239 = arith.constant 0 : i32
      %dma_wait3A_240 = tpu.memref_slice %arg2[%dma_wait3A_238, %dma_wait3A_239] : memref<10000x128xf32, #tpu.memory_space<hbm>> -> memref<10000x128xf32, #tpu.memory_space<hbm>>
      tpu.wait_indirect_dma semaphore(%arg11 : memref<!tpu.dma_semaphore, #tpu.memory_space<semaphore_mem>>) src(%dma_wait3A_240 : memref<10000x128xf32, #tpu.memory_space<hbm>>) dst(%dma_wait3A_230 : memref<80x128xf32, #tpu.memory_space<vmem>>)
      %dma_start3A_241 = arith.constant 0 : i32
      %dma_start3A_242 = arith.constant 0 : i32
      %dma_start3A_243 = arith.constant 0 : i32
      %dma_start3A_244 = arith.constant 0 : i32
      %dma_start3A_245 = tpu.memref_slice %arg9[%dma_start3A_241, %dma_start3A_243, %dma_start3A_244] : memref<4x80x128xf32, #tpu.memory_space<vmem>> -> memref<1x80x128xf32, #tpu.memory_space<vmem>>
      %dma_start3A_246 = tpu.memref_squeeze %dma_start3A_245 : memref<1x80x128xf32, #tpu.memory_space<vmem>> -> memref<80x128xf32, #tpu.memory_space<vmem>>
      %dma_start3A_247 = arith.constant 0 : i32
      %dma_start3A_248 = arith.constant 0 : i32
      %dma_start3A_249 = tpu.memref_slice %arg8[%rem3A_120, %dma_start3A_247, %dma_start3A_248] : memref<3x4x80xi32, #tpu.memory_space<vmem>> -> memref<1x4x80xi32, #tpu.memory_space<vmem>>
      %dma_start3A_250 = tpu.memref_squeeze %dma_start3A_249 : memref<1x4x80xi32, #tpu.memory_space<vmem>> -> memref<4x80xi32, #tpu.memory_space<vmem>>
      %dma_start3A_251 = arith.constant 0 : i32
      %dma_start3A_252 = tpu.memref_slice %dma_start3A_250[%dma_start3A_242, %dma_start3A_251] : memref<4x80xi32, #tpu.memory_space<vmem>> -> memref<1x80xi32, #tpu.memory_space<vmem>>
      %dma_start3A_253 = tpu.memref_squeeze %dma_start3A_252 : memref<1x80xi32, #tpu.memory_space<vmem>> -> memref<80xi32, #tpu.memory_space<vmem>>
      %dma_start3A_254 = arith.constant 0 : i32
      %dma_start3A_255 = arith.constant 0 : i32
      %dma_start3A_256 = tpu.memref_slice %arg10[%dma_start3A_254, %dma_start3A_255] : memref<10240x128xf32, #tpu.memory_space<vmem_shared>> -> memref<10240x128xf32, #tpu.memory_space<vmem_shared>>
      tpu.enqueue_indirect_dma source(%dma_start3A_246 : memref<80x128xf32, #tpu.memory_space<vmem>>) target(%dma_start3A_256 : memref<10240x128xf32, #tpu.memory_space<vmem_shared>>) offsets(%dma_start3A_253 : memref<80xi32, #tpu.memory_space<vmem>>) semaphore(%arg15 : memref<!tpu.dma_semaphore, #tpu.memory_space<semaphore_mem>>) {add = true}
      %dma_wait3A_257 = arith.constant 1 : i32
      %dma_wait3A_258 = arith.constant 1 : i32
      %dma_wait3A_259 = arith.constant 0 : i32
      %dma_wait3A_260 = arith.constant 0 : i32
      %dma_wait3A_261 = tpu.memref_slice %arg9[%dma_wait3A_258, %dma_wait3A_259, %dma_wait3A_260] : memref<4x80x128xf32, #tpu.memory_space<vmem>> -> memref<1x80x128xf32, #tpu.memory_space<vmem>>
      %dma_wait3A_262 = tpu.memref_squeeze %dma_wait3A_261 : memref<1x80x128xf32, #tpu.memory_space<vmem>> -> memref<80x128xf32, #tpu.memory_space<vmem>>
      %dma_wait3A_263 = arith.constant 0 : i32
      %dma_wait3A_264 = arith.constant 0 : i32
      %dma_wait3A_265 = tpu.memref_slice %arg7[%rem3A_120, %dma_wait3A_263, %dma_wait3A_264] : memref<3x4x80xi32, #tpu.memory_space<vmem>> -> memref<1x4x80xi32, #tpu.memory_space<vmem>>
      %dma_wait3A_266 = tpu.memref_squeeze %dma_wait3A_265 : memref<1x4x80xi32, #tpu.memory_space<vmem>> -> memref<4x80xi32, #tpu.memory_space<vmem>>
      %dma_wait3A_267 = arith.constant 0 : i32
      %dma_wait3A_268 = tpu.memref_slice %dma_wait3A_266[%dma_wait3A_257, %dma_wait3A_267] : memref<4x80xi32, #tpu.memory_space<vmem>> -> memref<1x80xi32, #tpu.memory_space<vmem>>
      %dma_wait3A_269 = tpu.memref_squeeze %dma_wait3A_268 : memref<1x80xi32, #tpu.memory_space<vmem>> -> memref<80xi32, #tpu.memory_space<vmem>>
      %dma_wait3A_270 = arith.constant 0 : i32
      %dma_wait3A_271 = arith.constant 0 : i32
      %dma_wait3A_272 = tpu.memref_slice %arg2[%dma_wait3A_270, %dma_wait3A_271] : memref<10000x128xf32, #tpu.memory_space<hbm>> -> memref<10000x128xf32, #tpu.memory_space<hbm>>
      tpu.wait_indirect_dma semaphore(%arg12 : memref<!tpu.dma_semaphore, #tpu.memory_space<semaphore_mem>>) src(%dma_wait3A_272 : memref<10000x128xf32, #tpu.memory_space<hbm>>) dst(%dma_wait3A_262 : memref<80x128xf32, #tpu.memory_space<vmem>>)
      %dma_start3A_273 = arith.constant 1 : i32
      %dma_start3A_274 = arith.constant 1 : i32
      %dma_start3A_275 = arith.constant 0 : i32
      %dma_start3A_276 = arith.constant 0 : i32
      %dma_start3A_277 = tpu.memref_slice %arg9[%dma_start3A_273, %dma_start3A_275, %dma_start3A_276] : memref<4x80x128xf32, #tpu.memory_space<vmem>> -> memref<1x80x128xf32, #tpu.memory_space<vmem>>
      %dma_start3A_278 = tpu.memref_squeeze %dma_start3A_277 : memref<1x80x128xf32, #tpu.memory_space<vmem>> -> memref<80x128xf32, #tpu.memory_space<vmem>>
      %dma_start3A_279 = arith.constant 0 : i32
      %dma_start3A_280 = arith.constant 0 : i32
      %dma_start3A_281 = tpu.memref_slice %arg8[%rem3A_120, %dma_start3A_279, %dma_start3A_280] : memref<3x4x80xi32, #tpu.memory_space<vmem>> -> memref<1x4x80xi32, #tpu.memory_space<vmem>>
      %dma_start3A_282 = tpu.memref_squeeze %dma_start3A_281 : memref<1x4x80xi32, #tpu.memory_space<vmem>> -> memref<4x80xi32, #tpu.memory_space<vmem>>
      %dma_start3A_283 = arith.constant 0 : i32
      %dma_start3A_284 = tpu.memref_slice %dma_start3A_282[%dma_start3A_274, %dma_start3A_283] : memref<4x80xi32, #tpu.memory_space<vmem>> -> memref<1x80xi32, #tpu.memory_space<vmem>>
      %dma_start3A_285 = tpu.memref_squeeze %dma_start3A_284 : memref<1x80xi32, #tpu.memory_space<vmem>> -> memref<80xi32, #tpu.memory_space<vmem>>
      %dma_start3A_286 = arith.constant 0 : i32
      %dma_start3A_287 = arith.constant 0 : i32
      %dma_start3A_288 = tpu.memref_slice %arg10[%dma_start3A_286, %dma_start3A_287] : memref<10240x128xf32, #tpu.memory_space<vmem_shared>> -> memref<10240x128xf32, #tpu.memory_space<vmem_shared>>
      tpu.enqueue_indirect_dma source(%dma_start3A_278 : memref<80x128xf32, #tpu.memory_space<vmem>>) target(%dma_start3A_288 : memref<10240x128xf32, #tpu.memory_space<vmem_shared>>) offsets(%dma_start3A_285 : memref<80xi32, #tpu.memory_space<vmem>>) semaphore(%arg15 : memref<!tpu.dma_semaphore, #tpu.memory_space<semaphore_mem>>) {add = true}
      %dma_wait3A_289 = arith.constant 2 : i32
      %dma_wait3A_290 = arith.constant 2 : i32
      %dma_wait3A_291 = arith.constant 0 : i32
      %dma_wait3A_292 = arith.constant 0 : i32
      %dma_wait3A_293 = tpu.memref_slice %arg9[%dma_wait3A_290, %dma_wait3A_291, %dma_wait3A_292] : memref<4x80x128xf32, #tpu.memory_space<vmem>> -> memref<1x80x128xf32, #tpu.memory_space<vmem>>
      %dma_wait3A_294 = tpu.memref_squeeze %dma_wait3A_293 : memref<1x80x128xf32, #tpu.memory_space<vmem>> -> memref<80x128xf32, #tpu.memory_space<vmem>>
      %dma_wait3A_295 = arith.constant 0 : i32
      %dma_wait3A_296 = arith.constant 0 : i32
      %dma_wait3A_297 = tpu.memref_slice %arg7[%rem3A_120, %dma_wait3A_295, %dma_wait3A_296] : memref<3x4x80xi32, #tpu.memory_space<vmem>> -> memref<1x4x80xi32, #tpu.memory_space<vmem>>
      %dma_wait3A_298 = tpu.memref_squeeze %dma_wait3A_297 : memref<1x4x80xi32, #tpu.memory_space<vmem>> -> memref<4x80xi32, #tpu.memory_space<vmem>>
      %dma_wait3A_299 = arith.constant 0 : i32
      %dma_wait3A_300 = tpu.memref_slice %dma_wait3A_298[%dma_wait3A_289, %dma_wait3A_299] : memref<4x80xi32, #tpu.memory_space<vmem>> -> memref<1x80xi32, #tpu.memory_space<vmem>>
      %dma_wait3A_301 = tpu.memref_squeeze %dma_wait3A_300 : memref<1x80xi32, #tpu.memory_space<vmem>> -> memref<80xi32, #tpu.memory_space<vmem>>
      %dma_wait3A_302 = arith.constant 0 : i32
      %dma_wait3A_303 = arith.constant 0 : i32
      %dma_wait3A_304 = tpu.memref_slice %arg2[%dma_wait3A_302, %dma_wait3A_303] : memref<10000x128xf32, #tpu.memory_space<hbm>> -> memref<10000x128xf32, #tpu.memory_space<hbm>>
      tpu.wait_indirect_dma semaphore(%arg13 : memref<!tpu.dma_semaphore, #tpu.memory_space<semaphore_mem>>) src(%dma_wait3A_304 : memref<10000x128xf32, #tpu.memory_space<hbm>>) dst(%dma_wait3A_294 : memref<80x128xf32, #tpu.memory_space<vmem>>)
      %dma_start3A_305 = arith.constant 2 : i32
      %dma_start3A_306 = arith.constant 2 : i32
      %dma_start3A_307 = arith.constant 0 : i32
      %dma_start3A_308 = arith.constant 0 : i32
      %dma_start3A_309 = tpu.memref_slice %arg9[%dma_start3A_305, %dma_start3A_307, %dma_start3A_308] : memref<4x80x128xf32, #tpu.memory_space<vmem>> -> memref<1x80x128xf32, #tpu.memory_space<vmem>>
      %dma_start3A_310 = tpu.memref_squeeze %dma_start3A_309 : memref<1x80x128xf32, #tpu.memory_space<vmem>> -> memref<80x128xf32, #tpu.memory_space<vmem>>
      %dma_start3A_311 = arith.constant 0 : i32
      %dma_start3A_312 = arith.constant 0 : i32
      %dma_start3A_313 = tpu.memref_slice %arg8[%rem3A_120, %dma_start3A_311, %dma_start3A_312] : memref<3x4x80xi32, #tpu.memory_space<vmem>> -> memref<1x4x80xi32, #tpu.memory_space<vmem>>
      %dma_start3A_314 = tpu.memref_squeeze %dma_start3A_313 : memref<1x4x80xi32, #tpu.memory_space<vmem>> -> memref<4x80xi32, #tpu.memory_space<vmem>>
      %dma_start3A_315 = arith.constant 0 : i32
      %dma_start3A_316 = tpu.memref_slice %dma_start3A_314[%dma_start3A_306, %dma_start3A_315] : memref<4x80xi32, #tpu.memory_space<vmem>> -> memref<1x80xi32, #tpu.memory_space<vmem>>
      %dma_start3A_317 = tpu.memref_squeeze %dma_start3A_316 : memref<1x80xi32, #tpu.memory_space<vmem>> -> memref<80xi32, #tpu.memory_space<vmem>>
      %dma_start3A_318 = arith.constant 0 : i32
      %dma_start3A_319 = arith.constant 0 : i32
      %dma_start3A_320 = tpu.memref_slice %arg10[%dma_start3A_318, %dma_start3A_319] : memref<10240x128xf32, #tpu.memory_space<vmem_shared>> -> memref<10240x128xf32, #tpu.memory_space<vmem_shared>>
      tpu.enqueue_indirect_dma source(%dma_start3A_310 : memref<80x128xf32, #tpu.memory_space<vmem>>) target(%dma_start3A_320 : memref<10240x128xf32, #tpu.memory_space<vmem_shared>>) offsets(%dma_start3A_317 : memref<80xi32, #tpu.memory_space<vmem>>) semaphore(%arg15 : memref<!tpu.dma_semaphore, #tpu.memory_space<semaphore_mem>>) {add = true}
      %dma_wait3A_321 = arith.constant 3 : i32
      %dma_wait3A_322 = arith.constant 3 : i32
      %dma_wait3A_323 = arith.constant 0 : i32
      %dma_wait3A_324 = arith.constant 0 : i32
      %dma_wait3A_325 = tpu.memref_slice %arg9[%dma_wait3A_322, %dma_wait3A_323, %dma_wait3A_324] : memref<4x80x128xf32, #tpu.memory_space<vmem>> -> memref<1x80x128xf32, #tpu.memory_space<vmem>>
      %dma_wait3A_326 = tpu.memref_squeeze %dma_wait3A_325 : memref<1x80x128xf32, #tpu.memory_space<vmem>> -> memref<80x128xf32, #tpu.memory_space<vmem>>
      %dma_wait3A_327 = arith.constant 0 : i32
      %dma_wait3A_328 = arith.constant 0 : i32
      %dma_wait3A_329 = tpu.memref_slice %arg7[%rem3A_120, %dma_wait3A_327, %dma_wait3A_328] : memref<3x4x80xi32, #tpu.memory_space<vmem>> -> memref<1x4x80xi32, #tpu.memory_space<vmem>>
      %dma_wait3A_330 = tpu.memref_squeeze %dma_wait3A_329 : memref<1x4x80xi32, #tpu.memory_space<vmem>> -> memref<4x80xi32, #tpu.memory_space<vmem>>
      %dma_wait3A_331 = arith.constant 0 : i32
      %dma_wait3A_332 = tpu.memref_slice %dma_wait3A_330[%dma_wait3A_321, %dma_wait3A_331] : memref<4x80xi32, #tpu.memory_space<vmem>> -> memref<1x80xi32, #tpu.memory_space<vmem>>
      %dma_wait3A_333 = tpu.memref_squeeze %dma_wait3A_332 : memref<1x80xi32, #tpu.memory_space<vmem>> -> memref<80xi32, #tpu.memory_space<vmem>>
      %dma_wait3A_334 = arith.constant 0 : i32
      %dma_wait3A_335 = arith.constant 0 : i32
      %dma_wait3A_336 = tpu.memref_slice %arg2[%dma_wait3A_334, %dma_wait3A_335] : memref<10000x128xf32, #tpu.memory_space<hbm>> -> memref<10000x128xf32, #tpu.memory_space<hbm>>
      tpu.wait_indirect_dma semaphore(%arg14 : memref<!tpu.dma_semaphore, #tpu.memory_space<semaphore_mem>>) src(%dma_wait3A_336 : memref<10000x128xf32, #tpu.memory_space<hbm>>) dst(%dma_wait3A_326 : memref<80x128xf32, #tpu.memory_space<vmem>>)
      %dma_start3A_337 = arith.constant 3 : i32
      %dma_start3A_338 = arith.constant 3 : i32
      %dma_start3A_339 = arith.constant 0 : i32
      %dma_start3A_340 = arith.constant 0 : i32
      %dma_start3A_341 = tpu.memref_slice %arg9[%dma_start3A_337, %dma_start3A_339, %dma_start3A_340] : memref<4x80x128xf32, #tpu.memory_space<vmem>> -> memref<1x80x128xf32, #tpu.memory_space<vmem>>
      %dma_start3A_342 = tpu.memref_squeeze %dma_start3A_341 : memref<1x80x128xf32, #tpu.memory_space<vmem>> -> memref<80x128xf32, #tpu.memory_space<vmem>>
      %dma_start3A_343 = arith.constant 0 : i32
      %dma_start3A_344 = arith.constant 0 : i32
      %dma_start3A_345 = tpu.memref_slice %arg8[%rem3A_120, %dma_start3A_343, %dma_start3A_344] : memref<3x4x80xi32, #tpu.memory_space<vmem>> -> memref<1x4x80xi32, #tpu.memory_space<vmem>>
      %dma_start3A_346 = tpu.memref_squeeze %dma_start3A_345 : memref<1x4x80xi32, #tpu.memory_space<vmem>> -> memref<4x80xi32, #tpu.memory_space<vmem>>
      %dma_start3A_347 = arith.constant 0 : i32
      %dma_start3A_348 = tpu.memref_slice %dma_start3A_346[%dma_start3A_338, %dma_start3A_347] : memref<4x80xi32, #tpu.memory_space<vmem>> -> memref<1x80xi32, #tpu.memory_space<vmem>>
      %dma_start3A_349 = tpu.memref_squeeze %dma_start3A_348 : memref<1x80xi32, #tpu.memory_space<vmem>> -> memref<80xi32, #tpu.memory_space<vmem>>
      %dma_start3A_350 = arith.constant 0 : i32
      %dma_start3A_351 = arith.constant 0 : i32
      %dma_start3A_352 = tpu.memref_slice %arg10[%dma_start3A_350, %dma_start3A_351] : memref<10240x128xf32, #tpu.memory_space<vmem_shared>> -> memref<10240x128xf32, #tpu.memory_space<vmem_shared>>
      tpu.enqueue_indirect_dma source(%dma_start3A_342 : memref<80x128xf32, #tpu.memory_space<vmem>>) target(%dma_start3A_352 : memref<10240x128xf32, #tpu.memory_space<vmem_shared>>) offsets(%dma_start3A_349 : memref<80xi32, #tpu.memory_space<vmem>>) semaphore(%arg15 : memref<!tpu.dma_semaphore, #tpu.memory_space<semaphore_mem>>) {add = true}
    }
    %while3A_54 = arith.constant 1 : i32
    scf.for %while3A_119 = %while3A_52 to %while3A_48 step %while3A_54  : i32 {
      %rem3A = arith.constant 3 : i32
      %rem3A_120 = arith.remsi %while3A_119, %rem3A : i32
      %dma_wait3A_121 = arith.constant 0 : i32
      %dma_wait3A_122 = arith.constant 0 : i32
      %dma_wait3A_123 = tpu.memref_slice %arg7[%rem3A_120, %dma_wait3A_121, %dma_wait3A_122] : memref<3x4x80xi32, #tpu.memory_space<vmem>> -> memref<1x4x80xi32, #tpu.memory_space<vmem>>
      %dma_wait3A_124 = tpu.memref_squeeze %dma_wait3A_123 : memref<1x4x80xi32, #tpu.memory_space<vmem>> -> memref<4x80xi32, #tpu.memory_space<vmem>>
      %dma_wait3A_125 = arith.constant 0 : i32
      %dma_wait3A_126 = arith.constant 0 : i32
      %dma_wait3A_127 = tpu.memref_slice %arg3[%add3A_12, %dma_wait3A_125, %dma_wait3A_126] : memref<1000x4x80xi32, #tpu.memory_space<hbm>> -> memref<1x4x80xi32, #tpu.memory_space<hbm>>
      %dma_wait3A_128 = tpu.memref_squeeze %dma_wait3A_127 : memref<1x4x80xi32, #tpu.memory_space<hbm>> -> memref<4x80xi32, #tpu.memory_space<hbm>>
      %dma_wait3A_129 = arith.constant 0 : i32
      %dma_wait3A_130 = arith.constant 0 : i32
      %dma_wait3A_131 = tpu.memref_slice %arg7[%rem3A_120, %dma_wait3A_129, %dma_wait3A_130] : memref<3x4x80xi32, #tpu.memory_space<vmem>> -> memref<1x4x80xi32, #tpu.memory_space<vmem>>
      %dma_wait3A_132 = tpu.memref_squeeze %dma_wait3A_131 : memref<1x4x80xi32, #tpu.memory_space<vmem>> -> memref<4x80xi32, #tpu.memory_space<vmem>>
      %dma_wait3A_133 = arith.constant 0 : i32
      %dma_wait3A_134 = arith.constant 0 : i32
      %dma_wait3A_135 = tpu.memref_slice %arg3[%add3A_12, %dma_wait3A_133, %dma_wait3A_134] : memref<1000x4x80xi32, #tpu.memory_space<hbm>> -> memref<1x4x80xi32, #tpu.memory_space<hbm>>
      %dma_wait3A_136 = tpu.memref_squeeze %dma_wait3A_135 : memref<1x4x80xi32, #tpu.memory_space<hbm>> -> memref<4x80xi32, #tpu.memory_space<hbm>>
      tpu.wait_dma2 semaphore(%arg16 : memref<!tpu.dma_semaphore, #tpu.memory_space<semaphore_mem>>) src(%dma_wait3A_136 : memref<4x80xi32, #tpu.memory_space<hbm>>) dst(%dma_wait3A_132 : memref<4x80xi32, #tpu.memory_space<vmem>>)
      %dma_wait3A_137 = arith.constant 0 : i32
      %dma_wait3A_138 = arith.constant 0 : i32
      %dma_wait3A_139 = tpu.memref_slice %arg8[%rem3A_120, %dma_wait3A_137, %dma_wait3A_138] : memref<3x4x80xi32, #tpu.memory_space<vmem>> -> memref<1x4x80xi32, #tpu.memory_space<vmem>>
      %dma_wait3A_140 = tpu.memref_squeeze %dma_wait3A_139 : memref<1x4x80xi32, #tpu.memory_space<vmem>> -> memref<4x80xi32, #tpu.memory_space<vmem>>
      %dma_wait3A_141 = arith.constant 0 : i32
      %dma_wait3A_142 = arith.constant 0 : i32
      %dma_wait3A_143 = tpu.memref_slice %arg4[%add3A_12, %dma_wait3A_141, %dma_wait3A_142] : memref<1000x4x80xi32, #tpu.memory_space<hbm>> -> memref<1x4x80xi32, #tpu.memory_space<hbm>>
      %dma_wait3A_144 = tpu.memref_squeeze %dma_wait3A_143 : memref<1x4x80xi32, #tpu.memory_space<hbm>> -> memref<4x80xi32, #tpu.memory_space<hbm>>
      %dma_wait3A_145 = arith.constant 0 : i32
      %dma_wait3A_146 = arith.constant 0 : i32
      %dma_wait3A_147 = tpu.memref_slice %arg8[%rem3A_120, %dma_wait3A_145, %dma_wait3A_146] : memref<3x4x80xi32, #tpu.memory_space<vmem>> -> memref<1x4x80xi32, #tpu.memory_space<vmem>>
      %dma_wait3A_148 = tpu.memref_squeeze %dma_wait3A_147 : memref<1x4x80xi32, #tpu.memory_space<vmem>> -> memref<4x80xi32, #tpu.memory_space<vmem>>
      %dma_wait3A_149 = arith.constant 0 : i32
      %dma_wait3A_150 = arith.constant 0 : i32
      %dma_wait3A_151 = tpu.memref_slice %arg4[%add3A_12, %dma_wait3A_149, %dma_wait3A_150] : memref<1000x4x80xi32, #tpu.memory_space<hbm>> -> memref<1x4x80xi32, #tpu.memory_space<hbm>>
      %dma_wait3A_152 = tpu.memref_squeeze %dma_wait3A_151 : memref<1x4x80xi32, #tpu.memory_space<hbm>> -> memref<4x80xi32, #tpu.memory_space<hbm>>
      tpu.wait_dma2 semaphore(%arg16 : memref<!tpu.dma_semaphore, #tpu.memory_space<semaphore_mem>>) src(%dma_wait3A_152 : memref<4x80xi32, #tpu.memory_space<hbm>>) dst(%dma_wait3A_148 : memref<4x80xi32, #tpu.memory_space<vmem>>)
      %add3A_153 = arith.constant 1 : i32
      %add3A_154 = arith.addi %while3A_119, %add3A_153 : i32
      %lt3A_155 = arith.cmpi slt, %add3A_154, %add3A_8 : i32
      %convert_element_type3A = arith.extui %lt3A_155 : i1 to i32
      %cond3A = arith.constant 0 : i32
      %cond3A_156 = arith.cmpi ne, %convert_element_type3A, %cond3A : i32
      scf.if %cond3A_156 {
        %add3A_353 = arith.constant 1 : i32
        %add3A_354 = arith.addi %while3A_119, %add3A_353 : i32
        %rem3A_355 = arith.constant 3 : i32
        %rem3A_356 = arith.remsi %add3A_354, %rem3A_355 : i32
        %add3A_357 = arith.addi %add3A_12, %while3A_119 : i32
        %add3A_358 = arith.constant 1 : i32
        %add3A_359 = arith.addi %add3A_357, %add3A_358 : i32
        %dma_start3A_360 = arith.constant 0 : i32
        %dma_start3A_361 = arith.constant 0 : i32
        %dma_start3A_362 = tpu.memref_slice %arg7[%rem3A_356, %dma_start3A_360, %dma_start3A_361] : memref<3x4x80xi32, #tpu.memory_space<vmem>> -> memref<1x4x80xi32, #tpu.memory_space<vmem>>
        %dma_start3A_363 = tpu.memref_squeeze %dma_start3A_362 : memref<1x4x80xi32, #tpu.memory_space<vmem>> -> memref<4x80xi32, #tpu.memory_space<vmem>>
        %dma_start3A_364 = arith.constant 0 : i32
        %dma_start3A_365 = arith.constant 0 : i32
        %dma_start3A_366 = tpu.memref_slice %arg3[%add3A_359, %dma_start3A_364, %dma_start3A_365] : memref<1000x4x80xi32, #tpu.memory_space<hbm>> -> memref<1x4x80xi32, #tpu.memory_space<hbm>>
        %dma_start3A_367 = tpu.memref_squeeze %dma_start3A_366 : memref<1x4x80xi32, #tpu.memory_space<hbm>> -> memref<4x80xi32, #tpu.memory_space<hbm>>
        %dma_start3A_368 = arith.constant 0 : i32
        %dma_start3A_369 = arith.constant 0 : i32
        %dma_start3A_370 = tpu.memref_slice %arg7[%rem3A_356, %dma_start3A_368, %dma_start3A_369] : memref<3x4x80xi32, #tpu.memory_space<vmem>> -> memref<1x4x80xi32, #tpu.memory_space<vmem>>
        %dma_start3A_371 = tpu.memref_squeeze %dma_start3A_370 : memref<1x4x80xi32, #tpu.memory_space<vmem>> -> memref<4x80xi32, #tpu.memory_space<vmem>>
        %dma_start3A_372 = arith.constant 0 : i32
        %dma_start3A_373 = arith.constant 0 : i32
        %dma_start3A_374 = tpu.memref_slice %arg3[%add3A_359, %dma_start3A_372, %dma_start3A_373] : memref<1000x4x80xi32, #tpu.memory_space<hbm>> -> memref<1x4x80xi32, #tpu.memory_space<hbm>>
        %dma_start3A_375 = tpu.memref_squeeze %dma_start3A_374 : memref<1x4x80xi32, #tpu.memory_space<hbm>> -> memref<4x80xi32, #tpu.memory_space<hbm>>
        tpu.enqueue_dma source(%dma_start3A_375 : memref<4x80xi32, #tpu.memory_space<hbm>>) target(%dma_start3A_371 : memref<4x80xi32, #tpu.memory_space<vmem>>) target_semaphore(%arg16 : memref<!tpu.dma_semaphore, #tpu.memory_space<semaphore_mem>>)
        %add3A_376 = arith.addi %add3A_12, %while3A_119 : i32
        %add3A_377 = arith.constant 1 : i32
        %add3A_378 = arith.addi %add3A_376, %add3A_377 : i32
        %dma_start3A_379 = arith.constant 0 : i32
        %dma_start3A_380 = arith.constant 0 : i32
        %dma_start3A_381 = tpu.memref_slice %arg8[%rem3A_356, %dma_start3A_379, %dma_start3A_380] : memref<3x4x80xi32, #tpu.memory_space<vmem>> -> memref<1x4x80xi32, #tpu.memory_space<vmem>>
        %dma_start3A_382 = tpu.memref_squeeze %dma_start3A_381 : memref<1x4x80xi32, #tpu.memory_space<vmem>> -> memref<4x80xi32, #tpu.memory_space<vmem>>
        %dma_start3A_383 = arith.constant 0 : i32
        %dma_start3A_384 = arith.constant 0 : i32
        %dma_start3A_385 = tpu.memref_slice %arg4[%add3A_378, %dma_start3A_383, %dma_start3A_384] : memref<1000x4x80xi32, #tpu.memory_space<hbm>> -> memref<1x4x80xi32, #tpu.memory_space<hbm>>
        %dma_start3A_386 = tpu.memref_squeeze %dma_start3A_385 : memref<1x4x80xi32, #tpu.memory_space<hbm>> -> memref<4x80xi32, #tpu.memory_space<hbm>>
        %dma_start3A_387 = arith.constant 0 : i32
        %dma_start3A_388 = arith.constant 0 : i32
        %dma_start3A_389 = tpu.memref_slice %arg8[%rem3A_356, %dma_start3A_387, %dma_start3A_388] : memref<3x4x80xi32, #tpu.memory_space<vmem>> -> memref<1x4x80xi32, #tpu.memory_space<vmem>>
        %dma_start3A_390 = tpu.memref_squeeze %dma_start3A_389 : memref<1x4x80xi32, #tpu.memory_space<vmem>> -> memref<4x80xi32, #tpu.memory_space<vmem>>
        %dma_start3A_391 = arith.constant 0 : i32
        %dma_start3A_392 = arith.constant 0 : i32
        %dma_start3A_393 = tpu.memref_slice %arg4[%add3A_378, %dma_start3A_391, %dma_start3A_392] : memref<1000x4x80xi32, #tpu.memory_space<hbm>> -> memref<1x4x80xi32, #tpu.memory_space<hbm>>
        %dma_start3A_394 = tpu.memref_squeeze %dma_start3A_393 : memref<1x4x80xi32, #tpu.memory_space<hbm>> -> memref<4x80xi32, #tpu.memory_space<hbm>>
        tpu.enqueue_dma source(%dma_start3A_394 : memref<4x80xi32, #tpu.memory_space<hbm>>) target(%dma_start3A_390 : memref<4x80xi32, #tpu.memory_space<vmem>>) target_semaphore(%arg16 : memref<!tpu.dma_semaphore, #tpu.memory_space<semaphore_mem>>)
      } else {
      }
      %gt3A = arith.constant 0 : i32
      %gt3A_157 = arith.cmpi sgt, %while3A_119, %gt3A : i32
      %convert_element_type3A_158 = arith.extui %gt3A_157 : i1 to i32
      %cond3A_159 = arith.constant 0 : i32
      %cond3A_160 = arith.cmpi ne, %convert_element_type3A_158, %cond3A_159 : i32
      scf.if %cond3A_160 {
        %dma_wait3A_353 = arith.constant 0 : i32
        %dma_wait3A_354 = arith.constant 0 : i32
        %dma_wait3A_355 = arith.constant 0 : i32
        %dma_wait3A_356 = tpu.memref_slice %arg9[%dma_wait3A_353, %dma_wait3A_354, %dma_wait3A_355] : memref<4x80x128xf32, #tpu.memory_space<vmem>> -> memref<1x80x128xf32, #tpu.memory_space<vmem>>
        %dma_wait3A_357 = tpu.memref_squeeze %dma_wait3A_356 : memref<1x80x128xf32, #tpu.memory_space<vmem>> -> memref<80x128xf32, #tpu.memory_space<vmem>>
        %dma_wait3A_358 = arith.constant 0 : i32
        %dma_wait3A_359 = arith.constant 0 : i32
        %dma_wait3A_360 = tpu.memref_slice %arg5[%dma_wait3A_358, %dma_wait3A_359] : memref<10240x128xf32, #tpu.memory_space<hbm>> -> memref<80x128xf32, #tpu.memory_space<hbm>>
        %dma_wait3A_361 = arith.constant 0 : i32
        %dma_wait3A_362 = arith.constant 0 : i32
        %dma_wait3A_363 = tpu.memref_slice %arg9[%dma_wait3A_353, %dma_wait3A_361, %dma_wait3A_362] : memref<4x80x128xf32, #tpu.memory_space<vmem>> -> memref<1x80x128xf32, #tpu.memory_space<vmem>>
        %dma_wait3A_364 = tpu.memref_squeeze %dma_wait3A_363 : memref<1x80x128xf32, #tpu.memory_space<vmem>> -> memref<80x128xf32, #tpu.memory_space<vmem>>
        %dma_wait3A_365 = arith.constant 0 : i32
        %dma_wait3A_366 = arith.constant 0 : i32
        %dma_wait3A_367 = tpu.memref_slice %arg5[%dma_wait3A_365, %dma_wait3A_366] : memref<10240x128xf32, #tpu.memory_space<hbm>> -> memref<80x128xf32, #tpu.memory_space<hbm>>
        tpu.wait_dma2 semaphore(%arg15 : memref<!tpu.dma_semaphore, #tpu.memory_space<semaphore_mem>>) src(%dma_wait3A_367 : memref<80x128xf32, #tpu.memory_space<hbm>>) dst(%dma_wait3A_364 : memref<80x128xf32, #tpu.memory_space<vmem>>)
        %dma_wait3A_368 = arith.constant 1 : i32
        %dma_wait3A_369 = arith.constant 0 : i32
        %dma_wait3A_370 = arith.constant 0 : i32
        %dma_wait3A_371 = tpu.memref_slice %arg9[%dma_wait3A_368, %dma_wait3A_369, %dma_wait3A_370] : memref<4x80x128xf32, #tpu.memory_space<vmem>> -> memref<1x80x128xf32, #tpu.memory_space<vmem>>
        %dma_wait3A_372 = tpu.memref_squeeze %dma_wait3A_371 : memref<1x80x128xf32, #tpu.memory_space<vmem>> -> memref<80x128xf32, #tpu.memory_space<vmem>>
        %dma_wait3A_373 = arith.constant 0 : i32
        %dma_wait3A_374 = arith.constant 0 : i32
        %dma_wait3A_375 = tpu.memref_slice %arg5[%dma_wait3A_373, %dma_wait3A_374] : memref<10240x128xf32, #tpu.memory_space<hbm>> -> memref<80x128xf32, #tpu.memory_space<hbm>>
        %dma_wait3A_376 = arith.constant 0 : i32
        %dma_wait3A_377 = arith.constant 0 : i32
        %dma_wait3A_378 = tpu.memref_slice %arg9[%dma_wait3A_368, %dma_wait3A_376, %dma_wait3A_377] : memref<4x80x128xf32, #tpu.memory_space<vmem>> -> memref<1x80x128xf32, #tpu.memory_space<vmem>>
        %dma_wait3A_379 = tpu.memref_squeeze %dma_wait3A_378 : memref<1x80x128xf32, #tpu.memory_space<vmem>> -> memref<80x128xf32, #tpu.memory_space<vmem>>
        %dma_wait3A_380 = arith.constant 0 : i32
        %dma_wait3A_381 = arith.constant 0 : i32
        %dma_wait3A_382 = tpu.memref_slice %arg5[%dma_wait3A_380, %dma_wait3A_381] : memref<10240x128xf32, #tpu.memory_space<hbm>> -> memref<80x128xf32, #tpu.memory_space<hbm>>
        tpu.wait_dma2 semaphore(%arg15 : memref<!tpu.dma_semaphore, #tpu.memory_space<semaphore_mem>>) src(%dma_wait3A_382 : memref<80x128xf32, #tpu.memory_space<hbm>>) dst(%dma_wait3A_379 : memref<80x128xf32, #tpu.memory_space<vmem>>)
        %dma_wait3A_383 = arith.constant 2 : i32
        %dma_wait3A_384 = arith.constant 0 : i32
        %dma_wait3A_385 = arith.constant 0 : i32
        %dma_wait3A_386 = tpu.memref_slice %arg9[%dma_wait3A_383, %dma_wait3A_384, %dma_wait3A_385] : memref<4x80x128xf32, #tpu.memory_space<vmem>> -> memref<1x80x128xf32, #tpu.memory_space<vmem>>
        %dma_wait3A_387 = tpu.memref_squeeze %dma_wait3A_386 : memref<1x80x128xf32, #tpu.memory_space<vmem>> -> memref<80x128xf32, #tpu.memory_space<vmem>>
        %dma_wait3A_388 = arith.constant 0 : i32
        %dma_wait3A_389 = arith.constant 0 : i32
        %dma_wait3A_390 = tpu.memref_slice %arg5[%dma_wait3A_388, %dma_wait3A_389] : memref<10240x128xf32, #tpu.memory_space<hbm>> -> memref<80x128xf32, #tpu.memory_space<hbm>>
        %dma_wait3A_391 = arith.constant 0 : i32
        %dma_wait3A_392 = arith.constant 0 : i32
        %dma_wait3A_393 = tpu.memref_slice %arg9[%dma_wait3A_383, %dma_wait3A_391, %dma_wait3A_392] : memref<4x80x128xf32, #tpu.memory_space<vmem>> -> memref<1x80x128xf32, #tpu.memory_space<vmem>>
        %dma_wait3A_394 = tpu.memref_squeeze %dma_wait3A_393 : memref<1x80x128xf32, #tpu.memory_space<vmem>> -> memref<80x128xf32, #tpu.memory_space<vmem>>
        %dma_wait3A_395 = arith.constant 0 : i32
        %dma_wait3A_396 = arith.constant 0 : i32
        %dma_wait3A_397 = tpu.memref_slice %arg5[%dma_wait3A_395, %dma_wait3A_396] : memref<10240x128xf32, #tpu.memory_space<hbm>> -> memref<80x128xf32, #tpu.memory_space<hbm>>
        tpu.wait_dma2 semaphore(%arg15 : memref<!tpu.dma_semaphore, #tpu.memory_space<semaphore_mem>>) src(%dma_wait3A_397 : memref<80x128xf32, #tpu.memory_space<hbm>>) dst(%dma_wait3A_394 : memref<80x128xf32, #tpu.memory_space<vmem>>)
        %dma_wait3A_398 = arith.constant 3 : i32
        %dma_wait3A_399 = arith.constant 0 : i32
        %dma_wait3A_400 = arith.constant 0 : i32
        %dma_wait3A_401 = tpu.memref_slice %arg9[%dma_wait3A_398, %dma_wait3A_399, %dma_wait3A_400] : memref<4x80x128xf32, #tpu.memory_space<vmem>> -> memref<1x80x128xf32, #tpu.memory_space<vmem>>
        %dma_wait3A_402 = tpu.memref_squeeze %dma_wait3A_401 : memref<1x80x128xf32, #tpu.memory_space<vmem>> -> memref<80x128xf32, #tpu.memory_space<vmem>>
        %dma_wait3A_403 = arith.constant 0 : i32
        %dma_wait3A_404 = arith.constant 0 : i32
        %dma_wait3A_405 = tpu.memref_slice %arg5[%dma_wait3A_403, %dma_wait3A_404] : memref<10240x128xf32, #tpu.memory_space<hbm>> -> memref<80x128xf32, #tpu.memory_space<hbm>>
        %dma_wait3A_406 = arith.constant 0 : i32
        %dma_wait3A_407 = arith.constant 0 : i32
        %dma_wait3A_408 = tpu.memref_slice %arg9[%dma_wait3A_398, %dma_wait3A_406, %dma_wait3A_407] : memref<4x80x128xf32, #tpu.memory_space<vmem>> -> memref<1x80x128xf32, #tpu.memory_space<vmem>>
        %dma_wait3A_409 = tpu.memref_squeeze %dma_wait3A_408 : memref<1x80x128xf32, #tpu.memory_space<vmem>> -> memref<80x128xf32, #tpu.memory_space<vmem>>
        %dma_wait3A_410 = arith.constant 0 : i32
        %dma_wait3A_411 = arith.constant 0 : i32
        %dma_wait3A_412 = tpu.memref_slice %arg5[%dma_wait3A_410, %dma_wait3A_411] : memref<10240x128xf32, #tpu.memory_space<hbm>> -> memref<80x128xf32, #tpu.memory_space<hbm>>
        tpu.wait_dma2 semaphore(%arg15 : memref<!tpu.dma_semaphore, #tpu.memory_space<semaphore_mem>>) src(%dma_wait3A_412 : memref<80x128xf32, #tpu.memory_space<hbm>>) dst(%dma_wait3A_409 : memref<80x128xf32, #tpu.memory_space<vmem>>)
      } else {
      }
      %dma_start3A_161 = arith.constant 0 : i32
      %dma_start3A_162 = arith.constant 0 : i32
      %dma_start3A_163 = arith.constant 0 : i32
      %dma_start3A_164 = arith.constant 0 : i32
      %dma_start3A_165 = tpu.memref_slice %arg9[%dma_start3A_162, %dma_start3A_163, %dma_start3A_164] : memref<4x80x128xf32, #tpu.memory_space<vmem>> -> memref<1x80x128xf32, #tpu.memory_space<vmem>>
      %dma_start3A_166 = tpu.memref_squeeze %dma_start3A_165 : memref<1x80x128xf32, #tpu.memory_space<vmem>> -> memref<80x128xf32, #tpu.memory_space<vmem>>
      %dma_start3A_167 = arith.constant 0 : i32
      %dma_start3A_168 = arith.constant 0 : i32
      %dma_start3A_169 = tpu.memref_slice %arg7[%rem3A_120, %dma_start3A_167, %dma_start3A_168] : memref<3x4x80xi32, #tpu.memory_space<vmem>> -> memref<1x4x80xi32, #tpu.memory_space<vmem>>
      %dma_start3A_170 = tpu.memref_squeeze %dma_start3A_169 : memref<1x4x80xi32, #tpu.memory_space<vmem>> -> memref<4x80xi32, #tpu.memory_space<vmem>>
      %dma_start3A_171 = arith.constant 0 : i32
      %dma_start3A_172 = tpu.memref_slice %dma_start3A_170[%dma_start3A_161, %dma_start3A_171] : memref<4x80xi32, #tpu.memory_space<vmem>> -> memref<1x80xi32, #tpu.memory_space<vmem>>
      %dma_start3A_173 = tpu.memref_squeeze %dma_start3A_172 : memref<1x80xi32, #tpu.memory_space<vmem>> -> memref<80xi32, #tpu.memory_space<vmem>>
      %dma_start3A_174 = arith.constant 0 : i32
      %dma_start3A_175 = arith.constant 0 : i32
      %dma_start3A_176 = tpu.memref_slice %arg2[%dma_start3A_174, %dma_start3A_175] : memref<10000x128xf32, #tpu.memory_space<hbm>> -> memref<10000x128xf32, #tpu.memory_space<hbm>>
      tpu.enqueue_indirect_dma source(%dma_start3A_176 : memref<10000x128xf32, #tpu.memory_space<hbm>>) target(%dma_start3A_166 : memref<80x128xf32, #tpu.memory_space<vmem>>) offsets(%dma_start3A_173 : memref<80xi32, #tpu.memory_space<vmem>>) semaphore(%arg11 : memref<!tpu.dma_semaphore, #tpu.memory_space<semaphore_mem>>)
      %dma_start3A_177 = arith.constant 1 : i32
      %dma_start3A_178 = arith.constant 1 : i32
      %dma_start3A_179 = arith.constant 0 : i32
      %dma_start3A_180 = arith.constant 0 : i32
      %dma_start3A_181 = tpu.memref_slice %arg9[%dma_start3A_178, %dma_start3A_179, %dma_start3A_180] : memref<4x80x128xf32, #tpu.memory_space<vmem>> -> memref<1x80x128xf32, #tpu.memory_space<vmem>>
      %dma_start3A_182 = tpu.memref_squeeze %dma_start3A_181 : memref<1x80x128xf32, #tpu.memory_space<vmem>> -> memref<80x128xf32, #tpu.memory_space<vmem>>
      %dma_start3A_183 = arith.constant 0 : i32
      %dma_start3A_184 = arith.constant 0 : i32
      %dma_start3A_185 = tpu.memref_slice %arg7[%rem3A_120, %dma_start3A_183, %dma_start3A_184] : memref<3x4x80xi32, #tpu.memory_space<vmem>> -> memref<1x4x80xi32, #tpu.memory_space<vmem>>
      %dma_start3A_186 = tpu.memref_squeeze %dma_start3A_185 : memref<1x4x80xi32, #tpu.memory_space<vmem>> -> memref<4x80xi32, #tpu.memory_space<vmem>>
      %dma_start3A_187 = arith.constant 0 : i32
      %dma_start3A_188 = tpu.memref_slice %dma_start3A_186[%dma_start3A_177, %dma_start3A_187] : memref<4x80xi32, #tpu.memory_space<vmem>> -> memref<1x80xi32, #tpu.memory_space<vmem>>
      %dma_start3A_189 = tpu.memref_squeeze %dma_start3A_188 : memref<1x80xi32, #tpu.memory_space<vmem>> -> memref<80xi32, #tpu.memory_space<vmem>>
      %dma_start3A_190 = arith.constant 0 : i32
      %dma_start3A_191 = arith.constant 0 : i32
      %dma_start3A_192 = tpu.memref_slice %arg2[%dma_start3A_190, %dma_start3A_191] : memref<10000x128xf32, #tpu.memory_space<hbm>> -> memref<10000x128xf32, #tpu.memory_space<hbm>>
      tpu.enqueue_indirect_dma source(%dma_start3A_192 : memref<10000x128xf32, #tpu.memory_space<hbm>>) target(%dma_start3A_182 : memref<80x128xf32, #tpu.memory_space<vmem>>) offsets(%dma_start3A_189 : memref<80xi32, #tpu.memory_space<vmem>>) semaphore(%arg12 : memref<!tpu.dma_semaphore, #tpu.memory_space<semaphore_mem>>)
      %dma_start3A_193 = arith.constant 2 : i32
      %dma_start3A_194 = arith.constant 2 : i32
      %dma_start3A_195 = arith.constant 0 : i32
      %dma_start3A_196 = arith.constant 0 : i32
      %dma_start3A_197 = tpu.memref_slice %arg9[%dma_start3A_194, %dma_start3A_195, %dma_start3A_196] : memref<4x80x128xf32, #tpu.memory_space<vmem>> -> memref<1x80x128xf32, #tpu.memory_space<vmem>>
      %dma_start3A_198 = tpu.memref_squeeze %dma_start3A_197 : memref<1x80x128xf32, #tpu.memory_space<vmem>> -> memref<80x128xf32, #tpu.memory_space<vmem>>
      %dma_start3A_199 = arith.constant 0 : i32
      %dma_start3A_200 = arith.constant 0 : i32
      %dma_start3A_201 = tpu.memref_slice %arg7[%rem3A_120, %dma_start3A_199, %dma_start3A_200] : memref<3x4x80xi32, #tpu.memory_space<vmem>> -> memref<1x4x80xi32, #tpu.memory_space<vmem>>
      %dma_start3A_202 = tpu.memref_squeeze %dma_start3A_201 : memref<1x4x80xi32, #tpu.memory_space<vmem>> -> memref<4x80xi32, #tpu.memory_space<vmem>>
      %dma_start3A_203 = arith.constant 0 : i32
      %dma_start3A_204 = tpu.memref_slice %dma_start3A_202[%dma_start3A_193, %dma_start3A_203] : memref<4x80xi32, #tpu.memory_space<vmem>> -> memref<1x80xi32, #tpu.memory_space<vmem>>
      %dma_start3A_205 = tpu.memref_squeeze %dma_start3A_204 : memref<1x80xi32, #tpu.memory_space<vmem>> -> memref<80xi32, #tpu.memory_space<vmem>>
      %dma_start3A_206 = arith.constant 0 : i32
      %dma_start3A_207 = arith.constant 0 : i32
      %dma_start3A_208 = tpu.memref_slice %arg2[%dma_start3A_206, %dma_start3A_207] : memref<10000x128xf32, #tpu.memory_space<hbm>> -> memref<10000x128xf32, #tpu.memory_space<hbm>>
      tpu.enqueue_indirect_dma source(%dma_start3A_208 : memref<10000x128xf32, #tpu.memory_space<hbm>>) target(%dma_start3A_198 : memref<80x128xf32, #tpu.memory_space<vmem>>) offsets(%dma_start3A_205 : memref<80xi32, #tpu.memory_space<vmem>>) semaphore(%arg13 : memref<!tpu.dma_semaphore, #tpu.memory_space<semaphore_mem>>)
      %dma_start3A_209 = arith.constant 3 : i32
      %dma_start3A_210 = arith.constant 3 : i32
      %dma_start3A_211 = arith.constant 0 : i32
      %dma_start3A_212 = arith.constant 0 : i32
      %dma_start3A_213 = tpu.memref_slice %arg9[%dma_start3A_210, %dma_start3A_211, %dma_start3A_212] : memref<4x80x128xf32, #tpu.memory_space<vmem>> -> memref<1x80x128xf32, #tpu.memory_space<vmem>>
      %dma_start3A_214 = tpu.memref_squeeze %dma_start3A_213 : memref<1x80x128xf32, #tpu.memory_space<vmem>> -> memref<80x128xf32, #tpu.memory_space<vmem>>
      %dma_start3A_215 = arith.constant 0 : i32
      %dma_start3A_216 = arith.constant 0 : i32
      %dma_start3A_217 = tpu.memref_slice %arg7[%rem3A_120, %dma_start3A_215, %dma_start3A_216] : memref<3x4x80xi32, #tpu.memory_space<vmem>> -> memref<1x4x80xi32, #tpu.memory_space<vmem>>
      %dma_start3A_218 = tpu.memref_squeeze %dma_start3A_217 : memref<1x4x80xi32, #tpu.memory_space<vmem>> -> memref<4x80xi32, #tpu.memory_space<vmem>>
      %dma_start3A_219 = arith.constant 0 : i32
      %dma_start3A_220 = tpu.memref_slice %dma_start3A_218[%dma_start3A_209, %dma_start3A_219] : memref<4x80xi32, #tpu.memory_space<vmem>> -> memref<1x80xi32, #tpu.memory_space<vmem>>
      %dma_start3A_221 = tpu.memref_squeeze %dma_start3A_220 : memref<1x80xi32, #tpu.memory_space<vmem>> -> memref<80xi32, #tpu.memory_space<vmem>>
      %dma_start3A_222 = arith.constant 0 : i32
      %dma_start3A_223 = arith.constant 0 : i32
      %dma_start3A_224 = tpu.memref_slice %arg2[%dma_start3A_222, %dma_start3A_223] : memref<10000x128xf32, #tpu.memory_space<hbm>> -> memref<10000x128xf32, #tpu.memory_space<hbm>>
      tpu.enqueue_indirect_dma source(%dma_start3A_224 : memref<10000x128xf32, #tpu.memory_space<hbm>>) target(%dma_start3A_214 : memref<80x128xf32, #tpu.memory_space<vmem>>) offsets(%dma_start3A_221 : memref<80xi32, #tpu.memory_space<vmem>>) semaphore(%arg14 : memref<!tpu.dma_semaphore, #tpu.memory_space<semaphore_mem>>)
      %dma_wait3A_225 = arith.constant 0 : i32
      %dma_wait3A_226 = arith.constant 0 : i32
      %dma_wait3A_227 = arith.constant 0 : i32
      %dma_wait3A_228 = arith.constant 0 : i32
      %dma_wait3A_229 = tpu.memref_slice %arg9[%dma_wait3A_226, %dma_wait3A_227, %dma_wait3A_228] : memref<4x80x128xf32, #tpu.memory_space<vmem>> -> memref<1x80x128xf32, #tpu.memory_space<vmem>>
      %dma_wait3A_230 = tpu.memref_squeeze %dma_wait3A_229 : memref<1x80x128xf32, #tpu.memory_space<vmem>> -> memref<80x128xf32, #tpu.memory_space<vmem>>
      %dma_wait3A_231 = arith.constant 0 : i32
      %dma_wait3A_232 = arith.constant 0 : i32
      %dma_wait3A_233 = tpu.memref_slice %arg7[%rem3A_120, %dma_wait3A_231, %dma_wait3A_232] : memref<3x4x80xi32, #tpu.memory_space<vmem>> -> memref<1x4x80xi32, #tpu.memory_space<vmem>>
      %dma_wait3A_234 = tpu.memref_squeeze %dma_wait3A_233 : memref<1x4x80xi32, #tpu.memory_space<vmem>> -> memref<4x80xi32, #tpu.memory_space<vmem>>
      %dma_wait3A_235 = arith.constant 0 : i32
      %dma_wait3A_236 = tpu.memref_slice %dma_wait3A_234[%dma_wait3A_225, %dma_wait3A_235] : memref<4x80xi32, #tpu.memory_space<vmem>> -> memref<1x80xi32, #tpu.memory_space<vmem>>
      %dma_wait3A_237 = tpu.memref_squeeze %dma_wait3A_236 : memref<1x80xi32, #tpu.memory_space<vmem>> -> memref<80xi32, #tpu.memory_space<vmem>>
      %dma_wait3A_238 = arith.constant 0 : i32
      %dma_wait3A_239 = arith.constant 0 : i32
      %dma_wait3A_240 = tpu.memref_slice %arg2[%dma_wait3A_238, %dma_wait3A_239] : memref<10000x128xf32, #tpu.memory_space<hbm>> -> memref<10000x128xf32, #tpu.memory_space<hbm>>
      tpu.wait_indirect_dma semaphore(%arg11 : memref<!tpu.dma_semaphore, #tpu.memory_space<semaphore_mem>>) src(%dma_wait3A_240 : memref<10000x128xf32, #tpu.memory_space<hbm>>) dst(%dma_wait3A_230 : memref<80x128xf32, #tpu.memory_space<vmem>>)
      %dma_start3A_241 = arith.constant 0 : i32
      %dma_start3A_242 = arith.constant 0 : i32
      %dma_start3A_243 = arith.constant 0 : i32
      %dma_start3A_244 = arith.constant 0 : i32
      %dma_start3A_245 = tpu.memref_slice %arg9[%dma_start3A_241, %dma_start3A_243, %dma_start3A_244] : memref<4x80x128xf32, #tpu.memory_space<vmem>> -> memref<1x80x128xf32, #tpu.memory_space<vmem>>
      %dma_start3A_246 = tpu.memref_squeeze %dma_start3A_245 : memref<1x80x128xf32, #tpu.memory_space<vmem>> -> memref<80x128xf32, #tpu.memory_space<vmem>>
      %dma_start3A_247 = arith.constant 0 : i32
      %dma_start3A_248 = arith.constant 0 : i32
      %dma_start3A_249 = tpu.memref_slice %arg8[%rem3A_120, %dma_start3A_247, %dma_start3A_248] : memref<3x4x80xi32, #tpu.memory_space<vmem>> -> memref<1x4x80xi32, #tpu.memory_space<vmem>>
      %dma_start3A_250 = tpu.memref_squeeze %dma_start3A_249 : memref<1x4x80xi32, #tpu.memory_space<vmem>> -> memref<4x80xi32, #tpu.memory_space<vmem>>
      %dma_start3A_251 = arith.constant 0 : i32
      %dma_start3A_252 = tpu.memref_slice %dma_start3A_250[%dma_start3A_242, %dma_start3A_251] : memref<4x80xi32, #tpu.memory_space<vmem>> -> memref<1x80xi32, #tpu.memory_space<vmem>>
      %dma_start3A_253 = tpu.memref_squeeze %dma_start3A_252 : memref<1x80xi32, #tpu.memory_space<vmem>> -> memref<80xi32, #tpu.memory_space<vmem>>
      %dma_start3A_254 = arith.constant 0 : i32
      %dma_start3A_255 = arith.constant 0 : i32
      %dma_start3A_256 = tpu.memref_slice %arg10[%dma_start3A_254, %dma_start3A_255] : memref<10240x128xf32, #tpu.memory_space<vmem_shared>> -> memref<10240x128xf32, #tpu.memory_space<vmem_shared>>
      tpu.enqueue_indirect_dma source(%dma_start3A_246 : memref<80x128xf32, #tpu.memory_space<vmem>>) target(%dma_start3A_256 : memref<10240x128xf32, #tpu.memory_space<vmem_shared>>) offsets(%dma_start3A_253 : memref<80xi32, #tpu.memory_space<vmem>>) semaphore(%arg15 : memref<!tpu.dma_semaphore, #tpu.memory_space<semaphore_mem>>) {add = true}
      %dma_wait3A_257 = arith.constant 1 : i32
      %dma_wait3A_258 = arith.constant 1 : i32
      %dma_wait3A_259 = arith.constant 0 : i32
      %dma_wait3A_260 = arith.constant 0 : i32
      %dma_wait3A_261 = tpu.memref_slice %arg9[%dma_wait3A_258, %dma_wait3A_259, %dma_wait3A_260] : memref<4x80x128xf32, #tpu.memory_space<vmem>> -> memref<1x80x128xf32, #tpu.memory_space<vmem>>
      %dma_wait3A_262 = tpu.memref_squeeze %dma_wait3A_261 : memref<1x80x128xf32, #tpu.memory_space<vmem>> -> memref<80x128xf32, #tpu.memory_space<vmem>>
      %dma_wait3A_263 = arith.constant 0 : i32
      %dma_wait3A_264 = arith.constant 0 : i32
      %dma_wait3A_265 = tpu.memref_slice %arg7[%rem3A_120, %dma_wait3A_263, %dma_wait3A_264] : memref<3x4x80xi32, #tpu.memory_space<vmem>> -> memref<1x4x80xi32, #tpu.memory_space<vmem>>
      %dma_wait3A_266 = tpu.memref_squeeze %dma_wait3A_265 : memref<1x4x80xi32, #tpu.memory_space<vmem>> -> memref<4x80xi32, #tpu.memory_space<vmem>>
      %dma_wait3A_267 = arith.constant 0 : i32
      %dma_wait3A_268 = tpu.memref_slice %dma_wait3A_266[%dma_wait3A_257, %dma_wait3A_267] : memref<4x80xi32, #tpu.memory_space<vmem>> -> memref<1x80xi32, #tpu.memory_space<vmem>>
      %dma_wait3A_269 = tpu.memref_squeeze %dma_wait3A_268 : memref<1x80xi32, #tpu.memory_space<vmem>> -> memref<80xi32, #tpu.memory_space<vmem>>
      %dma_wait3A_270 = arith.constant 0 : i32
      %dma_wait3A_271 = arith.constant 0 : i32
      %dma_wait3A_272 = tpu.memref_slice %arg2[%dma_wait3A_270, %dma_wait3A_271] : memref<10000x128xf32, #tpu.memory_space<hbm>> -> memref<10000x128xf32, #tpu.memory_space<hbm>>
      tpu.wait_indirect_dma semaphore(%arg12 : memref<!tpu.dma_semaphore, #tpu.memory_space<semaphore_mem>>) src(%dma_wait3A_272 : memref<10000x128xf32, #tpu.memory_space<hbm>>) dst(%dma_wait3A_262 : memref<80x128xf32, #tpu.memory_space<vmem>>)
      %dma_start3A_273 = arith.constant 1 : i32
      %dma_start3A_274 = arith.constant 1 : i32
      %dma_start3A_275 = arith.constant 0 : i32
      %dma_start3A_276 = arith.constant 0 : i32
      %dma_start3A_277 = tpu.memref_slice %arg9[%dma_start3A_273, %dma_start3A_275, %dma_start3A_276] : memref<4x80x128xf32, #tpu.memory_space<vmem>> -> memref<1x80x128xf32, #tpu.memory_space<vmem>>
      %dma_start3A_278 = tpu.memref_squeeze %dma_start3A_277 : memref<1x80x128xf32, #tpu.memory_space<vmem>> -> memref<80x128xf32, #tpu.memory_space<vmem>>
      %dma_start3A_279 = arith.constant 0 : i32
      %dma_start3A_280 = arith.constant 0 : i32
      %dma_start3A_281 = tpu.memref_slice %arg8[%rem3A_120, %dma_start3A_279, %dma_start3A_280] : memref<3x4x80xi32, #tpu.memory_space<vmem>> -> memref<1x4x80xi32, #tpu.memory_space<vmem>>
      %dma_start3A_282 = tpu.memref_squeeze %dma_start3A_281 : memref<1x4x80xi32, #tpu.memory_space<vmem>> -> memref<4x80xi32, #tpu.memory_space<vmem>>
      %dma_start3A_283 = arith.constant 0 : i32
      %dma_start3A_284 = tpu.memref_slice %dma_start3A_282[%dma_start3A_274, %dma_start3A_283] : memref<4x80xi32, #tpu.memory_space<vmem>> -> memref<1x80xi32, #tpu.memory_space<vmem>>
      %dma_start3A_285 = tpu.memref_squeeze %dma_start3A_284 : memref<1x80xi32, #tpu.memory_space<vmem>> -> memref<80xi32, #tpu.memory_space<vmem>>
      %dma_start3A_286 = arith.constant 0 : i32
      %dma_start3A_287 = arith.constant 0 : i32
      %dma_start3A_288 = tpu.memref_slice %arg10[%dma_start3A_286, %dma_start3A_287] : memref<10240x128xf32, #tpu.memory_space<vmem_shared>> -> memref<10240x128xf32, #tpu.memory_space<vmem_shared>>
      tpu.enqueue_indirect_dma source(%dma_start3A_278 : memref<80x128xf32, #tpu.memory_space<vmem>>) target(%dma_start3A_288 : memref<10240x128xf32, #tpu.memory_space<vmem_shared>>) offsets(%dma_start3A_285 : memref<80xi32, #tpu.memory_space<vmem>>) semaphore(%arg15 : memref<!tpu.dma_semaphore, #tpu.memory_space<semaphore_mem>>) {add = true}
      %dma_wait3A_289 = arith.constant 2 : i32
      %dma_wait3A_290 = arith.constant 2 : i32
      %dma_wait3A_291 = arith.constant 0 : i32
      %dma_wait3A_292 = arith.constant 0 : i32
      %dma_wait3A_293 = tpu.memref_slice %arg9[%dma_wait3A_290, %dma_wait3A_291, %dma_wait3A_292] : memref<4x80x128xf32, #tpu.memory_space<vmem>> -> memref<1x80x128xf32, #tpu.memory_space<vmem>>
      %dma_wait3A_294 = tpu.memref_squeeze %dma_wait3A_293 : memref<1x80x128xf32, #tpu.memory_space<vmem>> -> memref<80x128xf32, #tpu.memory_space<vmem>>
      %dma_wait3A_295 = arith.constant 0 : i32
      %dma_wait3A_296 = arith.constant 0 : i32
      %dma_wait3A_297 = tpu.memref_slice %arg7[%rem3A_120, %dma_wait3A_295, %dma_wait3A_296] : memref<3x4x80xi32, #tpu.memory_space<vmem>> -> memref<1x4x80xi32, #tpu.memory_space<vmem>>
      %dma_wait3A_298 = tpu.memref_squeeze %dma_wait3A_297 : memref<1x4x80xi32, #tpu.memory_space<vmem>> -> memref<4x80xi32, #tpu.memory_space<vmem>>
      %dma_wait3A_299 = arith.constant 0 : i32
      %dma_wait3A_300 = tpu.memref_slice %dma_wait3A_298[%dma_wait3A_289, %dma_wait3A_299] : memref<4x80xi32, #tpu.memory_space<vmem>> -> memref<1x80xi32, #tpu.memory_space<vmem>>
      %dma_wait3A_301 = tpu.memref_squeeze %dma_wait3A_300 : memref<1x80xi32, #tpu.memory_space<vmem>> -> memref<80xi32, #tpu.memory_space<vmem>>
      %dma_wait3A_302 = arith.constant 0 : i32
      %dma_wait3A_303 = arith.constant 0 : i32
      %dma_wait3A_304 = tpu.memref_slice %arg2[%dma_wait3A_302, %dma_wait3A_303] : memref<10000x128xf32, #tpu.memory_space<hbm>> -> memref<10000x128xf32, #tpu.memory_space<hbm>>
      tpu.wait_indirect_dma semaphore(%arg13 : memref<!tpu.dma_semaphore, #tpu.memory_space<semaphore_mem>>) src(%dma_wait3A_304 : memref<10000x128xf32, #tpu.memory_space<hbm>>) dst(%dma_wait3A_294 : memref<80x128xf32, #tpu.memory_space<vmem>>)
      %dma_start3A_305 = arith.constant 2 : i32
      %dma_start3A_306 = arith.constant 2 : i32
      %dma_start3A_307 = arith.constant 0 : i32
      %dma_start3A_308 = arith.constant 0 : i32
      %dma_start3A_309 = tpu.memref_slice %arg9[%dma_start3A_305, %dma_start3A_307, %dma_start3A_308] : memref<4x80x128xf32, #tpu.memory_space<vmem>> -> memref<1x80x128xf32, #tpu.memory_space<vmem>>
      %dma_start3A_310 = tpu.memref_squeeze %dma_start3A_309 : memref<1x80x128xf32, #tpu.memory_space<vmem>> -> memref<80x128xf32, #tpu.memory_space<vmem>>
      %dma_start3A_311 = arith.constant 0 : i32
      %dma_start3A_312 = arith.constant 0 : i32
      %dma_start3A_313 = tpu.memref_slice %arg8[%rem3A_120, %dma_start3A_311, %dma_start3A_312] : memref<3x4x80xi32, #tpu.memory_space<vmem>> -> memref<1x4x80xi32, #tpu.memory_space<vmem>>
      %dma_start3A_314 = tpu.memref_squeeze %dma_start3A_313 : memref<1x4x80xi32, #tpu.memory_space<vmem>> -> memref<4x80xi32, #tpu.memory_space<vmem>>
      %dma_start3A_315 = arith.constant 0 : i32
      %dma_start3A_316 = tpu.memref_slice %dma_start3A_314[%dma_start3A_306, %dma_start3A_315] : memref<4x80xi32, #tpu.memory_space<vmem>> -> memref<1x80xi32, #tpu.memory_space<vmem>>
      %dma_start3A_317 = tpu.memref_squeeze %dma_start3A_316 : memref<1x80xi32, #tpu.memory_space<vmem>> -> memref<80xi32, #tpu.memory_space<vmem>>
      %dma_start3A_318 = arith.constant 0 : i32
      %dma_start3A_319 = arith.constant 0 : i32
      %dma_start3A_320 = tpu.memref_slice %arg10[%dma_start3A_318, %dma_start3A_319] : memref<10240x128xf32, #tpu.memory_space<vmem_shared>> -> memref<10240x128xf32, #tpu.memory_space<vmem_shared>>
      tpu.enqueue_indirect_dma source(%dma_start3A_310 : memref<80x128xf32, #tpu.memory_space<vmem>>) target(%dma_start3A_320 : memref<10240x128xf32, #tpu.memory_space<vmem_shared>>) offsets(%dma_start3A_317 : memref<80xi32, #tpu.memory_space<vmem>>) semaphore(%arg15 : memref<!tpu.dma_semaphore, #tpu.memory_space<semaphore_mem>>) {add = true}
      %dma_wait3A_321 = arith.constant 3 : i32
      %dma_wait3A_322 = arith.constant 3 : i32
      %dma_wait3A_323 = arith.constant 0 : i32
      %dma_wait3A_324 = arith.constant 0 : i32
      %dma_wait3A_325 = tpu.memref_slice %arg9[%dma_wait3A_322, %dma_wait3A_323, %dma_wait3A_324] : memref<4x80x128xf32, #tpu.memory_space<vmem>> -> memref<1x80x128xf32, #tpu.memory_space<vmem>>
      %dma_wait3A_326 = tpu.memref_squeeze %dma_wait3A_325 : memref<1x80x128xf32, #tpu.memory_space<vmem>> -> memref<80x128xf32, #tpu.memory_space<vmem>>
      %dma_wait3A_327 = arith.constant 0 : i32
      %dma_wait3A_328 = arith.constant 0 : i32
      %dma_wait3A_329 = tpu.memref_slice %arg7[%rem3A_120, %dma_wait3A_327, %dma_wait3A_328] : memref<3x4x80xi32, #tpu.memory_space<vmem>> -> memref<1x4x80xi32, #tpu.memory_space<vmem>>
      %dma_wait3A_330 = tpu.memref_squeeze %dma_wait3A_329 : memref<1x4x80xi32, #tpu.memory_space<vmem>> -> memref<4x80xi32, #tpu.memory_space<vmem>>
      %dma_wait3A_331 = arith.constant 0 : i32
      %dma_wait3A_332 = tpu.memref_slice %dma_wait3A_330[%dma_wait3A_321, %dma_wait3A_331] : memref<4x80xi32, #tpu.memory_space<vmem>> -> memref<1x80xi32, #tpu.memory_space<vmem>>
      %dma_wait3A_333 = tpu.memref_squeeze %dma_wait3A_332 : memref<1x80xi32, #tpu.memory_space<vmem>> -> memref<80xi32, #tpu.memory_space<vmem>>
      %dma_wait3A_334 = arith.constant 0 : i32
      %dma_wait3A_335 = arith.constant 0 : i32
      %dma_wait3A_336 = tpu.memref_slice %arg2[%dma_wait3A_334, %dma_wait3A_335] : memref<10000x128xf32, #tpu.memory_space<hbm>> -> memref<10000x128xf32, #tpu.memory_space<hbm>>
      tpu.wait_indirect_dma semaphore(%arg14 : memref<!tpu.dma_semaphore, #tpu.memory_space<semaphore_mem>>) src(%dma_wait3A_336 : memref<10000x128xf32, #tpu.memory_space<hbm>>) dst(%dma_wait3A_326 : memref<80x128xf32, #tpu.memory_space<vmem>>)
      %dma_start3A_337 = arith.constant 3 : i32
      %dma_start3A_338 = arith.constant 3 : i32
      %dma_start3A_339 = arith.constant 0 : i32
      %dma_start3A_340 = arith.constant 0 : i32
      %dma_start3A_341 = tpu.memref_slice %arg9[%dma_start3A_337, %dma_start3A_339, %dma_start3A_340] : memref<4x80x128xf32, #tpu.memory_space<vmem>> -> memref<1x80x128xf32, #tpu.memory_space<vmem>>
      %dma_start3A_342 = tpu.memref_squeeze %dma_start3A_341 : memref<1x80x128xf32, #tpu.memory_space<vmem>> -> memref<80x128xf32, #tpu.memory_space<vmem>>
      %dma_start3A_343 = arith.constant 0 : i32
      %dma_start3A_344 = arith.constant 0 : i32
      %dma_start3A_345 = tpu.memref_slice %arg8[%rem3A_120, %dma_start3A_343, %dma_start3A_344] : memref<3x4x80xi32, #tpu.memory_space<vmem>> -> memref<1x4x80xi32, #tpu.memory_space<vmem>>
      %dma_start3A_346 = tpu.memref_squeeze %dma_start3A_345 : memref<1x4x80xi32, #tpu.memory_space<vmem>> -> memref<4x80xi32, #tpu.memory_space<vmem>>
      %dma_start3A_347 = arith.constant 0 : i32
      %dma_start3A_348 = tpu.memref_slice %dma_start3A_346[%dma_start3A_338, %dma_start3A_347] : memref<4x80xi32, #tpu.memory_space<vmem>> -> memref<1x80xi32, #tpu.memory_space<vmem>>
      %dma_start3A_349 = tpu.memref_squeeze %dma_start3A_348 : memref<1x80xi32, #tpu.memory_space<vmem>> -> memref<80xi32, #tpu.memory_space<vmem>>
      %dma_start3A_350 = arith.constant 0 : i32
      %dma_start3A_351 = arith.constant 0 : i32
      %dma_start3A_352 = tpu.memref_slice %arg10[%dma_start3A_350, %dma_start3A_351] : memref<10240x128xf32, #tpu.memory_space<vmem_shared>> -> memref<10240x128xf32, #tpu.memory_space<vmem_shared>>
      tpu.enqueue_indirect_dma source(%dma_start3A_342 : memref<80x128xf32, #tpu.memory_space<vmem>>) target(%dma_start3A_352 : memref<10240x128xf32, #tpu.memory_space<vmem_shared>>) offsets(%dma_start3A_349 : memref<80xi32, #tpu.memory_space<vmem>>) semaphore(%arg15 : memref<!tpu.dma_semaphore, #tpu.memory_space<semaphore_mem>>) {add = true}
    }
    %dma_wait3A = arith.constant 0 : i32
    %dma_wait3A_55 = arith.constant 0 : i32
    %dma_wait3A_56 = arith.constant 0 : i32
    %dma_wait3A_57 = tpu.memref_slice %arg9[%dma_wait3A, %dma_wait3A_55, %dma_wait3A_56] : memref<4x80x128xf32, #tpu.memory_space<vmem>> -> memref<1x80x128xf32, #tpu.memory_space<vmem>>
    %dma_wait3A_58 = tpu.memref_squeeze %dma_wait3A_57 : memref<1x80x128xf32, #tpu.memory_space<vmem>> -> memref<80x128xf32, #tpu.memory_space<vmem>>
    %dma_wait3A_59 = arith.constant 0 : i32
    %dma_wait3A_60 = arith.constant 0 : i32
    %dma_wait3A_61 = tpu.memref_slice %arg5[%dma_wait3A_59, %dma_wait3A_60] : memref<10240x128xf32, #tpu.memory_space<hbm>> -> memref<80x128xf32, #tpu.memory_space<hbm>>
    %dma_wait3A_62 = arith.constant 0 : i32
    %dma_wait3A_63 = arith.constant 0 : i32
    %dma_wait3A_64 = tpu.memref_slice %arg9[%dma_wait3A, %dma_wait3A_62, %dma_wait3A_63] : memref<4x80x128xf32, #tpu.memory_space<vmem>> -> memref<1x80x128xf32, #tpu.memory_space<vmem>>
    %dma_wait3A_65 = tpu.memref_squeeze %dma_wait3A_64 : memref<1x80x128xf32, #tpu.memory_space<vmem>> -> memref<80x128xf32, #tpu.memory_space<vmem>>
    %dma_wait3A_66 = arith.constant 0 : i32
    %dma_wait3A_67 = arith.constant 0 : i32
    %dma_wait3A_68 = tpu.memref_slice %arg5[%dma_wait3A_66, %dma_wait3A_67] : memref<10240x128xf32, #tpu.memory_space<hbm>> -> memref<80x128xf32, #tpu.memory_space<hbm>>
    tpu.wait_dma2 semaphore(%arg15 : memref<!tpu.dma_semaphore, #tpu.memory_space<semaphore_mem>>) src(%dma_wait3A_68 : memref<80x128xf32, #tpu.memory_space<hbm>>) dst(%dma_wait3A_65 : memref<80x128xf32, #tpu.memory_space<vmem>>)
    %dma_wait3A_69 = arith.constant 1 : i32
    %dma_wait3A_70 = arith.constant 0 : i32
    %dma_wait3A_71 = arith.constant 0 : i32
    %dma_wait3A_72 = tpu.memref_slice %arg9[%dma_wait3A_69, %dma_wait3A_70, %dma_wait3A_71] : memref<4x80x128xf32, #tpu.memory_space<vmem>> -> memref<1x80x128xf32, #tpu.memory_space<vmem>>
    %dma_wait3A_73 = tpu.memref_squeeze %dma_wait3A_72 : memref<1x80x128xf32, #tpu.memory_space<vmem>> -> memref<80x128xf32, #tpu.memory_space<vmem>>
    %dma_wait3A_74 = arith.constant 0 : i32
    %dma_wait3A_75 = arith.constant 0 : i32
    %dma_wait3A_76 = tpu.memref_slice %arg5[%dma_wait3A_74, %dma_wait3A_75] : memref<10240x128xf32, #tpu.memory_space<hbm>> -> memref<80x128xf32, #tpu.memory_space<hbm>>
    %dma_wait3A_77 = arith.constant 0 : i32
    %dma_wait3A_78 = arith.constant 0 : i32
    %dma_wait3A_79 = tpu.memref_slice %arg9[%dma_wait3A_69, %dma_wait3A_77, %dma_wait3A_78] : memref<4x80x128xf32, #tpu.memory_space<vmem>> -> memref<1x80x128xf32, #tpu.memory_space<vmem>>
    %dma_wait3A_80 = tpu.memref_squeeze %dma_wait3A_79 : memref<1x80x128xf32, #tpu.memory_space<vmem>> -> memref<80x128xf32, #tpu.memory_space<vmem>>
    %dma_wait3A_81 = arith.constant 0 : i32
    %dma_wait3A_82 = arith.constant 0 : i32
    %dma_wait3A_83 = tpu.memref_slice %arg5[%dma_wait3A_81, %dma_wait3A_82] : memref<10240x128xf32, #tpu.memory_space<hbm>> -> memref<80x128xf32, #tpu.memory_space<hbm>>
    tpu.wait_dma2 semaphore(%arg15 : memref<!tpu.dma_semaphore, #tpu.memory_space<semaphore_mem>>) src(%dma_wait3A_83 : memref<80x128xf32, #tpu.memory_space<hbm>>) dst(%dma_wait3A_80 : memref<80x128xf32, #tpu.memory_space<vmem>>)
    %dma_wait3A_84 = arith.constant 2 : i32
    %dma_wait3A_85 = arith.constant 0 : i32
    %dma_wait3A_86 = arith.constant 0 : i32
    %dma_wait3A_87 = tpu.memref_slice %arg9[%dma_wait3A_84, %dma_wait3A_85, %dma_wait3A_86] : memref<4x80x128xf32, #tpu.memory_space<vmem>> -> memref<1x80x128xf32, #tpu.memory_space<vmem>>
    %dma_wait3A_88 = tpu.memref_squeeze %dma_wait3A_87 : memref<1x80x128xf32, #tpu.memory_space<vmem>> -> memref<80x128xf32, #tpu.memory_space<vmem>>
    %dma_wait3A_89 = arith.constant 0 : i32
    %dma_wait3A_90 = arith.constant 0 : i32
    %dma_wait3A_91 = tpu.memref_slice %arg5[%dma_wait3A_89, %dma_wait3A_90] : memref<10240x128xf32, #tpu.memory_space<hbm>> -> memref<80x128xf32, #tpu.memory_space<hbm>>
    %dma_wait3A_92 = arith.constant 0 : i32
    %dma_wait3A_93 = arith.constant 0 : i32
    %dma_wait3A_94 = tpu.memref_slice %arg9[%dma_wait3A_84, %dma_wait3A_92, %dma_wait3A_93] : memref<4x80x128xf32, #tpu.memory_space<vmem>> -> memref<1x80x128xf32, #tpu.memory_space<vmem>>
    %dma_wait3A_95 = tpu.memref_squeeze %dma_wait3A_94 : memref<1x80x128xf32, #tpu.memory_space<vmem>> -> memref<80x128xf32, #tpu.memory_space<vmem>>
    %dma_wait3A_96 = arith.constant 0 : i32
    %dma_wait3A_97 = arith.constant 0 : i32
    %dma_wait3A_98 = tpu.memref_slice %arg5[%dma_wait3A_96, %dma_wait3A_97] : memref<10240x128xf32, #tpu.memory_space<hbm>> -> memref<80x128xf32, #tpu.memory_space<hbm>>
    tpu.wait_dma2 semaphore(%arg15 : memref<!tpu.dma_semaphore, #tpu.memory_space<semaphore_mem>>) src(%dma_wait3A_98 : memref<80x128xf32, #tpu.memory_space<hbm>>) dst(%dma_wait3A_95 : memref<80x128xf32, #tpu.memory_space<vmem>>)
    %dma_wait3A_99 = arith.constant 3 : i32
    %dma_wait3A_100 = arith.constant 0 : i32
    %dma_wait3A_101 = arith.constant 0 : i32
    %dma_wait3A_102 = tpu.memref_slice %arg9[%dma_wait3A_99, %dma_wait3A_100, %dma_wait3A_101] : memref<4x80x128xf32, #tpu.memory_space<vmem>> -> memref<1x80x128xf32, #tpu.memory_space<vmem>>
    %dma_wait3A_103 = tpu.memref_squeeze %dma_wait3A_102 : memref<1x80x128xf32, #tpu.memory_space<vmem>> -> memref<80x128xf32, #tpu.memory_space<vmem>>
    %dma_wait3A_104 = arith.constant 0 : i32
    %dma_wait3A_105 = arith.constant 0 : i32
    %dma_wait3A_106 = tpu.memref_slice %arg5[%dma_wait3A_104, %dma_wait3A_105] : memref<10240x128xf32, #tpu.memory_space<hbm>> -> memref<80x128xf32, #tpu.memory_space<hbm>>
    %dma_wait3A_107 = arith.constant 0 : i32
    %dma_wait3A_108 = arith.constant 0 : i32
    %dma_wait3A_109 = tpu.memref_slice %arg9[%dma_wait3A_99, %dma_wait3A_107, %dma_wait3A_108] : memref<4x80x128xf32, #tpu.memory_space<vmem>> -> memref<1x80x128xf32, #tpu.memory_space<vmem>>
    %dma_wait3A_110 = tpu.memref_squeeze %dma_wait3A_109 : memref<1x80x128xf32, #tpu.memory_space<vmem>> -> memref<80x128xf32, #tpu.memory_space<vmem>>
    %dma_wait3A_111 = arith.constant 0 : i32
    %dma_wait3A_112 = arith.constant 0 : i32
    %dma_wait3A_113 = tpu.memref_slice %arg5[%dma_wait3A_111, %dma_wait3A_112] : memref<10240x128xf32, #tpu.memory_space<hbm>> -> memref<80x128xf32, #tpu.memory_space<hbm>>
    tpu.wait_dma2 semaphore(%arg15 : memref<!tpu.dma_semaphore, #tpu.memory_space<semaphore_mem>>) src(%dma_wait3A_113 : memref<80x128xf32, #tpu.memory_space<hbm>>) dst(%dma_wait3A_110 : memref<80x128xf32, #tpu.memory_space<vmem>>)
    %barrier3A_114 = arith.constant 0 : index
    tpu.barrier barrier_id(%barrier3A_114)
    %mul3A_115 = arith.constant 640 : i32
    %mul3A_116 = arith.muli %arg1, %mul3A_115 : i32
    %mul3A_117 = arith.constant 640 : i32
    %mul3A_118 = arith.muli %arg1, %mul3A_117 : i32
    "tpu.region"() ({
      %run_scoped3A = tpu.sem_alloc : memref<!tpu.dma_semaphore, #tpu.memory_space<semaphore_mem>>
      %dma_start3A_119 = arith.constant 0 : i32
      %dma_start3A_120 = tpu.memref_slice %arg6[%arg0, %mul3A_118, %dma_start3A_119] : memref<2x10240x128xf32, #tpu.memory_space<hbm>> -> memref<1x640x128xf32, #tpu.memory_space<hbm>>
      %dma_start3A_121 = tpu.memref_squeeze %dma_start3A_120 : memref<1x640x128xf32, #tpu.memory_space<hbm>> -> memref<640x128xf32, #tpu.memory_space<hbm>>
      %dma_start3A_122 = arith.constant 0 : i32
      %dma_start3A_123 = tpu.memref_slice %arg10[%mul3A_116, %dma_start3A_122] : memref<10240x128xf32, #tpu.memory_space<vmem_shared>> -> memref<640x128xf32, #tpu.memory_space<vmem_shared>>
      tpu.enqueue_dma source(%dma_start3A_123 : memref<640x128xf32, #tpu.memory_space<vmem_shared>>) target(%dma_start3A_121 : memref<640x128xf32, #tpu.memory_space<hbm>>) target_semaphore(%run_scoped3A : memref<!tpu.dma_semaphore, #tpu.memory_space<semaphore_mem>>)
      %dma_wait3A_124 = arith.constant 0 : i32
      %dma_wait3A_125 = tpu.memref_slice %arg6[%arg0, %mul3A_118, %dma_wait3A_124] : memref<2x10240x128xf32, #tpu.memory_space<hbm>> -> memref<1x640x128xf32, #tpu.memory_space<hbm>>
      %dma_wait3A_126 = tpu.memref_squeeze %dma_wait3A_125 : memref<1x640x128xf32, #tpu.memory_space<hbm>> -> memref<640x128xf32, #tpu.memory_space<hbm>>
      %dma_wait3A_127 = arith.constant 0 : i32
      %dma_wait3A_128 = tpu.memref_slice %arg10[%mul3A_116, %dma_wait3A_127] : memref<10240x128xf32, #tpu.memory_space<vmem_shared>> -> memref<640x128xf32, #tpu.memory_space<vmem_shared>>
      tpu.wait_dma2 semaphore(%run_scoped3A : memref<!tpu.dma_semaphore, #tpu.memory_space<semaphore_mem>>) src(%dma_wait3A_128 : memref<640x128xf32, #tpu.memory_space<vmem_shared>>) dst(%dma_wait3A_126 : memref<640x128xf32, #tpu.memory_space<hbm>>)
      tpu.yield
    }) : () -> ()
    return
  }
}

module attributes {stable_mosaic.version = 14 : i64} {
  func.func @_deg_tc(%arg0: i32, %arg1: memref<32x128xi32, #tpu.memory_space<vmem>>, %arg2: memref<80x128xf32, #tpu.memory_space<vmem>>, %arg3: memref<80x128xf32, #tpu.memory_space<vmem>>, %arg4: memref<1x1xf32, #tpu.memory_space<vmem>>) attributes {dimension_semantics = [#tpu.dimension_semantics<arbitrary>], iteration_bounds = array<i64: 80>, scalar_prefetch = 0 : i64, scratch_operands = 0 : i64, tpu.core_type = #tpu.core_type<tc>, window_params = [{transform_indices = @transform_0, window_bounds = array<i64: 32, 128>}, {pipeline_mode = #tpu.pipeline_mode<synchronous>, transform_indices = @transform_1, window_bounds = array<i64: 80, 128>}, {pipeline_mode = #tpu.pipeline_mode<synchronous>, transform_indices = @transform_2, window_bounds = array<i64: 80, 128>}, {pipeline_mode = #tpu.pipeline_mode<synchronous>, transform_indices = @transform_3, window_bounds = array<i64: 1, 1>}]} {
    %eq3A = arith.constant 0 : i32
    %eq3A_0 = arith.cmpi eq, %arg0, %eq3A : i32
    %convert_element_type3A = arith.extui %eq3A_0 : i1 to i32
    %cond3A = arith.constant 0 : i32
    %cond3A_1 = arith.cmpi ne, %convert_element_type3A, %cond3A : i32
    scf.if %cond3A_1 {
      %broadcast_in_dim3A_72 = arith.constant 0.000000e+00 : f32
      %broadcast_in_dim3A_73 = vector.broadcast %broadcast_in_dim3A_72 : f32 to vector<80x128xf32>
      %swap3A_74 = arith.constant 0 : index
      %swap3A_75 = arith.constant 0 : index
      %swap3A_76 = vector.load %arg2[%swap3A_74, %swap3A_75] : memref<80x128xf32, #tpu.memory_space<vmem>>, vector<80x128xf32>
      tpu.vector_store %arg2[%swap3A_74, %swap3A_75], %broadcast_in_dim3A_73 {strides = array<i32>} : memref<80x128xf32, #tpu.memory_space<vmem>>, vector<80x128xf32>,
    } else {
    }
    %get3A = arith.constant 0 : index
    %get3A_2 = arith.constant 0 : index
    %get3A_3 = vector.load %arg1[%get3A, %get3A_2] : memref<32x128xi32, #tpu.memory_space<vmem>>, vector<32x128xi32>
    %jit3A = arith.constant 128 : i32
    %div3A = vector.broadcast %jit3A : i32 to vector<32x128xi32>
    %div3A_4 = arith.divsi %get3A_3, %div3A : vector<32x128xi32>
    %sign3A = arith.constant 0 : i32
    %sign3A_5 = vector.broadcast %sign3A : i32 to vector<32x128xi32>
    %sign3A_6 = arith.cmpi sgt, %get3A_3, %sign3A_5 : vector<32x128xi32>
    %sign3A_7 = arith.extui %sign3A_6 : vector<32x128xi1> to vector<32x128xi32>
    %sign3A_8 = arith.constant 0 : i32
    %sign3A_9 = vector.broadcast %sign3A_8 : i32 to vector<32x128xi32>
    %sign3A_10 = arith.cmpi slt, %get3A_3, %sign3A_9 : vector<32x128xi32>
    %sign3A_11 = arith.extui %sign3A_10 : vector<32x128xi1> to vector<32x128xi32>
    %sign3A_12 = arith.subi %sign3A_7, %sign3A_11 : vector<32x128xi32>
    %sign3A_13 = arith.constant 0 : i32
    %sign3A_14 = arith.cmpi sgt, %jit3A, %sign3A_13 : i32
    %sign3A_15 = arith.extui %sign3A_14 : i1 to i32
    %sign3A_16 = arith.constant 0 : i32
    %sign3A_17 = arith.cmpi slt, %jit3A, %sign3A_16 : i32
    %sign3A_18 = arith.extui %sign3A_17 : i1 to i32
    %sign3A_19 = arith.subi %sign3A_15, %sign3A_18 : i32
    %ne3A = vector.broadcast %sign3A_19 : i32 to vector<32x128xi32>
    %ne3A_20 = arith.cmpi ne, %sign3A_12, %ne3A : vector<32x128xi32>
    %rem3A = vector.broadcast %jit3A : i32 to vector<32x128xi32>
    %rem3A_21 = arith.remsi %get3A_3, %rem3A : vector<32x128xi32>
    %ne3A_22 = arith.constant 0 : i32
    %ne3A_23 = vector.broadcast %ne3A_22 : i32 to vector<32x128xi32>
    %ne3A_24 = arith.cmpi ne, %rem3A_21, %ne3A_23 : vector<32x128xi32>
    %and3A = arith.andi %ne3A_20, %ne3A_24 : vector<32x128xi1>
    %sub3A = arith.constant 1 : i32
    %sub3A_25 = vector.broadcast %sub3A : i32 to vector<32x128xi32>
    %sub3A_26 = arith.subi %div3A_4, %sub3A_25 : vector<32x128xi32>
    %select_n3A = arith.select %and3A, %sub3A_26, %div3A_4 : vector<32x128xi1>, vector<32x128xi32>
    %jit3A_27 = arith.constant 128 : i32
    %eq3A_28 = arith.constant 0 : i32
    %eq3A_29 = arith.cmpi eq, %jit3A_27, %eq3A_28 : i32
    %jit3A_30 = arith.constant 1 : i32
    %select_n3A_31 = arith.select %eq3A_29, %jit3A_30, %jit3A_27 : i32
    %rem3A_32 = vector.broadcast %select_n3A_31 : i32 to vector<32x128xi32>
    %rem3A_33 = arith.remsi %get3A_3, %rem3A_32 : vector<32x128xi32>
    %ne3A_34 = arith.constant 0 : i32
    %ne3A_35 = vector.broadcast %ne3A_34 : i32 to vector<32x128xi32>
    %ne3A_36 = arith.cmpi ne, %rem3A_33, %ne3A_35 : vector<32x128xi32>
    %lt3A = arith.constant 0 : i32
    %lt3A_37 = vector.broadcast %lt3A : i32 to vector<32x128xi32>
    %lt3A_38 = arith.cmpi slt, %rem3A_33, %lt3A_37 : vector<32x128xi32>
    %lt3A_39 = arith.constant 0 : i32
    %lt3A_40 = arith.cmpi slt, %select_n3A_31, %lt3A_39 : i32
    %ne3A_41 = vector.broadcast %lt3A_40 : i1 to vector<32x128xi1>
    %ne3A_42 = vector.broadcast %ne3A_41 : vector<32x128xi1> to vector<32x128xi1>
    %ne3A_43 = arith.xori %lt3A_38, %ne3A_42 : vector<32x128xi1>
    %and3A_44 = arith.andi %ne3A_43, %ne3A_36 : vector<32x128xi1>
    %add3A = vector.broadcast %select_n3A_31 : i32 to vector<32x128xi32>
    %add3A_45 = arith.addi %rem3A_33, %add3A : vector<32x128xi32>
    %select_n3A_46 = arith.select %and3A_44, %add3A_45, %rem3A_33 : vector<32x128xi1>, vector<32x128xi32>
    %broadcast_in_dim3A = vector.shape_cast %select_n3A_46 : vector<32x128xi32> to vector<32x128x1xi32>
    %iota3A = tpu.iota {dimensions = array<i32: 2>} : vector<32x128x128xi32>
    %eq3A_47 = vector.broadcast %broadcast_in_dim3A : vector<32x128x1xi32> to vector<32x128x128xi32>
    %eq3A_48 = arith.cmpi eq, %eq3A_47, %iota3A : vector<32x128x128xi32>
    %convert_element_type3A_49 = arith.extui %eq3A_48 : vector<32x128x128xi1> to vector<32x128x128xi32>
    %convert_element_type3A_50 = arith.sitofp %convert_element_type3A_49 : vector<32x128x128xi32> to vector<32x128x128xf32>
    %convert_element_type3A_51 = arith.truncf %convert_element_type3A_50 : vector<32x128x128xf32> to vector<32x128x128xbf16>
    %broadcast_in_dim3A_52 = vector.shape_cast %select_n3A : vector<32x128xi32> to vector<32x128x1xi32>
    %iota3A_53 = tpu.iota {dimensions = array<i32: 2>} : vector<32x128x80xi32>
    %eq3A_54 = vector.broadcast %broadcast_in_dim3A_52 : vector<32x128x1xi32> to vector<32x128x80xi32>
    %eq3A_55 = arith.cmpi eq, %eq3A_54, %iota3A_53 : vector<32x128x80xi32>
    %convert_element_type3A_56 = arith.extui %eq3A_55 : vector<32x128x80xi1> to vector<32x128x80xi32>
    %convert_element_type3A_57 = arith.sitofp %convert_element_type3A_56 : vector<32x128x80xi32> to vector<32x128x80xf32>
    %convert_element_type3A_58 = arith.truncf %convert_element_type3A_57 : vector<32x128x80xf32> to vector<32x128x80xbf16>
    %reshape3A = vector.shape_cast %convert_element_type3A_51 : vector<32x128x128xbf16> to vector<4096x128xbf16>
    %reshape3A_59 = vector.shape_cast %convert_element_type3A_58 : vector<32x128x80xbf16> to vector<4096x80xbf16>
    %get3A_60 = arith.constant 0 : index
    %get3A_61 = arith.constant 0 : index
    %get3A_62 = vector.load %arg2[%get3A_60, %get3A_61] : memref<80x128xf32, #tpu.memory_space<vmem>>, vector<80x128xf32>
    %dot_general3A = arith.constant dense<0.000000e+00> : vector<80x128xf32>
    %dot_general3A_63 = tpu.matmul %reshape3A_59, %reshape3A, %dot_general3A {dimension_numbers = #tpu.dot_dimension_numbers<[0], [0], [1], [1], [0, 1, 1, 1], [], []>, transpose_lhs_hint = false} : vector<4096x80xbf16>, vector<4096x128xbf16>, vector<80x128xf32> -> vector<80x128xf32>
    %add3A_64 = arith.addf %get3A_62, %dot_general3A_63 : vector<80x128xf32>
    %swap3A = arith.constant 0 : index
    %swap3A_65 = arith.constant 0 : index
    %swap3A_66 = vector.load %arg2[%swap3A, %swap3A_65] : memref<80x128xf32, #tpu.memory_space<vmem>>, vector<80x128xf32>
    tpu.vector_store %arg2[%swap3A, %swap3A_65], %add3A_64 {strides = array<i32>} : memref<80x128xf32, #tpu.memory_space<vmem>>, vector<80x128xf32>,
    %eq3A_67 = arith.constant 79 : i32
    %eq3A_68 = arith.cmpi eq, %arg0, %eq3A_67 : i32
    %convert_element_type3A_69 = arith.extui %eq3A_68 : i1 to i32
    %cond3A_70 = arith.constant 0 : i32
    %cond3A_71 = arith.cmpi ne, %convert_element_type3A_69, %cond3A_70 : i32
    scf.if %cond3A_71 {
      %get3A_72 = arith.constant 0 : index
      %get3A_73 = arith.constant 0 : index
      %get3A_74 = vector.load %arg2[%get3A_72, %get3A_73] : memref<80x128xf32, #tpu.memory_space<vmem>>, vector<80x128xf32>
      %max3A = arith.constant 1.000000e+00 : f32
      %max3A_75 = vector.broadcast %max3A : f32 to vector<80x128xf32>
      %max3A_76 = arith.maximumf %get3A_74, %max3A_75 : vector<80x128xf32>
      %div3A_77 = arith.constant 1.000000e+00 : f32
      %div3A_78 = vector.broadcast %div3A_77 : f32 to vector<80x128xf32>
      %div3A_79 = arith.divf %div3A_78, %max3A_76 : vector<80x128xf32>
      %swap3A_80 = arith.constant 0 : index
      %swap3A_81 = arith.constant 0 : index
      %swap3A_82 = vector.load %arg3[%swap3A_80, %swap3A_81] : memref<80x128xf32, #tpu.memory_space<vmem>>, vector<80x128xf32>
      tpu.vector_store %arg3[%swap3A_80, %swap3A_81], %div3A_79 {strides = array<i32>} : memref<80x128xf32, #tpu.memory_space<vmem>>, vector<80x128xf32>,
      %get3A_83 = arith.constant 0 : index
      %get3A_84 = arith.constant 0 : index
      %get3A_85 = vector.load %arg2[%get3A_83, %get3A_84] : memref<80x128xf32, #tpu.memory_space<vmem>>, vector<80x128xf32>
      %reduce_max3A = vector.shape_cast %get3A_85 : vector<80x128xf32> to vector<1x80x128xf32>
      %reduce_max3A_86 = arith.constant dense<0xFF800000> : vector<1xf32>
      %reduce_max3A_87 = vector.multi_reduction <maximumf>, %reduce_max3A, %reduce_max3A_86 [1, 2] : vector<1x80x128xf32> to vector<1xf32>
      %reduce_max3A_88 = vector.shape_cast %reduce_max3A_87 : vector<1xf32> to vector<1x1x1xf32>
      %reduce_max3A_89 = vector.extract %reduce_max3A_88[0, 0, 0] : f32 from vector<1x1x1xf32>
      %reshape3A_90 = vector.broadcast %reduce_max3A_89 : f32 to vector<1x1xf32>
      %swap3A_91 = arith.constant 0 : index
      %swap3A_92 = arith.constant 0 : index
      %swap3A_93 = vector.load %arg4[%swap3A_91, %swap3A_92] : memref<1x1xf32, #tpu.memory_space<vmem>>, vector<1x1xf32>
      tpu.vector_store %arg4[%swap3A_91, %swap3A_92], %reshape3A_90 {strides = array<i32>} : memref<1x1xf32, #tpu.memory_space<vmem>>, vector<1x1xf32>,
    } else {
    }
    return
  }
  func.func @transform_0(%arg0: i32) -> (i32, i32) {
    %c0_i32 = arith.constant 0 : i32
    %c0_i32_0 = arith.constant 0 : i32
    return %arg0, %c0_i32 : i32, i32
  }
  func.func @transform_1(%arg0: i32) -> (i32, i32) {
    %c0_i32 = arith.constant 0 : i32
    %c0_i32_0 = arith.constant 0 : i32
    %c0_i32_1 = arith.constant 0 : i32
    return %c0_i32, %c0_i32_0 : i32, i32
  }
  func.func @transform_2(%arg0: i32) -> (i32, i32) {
    %c0_i32 = arith.constant 0 : i32
    %c0_i32_0 = arith.constant 0 : i32
    %c0_i32_1 = arith.constant 0 : i32
    return %c0_i32, %c0_i32_0 : i32, i32
  }
  func.func @transform_3(%arg0: i32) -> (i32, i32) {
    %c0_i32 = arith.constant 0 : i32
    %c0_i32_0 = arith.constant 0 : i32
    %c0_i32_1 = arith.constant 0 : i32
    return %c0_i32, %c0_i32_0 : i32, i32
  }
}

module attributes {stable_mosaic.version = 14 : i64} {
  func.func @_layer1_tc(%arg0: i32, %arg1: memref<2x1000x128xf32, #tpu.memory_space<vmem>>, %arg2: memref<1000x128xf32, #tpu.memory_space<vmem>>, %arg3: memref<1000x1xf32, #tpu.memory_space<vmem>>, %arg4: memref<128x256xf32, #tpu.memory_space<vmem>>, %arg5: memref<128x256xf32, #tpu.memory_space<vmem>>, %arg6: memref<1x256xf32, #tpu.memory_space<vmem>>, %arg7: memref<1x256xf32, #tpu.memory_space<vmem>>, %arg8: memref<1x256xf32, #tpu.memory_space<vmem>>, %arg9: memref<1x256xf32, #tpu.memory_space<vmem>>, %arg10: memref<1x256xf32, #tpu.memory_space<vmem>>, %arg11: memref<2x1000x128xf32, #tpu.memory_space<vmem>>, %arg12: memref<1x1xf32, #tpu.memory_space<vmem>>) attributes {dimension_semantics = [#tpu.dimension_semantics<arbitrary>], iteration_bounds = array<i64: 10>, scalar_prefetch = 0 : i64, scratch_operands = 0 : i64, tpu.core_type = #tpu.core_type<tc>, window_params = [{transform_indices = @transform_0, window_bounds = array<i64: 2, 1000, 128>}, {transform_indices = @transform_1, window_bounds = array<i64: 1000, 128>}, {transform_indices = @transform_2, window_bounds = array<i64: 1000, 1>}, {pipeline_mode = #tpu.pipeline_mode<synchronous>, transform_indices = @transform_3, window_bounds = array<i64: 128, 256>}, {pipeline_mode = #tpu.pipeline_mode<synchronous>, transform_indices = @transform_4, window_bounds = array<i64: 128, 256>}, {pipeline_mode = #tpu.pipeline_mode<synchronous>, transform_indices = @transform_5, window_bounds = array<i64: 1, 256>}, {pipeline_mode = #tpu.pipeline_mode<synchronous>, transform_indices = @transform_6, window_bounds = array<i64: 1, 256>}, {pipeline_mode = #tpu.pipeline_mode<synchronous>, transform_indices = @transform_7, window_bounds = array<i64: 1, 256>}, {pipeline_mode = #tpu.pipeline_mode<synchronous>, transform_indices = @transform_8, window_bounds = array<i64: 1, 256>}, {pipeline_mode = #tpu.pipeline_mode<synchronous>, transform_indices = @transform_9, window_bounds = array<i64: 1, 256>}, {transform_indices = @transform_10, window_bounds = array<i64: 2, 1000, 128>}, {pipeline_mode = #tpu.pipeline_mode<synchronous>, transform_indices = @transform_11, window_bounds = array<i64: 1, 1>}]} {
    %get3A = arith.constant 0 : index
    %get3A_0 = arith.constant 0 : index
    %get3A_1 = arith.constant 0 : index
    %get3A_2 = vector.load %arg1[%get3A, %get3A_0, %get3A_1] : memref<2x1000x128xf32, #tpu.memory_space<vmem>>, vector<1x1000x128xf32>
    %get3A_3 = vector.shape_cast %get3A_2 : vector<1x1000x128xf32> to vector<1000x128xf32>
    %get3A_4 = arith.constant 1 : index
    %get3A_5 = arith.constant 0 : index
    %get3A_6 = arith.constant 0 : index
    %get3A_7 = vector.load %arg1[%get3A_4, %get3A_5, %get3A_6] : memref<2x1000x128xf32, #tpu.memory_space<vmem>>, vector<1x1000x128xf32>
    %get3A_8 = vector.shape_cast %get3A_7 : vector<1x1000x128xf32> to vector<1000x128xf32>
    %add3A = arith.addf %get3A_3, %get3A_8 : vector<1000x128xf32>
    %get3A_9 = arith.constant 0 : index
    %get3A_10 = arith.constant 0 : index
    %get3A_11 = vector.load %arg3[%get3A_9, %get3A_10] : memref<1000x1xf32, #tpu.memory_space<vmem>>, vector<1000x1xf32>
    %mul3A = vector.broadcast %get3A_11 : vector<1000x1xf32> to vector<1000x128xf32>
    %mul3A_12 = arith.mulf %add3A, %mul3A : vector<1000x128xf32>
    %get3A_13 = arith.constant 0 : index
    %get3A_14 = arith.constant 0 : index
    %get3A_15 = vector.load %arg4[%get3A_13, %get3A_14] : memref<128x256xf32, #tpu.memory_space<vmem>>, vector<128x256xf32>
    %dot_general3A = arith.constant dense<0.000000e+00> : vector<1000x256xf32>
    %dot_general3A_16 = tpu.matmul %mul3A_12, %get3A_15, %dot_general3A {dimension_numbers = #tpu.dot_dimension_numbers<[1], [0], [0], [1], [0, 0, 1, 1], [], []>, transpose_lhs_hint = false} : vector<1000x128xf32>, vector<128x256xf32>, vector<1000x256xf32> -> vector<1000x256xf32>
    %get3A_17 = arith.constant 0 : index
    %get3A_18 = arith.constant 0 : index
    %get3A_19 = vector.load %arg2[%get3A_17, %get3A_18] : memref<1000x128xf32, #tpu.memory_space<vmem>>, vector<1000x128xf32>
    %get3A_20 = arith.constant 0 : index
    %get3A_21 = arith.constant 0 : index
    %get3A_22 = vector.load %arg5[%get3A_20, %get3A_21] : memref<128x256xf32, #tpu.memory_space<vmem>>, vector<128x256xf32>
    %dot_general3A_23 = arith.constant dense<0.000000e+00> : vector<1000x256xf32>
    %dot_general3A_24 = tpu.matmul %get3A_19, %get3A_22, %dot_general3A_23 {dimension_numbers = #tpu.dot_dimension_numbers<[1], [0], [0], [1], [0, 0, 1, 1], [], []>, transpose_lhs_hint = false} : vector<1000x128xf32>, vector<128x256xf32>, vector<1000x256xf32> -> vector<1000x256xf32>
    %add3A_25 = arith.addf %dot_general3A_16, %dot_general3A_24 : vector<1000x256xf32>
    %get3A_26 = arith.constant 0 : index
    %get3A_27 = arith.constant 0 : index
    %get3A_28 = vector.load %arg6[%get3A_26, %get3A_27] : memref<1x256xf32, #tpu.memory_space<vmem>>, vector<1x256xf32>
    %add3A_29 = vector.broadcast %get3A_28 : vector<1x256xf32> to vector<1000x256xf32>
    %add3A_30 = arith.addf %add3A_25, %add3A_29 : vector<1000x256xf32>
    %get3A_31 = arith.constant 0 : index
    %get3A_32 = arith.constant 0 : index
    %get3A_33 = vector.load %arg9[%get3A_31, %get3A_32] : memref<1x256xf32, #tpu.memory_space<vmem>>, vector<1x256xf32>
    %sub3A = vector.broadcast %get3A_33 : vector<1x256xf32> to vector<1000x256xf32>
    %sub3A_34 = arith.subf %add3A_30, %sub3A : vector<1000x256xf32>
    %get3A_35 = arith.constant 0 : index
    %get3A_36 = arith.constant 0 : index
    %get3A_37 = vector.load %arg10[%get3A_35, %get3A_36] : memref<1x256xf32, #tpu.memory_space<vmem>>, vector<1x256xf32>
    %add3A_38 = arith.constant 9.99999974E-6 : f32
    %add3A_39 = vector.broadcast %add3A_38 : f32 to vector<1x256xf32>
    %add3A_40 = arith.addf %get3A_37, %add3A_39 : vector<1x256xf32>
    %sqrt3A = math.sqrt %add3A_40 : vector<1x256xf32>
    %div3A = vector.broadcast %sqrt3A : vector<1x256xf32> to vector<1000x256xf32>
    %div3A_41 = arith.divf %sub3A_34, %div3A : vector<1000x256xf32>
    %get3A_42 = arith.constant 0 : index
    %get3A_43 = arith.constant 0 : index
    %get3A_44 = vector.load %arg7[%get3A_42, %get3A_43] : memref<1x256xf32, #tpu.memory_space<vmem>>, vector<1x256xf32>
    %mul3A_45 = vector.broadcast %get3A_44 : vector<1x256xf32> to vector<1000x256xf32>
    %mul3A_46 = arith.mulf %div3A_41, %mul3A_45 : vector<1000x256xf32>
    %get3A_47 = arith.constant 0 : index
    %get3A_48 = arith.constant 0 : index
    %get3A_49 = vector.load %arg8[%get3A_47, %get3A_48] : memref<1x256xf32, #tpu.memory_space<vmem>>, vector<1x256xf32>
    %add3A_50 = vector.broadcast %get3A_49 : vector<1x256xf32> to vector<1000x256xf32>
    %add3A_51 = arith.addf %mul3A_46, %add3A_50 : vector<1000x256xf32>
    %max3A = arith.constant 0.000000e+00 : f32
    %max3A_52 = vector.broadcast %max3A : f32 to vector<1000x256xf32>
    %max3A_53 = arith.maximumf %add3A_51, %max3A_52 : vector<1000x256xf32>
    %slice3A = vector.extract_strided_slice %max3A_53 {offsets = [0, 0], sizes = [1000, 128], strides = [1, 1]} : vector<1000x256xf32> to vector<1000x128xf32>
    %swap3A = arith.constant 0 : index
    %swap3A_54 = arith.constant 0 : index
    %swap3A_55 = arith.constant 0 : index
    %swap3A_56 = vector.load %arg11[%swap3A, %swap3A_54, %swap3A_55] : memref<2x1000x128xf32, #tpu.memory_space<vmem>>, vector<1x1000x128xf32>
    %swap3A_57 = vector.shape_cast %swap3A_56 : vector<1x1000x128xf32> to vector<1000x128xf32>
    %swap3A_58 = vector.shape_cast %slice3A : vector<1000x128xf32> to vector<1x1000x128xf32>
    tpu.vector_store %arg11[%swap3A, %swap3A_54, %swap3A_55], %swap3A_58 {strides = array<i32>} : memref<2x1000x128xf32, #tpu.memory_space<vmem>>, vector<1x1000x128xf32>,
    %slice3A_59 = vector.extract_strided_slice %max3A_53 {offsets = [0, 128], sizes = [1000, 128], strides = [1, 1]} : vector<1000x256xf32> to vector<1000x128xf32>
    %swap3A_60 = arith.constant 1 : index
    %swap3A_61 = arith.constant 0 : index
    %swap3A_62 = arith.constant 0 : index
    %swap3A_63 = vector.load %arg11[%swap3A_60, %swap3A_61, %swap3A_62] : memref<2x1000x128xf32, #tpu.memory_space<vmem>>, vector<1x1000x128xf32>
    %swap3A_64 = vector.shape_cast %swap3A_63 : vector<1x1000x128xf32> to vector<1000x128xf32>
    %swap3A_65 = vector.shape_cast %slice3A_59 : vector<1000x128xf32> to vector<1x1000x128xf32>
    tpu.vector_store %arg11[%swap3A_60, %swap3A_61, %swap3A_62], %swap3A_65 {strides = array<i32>} : memref<2x1000x128xf32, #tpu.memory_space<vmem>>, vector<1x1000x128xf32>,
    %eq3A = arith.constant 0 : i32
    %eq3A_66 = arith.cmpi eq, %arg0, %eq3A : i32
    %convert_element_type3A = arith.extui %eq3A_66 : i1 to i32
    %cond3A = arith.constant 0 : i32
    %cond3A_67 = arith.cmpi ne, %convert_element_type3A, %cond3A : i32
    scf.if %cond3A_67 {
      %broadcast_in_dim3A = arith.constant 0.000000e+00 : f32
      %broadcast_in_dim3A_80 = vector.broadcast %broadcast_in_dim3A : f32 to vector<1x1xf32>
      %swap3A_81 = arith.constant 0 : index
      %swap3A_82 = arith.constant 0 : index
      %swap3A_83 = vector.load %arg12[%swap3A_81, %swap3A_82] : memref<1x1xf32, #tpu.memory_space<vmem>>, vector<1x1xf32>
      tpu.vector_store %arg12[%swap3A_81, %swap3A_82], %broadcast_in_dim3A_80 {strides = array<i32>} : memref<1x1xf32, #tpu.memory_space<vmem>>, vector<1x1xf32>,
    } else {
    }
    %get3A_68 = arith.constant 0 : index
    %get3A_69 = arith.constant 0 : index
    %get3A_70 = vector.load %arg12[%get3A_68, %get3A_69] : memref<1x1xf32, #tpu.memory_space<vmem>>, vector<1x1xf32>
    %reduce_max3A = vector.shape_cast %max3A_53 : vector<1000x256xf32> to vector<1x1000x256xf32>
    %reduce_max3A_71 = arith.constant dense<0xFF800000> : vector<1xf32>
    %reduce_max3A_72 = vector.multi_reduction <maximumf>, %reduce_max3A, %reduce_max3A_71 [1, 2] : vector<1x1000x256xf32> to vector<1xf32>
    %reduce_max3A_73 = vector.shape_cast %reduce_max3A_72 : vector<1xf32> to vector<1x1x1xf32>
    %reduce_max3A_74 = vector.extract %reduce_max3A_73[0, 0, 0] : f32 from vector<1x1x1xf32>
    %max3A_75 = vector.broadcast %reduce_max3A_74 : f32 to vector<1x1xf32>
    %max3A_76 = arith.maximumf %get3A_70, %max3A_75 : vector<1x1xf32>
    %swap3A_77 = arith.constant 0 : index
    %swap3A_78 = arith.constant 0 : index
    %swap3A_79 = vector.load %arg12[%swap3A_77, %swap3A_78] : memref<1x1xf32, #tpu.memory_space<vmem>>, vector<1x1xf32>
    tpu.vector_store %arg12[%swap3A_77, %swap3A_78], %max3A_76 {strides = array<i32>} : memref<1x1xf32, #tpu.memory_space<vmem>>, vector<1x1xf32>,
    return
  }
  func.func @transform_0(%arg0: i32) -> (i32, i32, i32) {
    %c0_i32 = arith.constant 0 : i32
    %c0_i32_0 = arith.constant 0 : i32
    %c0_i32_1 = arith.constant 0 : i32
    return %c0_i32, %arg0, %c0_i32_0 : i32, i32, i32
  }
  func.func @transform_1(%arg0: i32) -> (i32, i32) {
    %c0_i32 = arith.constant 0 : i32
    %c0_i32_0 = arith.constant 0 : i32
    return %arg0, %c0_i32 : i32, i32
  }
  func.func @transform_2(%arg0: i32) -> (i32, i32) {
    %c0_i32 = arith.constant 0 : i32
    %c0_i32_0 = arith.constant 0 : i32
    return %arg0, %c0_i32 : i32, i32
  }
  func.func @transform_3(%arg0: i32) -> (i32, i32) {
    %c0_i32 = arith.constant 0 : i32
    %c0_i32_0 = arith.constant 0 : i32
    %c0_i32_1 = arith.constant 0 : i32
    return %c0_i32, %c0_i32_0 : i32, i32
  }
  func.func @transform_4(%arg0: i32) -> (i32, i32) {
    %c0_i32 = arith.constant 0 : i32
    %c0_i32_0 = arith.constant 0 : i32
    %c0_i32_1 = arith.constant 0 : i32
    return %c0_i32, %c0_i32_0 : i32, i32
  }
  func.func @transform_5(%arg0: i32) -> (i32, i32) {
    %c0_i32 = arith.constant 0 : i32
    %c0_i32_0 = arith.constant 0 : i32
    %c0_i32_1 = arith.constant 0 : i32
    return %c0_i32, %c0_i32_0 : i32, i32
  }
  func.func @transform_6(%arg0: i32) -> (i32, i32) {
    %c0_i32 = arith.constant 0 : i32
    %c0_i32_0 = arith.constant 0 : i32
    %c0_i32_1 = arith.constant 0 : i32
    return %c0_i32, %c0_i32_0 : i32, i32
  }
  func.func @transform_7(%arg0: i32) -> (i32, i32) {
    %c0_i32 = arith.constant 0 : i32
    %c0_i32_0 = arith.constant 0 : i32
    %c0_i32_1 = arith.constant 0 : i32
    return %c0_i32, %c0_i32_0 : i32, i32
  }
  func.func @transform_8(%arg0: i32) -> (i32, i32) {
    %c0_i32 = arith.constant 0 : i32
    %c0_i32_0 = arith.constant 0 : i32
    %c0_i32_1 = arith.constant 0 : i32
    return %c0_i32, %c0_i32_0 : i32, i32
  }
  func.func @transform_9(%arg0: i32) -> (i32, i32) {
    %c0_i32 = arith.constant 0 : i32
    %c0_i32_0 = arith.constant 0 : i32
    %c0_i32_1 = arith.constant 0 : i32
    return %c0_i32, %c0_i32_0 : i32, i32
  }
  func.func @transform_10(%arg0: i32) -> (i32, i32, i32) {
    %c0_i32 = arith.constant 0 : i32
    %c0_i32_0 = arith.constant 0 : i32
    %c0_i32_1 = arith.constant 0 : i32
    return %c0_i32, %arg0, %c0_i32_0 : i32, i32, i32
  }
  func.func @transform_11(%arg0: i32) -> (i32, i32) {
    %c0_i32 = arith.constant 0 : i32
    %c0_i32_0 = arith.constant 0 : i32
    %c0_i32_1 = arith.constant 0 : i32
    return %c0_i32, %c0_i32_0 : i32, i32
  }
}

module attributes {stable_mosaic.version = 14 : i64} {
  func.func @_quant_tc(%arg0: i32, %arg1: memref<2x1000x128xf32, #tpu.memory_space<vmem>>, %arg2: memref<1x1xf32, #tpu.memory_space<vmem>>, %arg3: memref<1x1xf32, #tpu.memory_space<vmem>>, %arg4: memref<1000x128xi32, #tpu.memory_space<vmem>>, %arg5: memref<1x1xf32, #tpu.memory_space<vmem>>) attributes {dimension_semantics = [#tpu.dimension_semantics<arbitrary>], iteration_bounds = array<i64: 10>, scalar_prefetch = 0 : i64, scratch_operands = 0 : i64, tpu.core_type = #tpu.core_type<tc>, window_params = [{transform_indices = @transform_0, window_bounds = array<i64: 2, 1000, 128>}, {pipeline_mode = #tpu.pipeline_mode<synchronous>, transform_indices = @transform_1, window_bounds = array<i64: 1, 1>}, {pipeline_mode = #tpu.pipeline_mode<synchronous>, transform_indices = @transform_2, window_bounds = array<i64: 1, 1>}, {transform_indices = @transform_3, window_bounds = array<i64: 1000, 128>}, {pipeline_mode = #tpu.pipeline_mode<synchronous>, transform_indices = @transform_4, window_bounds = array<i64: 1, 1>}]} {
    %get3A = arith.constant 0 : index
    %get3A_0 = arith.constant 0 : index
    %get3A_1 = vector.load %arg3[%get3A, %get3A_0] : memref<1x1xf32, #tpu.memory_space<vmem>>, vector<1x1xf32>
    %mul3A = arith.constant 5.000000e-01 : f32
    %mul3A_2 = vector.broadcast %mul3A : f32 to vector<1x1xf32>
    %mul3A_3 = arith.mulf %mul3A_2, %get3A_1 : vector<1x1xf32>
    %sub3A = arith.constant 6.400000e+04 : f32
    %sub3A_4 = vector.broadcast %sub3A : f32 to vector<1x1xf32>
    %sub3A_5 = arith.subf %sub3A_4, %mul3A_3 : vector<1x1xf32>
    %max3A = arith.constant 1.000000e+00 : f32
    %max3A_6 = vector.broadcast %max3A : f32 to vector<1x1xf32>
    %max3A_7 = arith.maximumf %sub3A_5, %max3A_6 : vector<1x1xf32>
    %get3A_8 = arith.constant 0 : index
    %get3A_9 = arith.constant 0 : index
    %get3A_10 = vector.load %arg2[%get3A_8, %get3A_9] : memref<1x1xf32, #tpu.memory_space<vmem>>, vector<1x1xf32>
    %mul3A_11 = arith.mulf %get3A_1, %get3A_10 : vector<1x1xf32>
    %gt3A = arith.constant 0.000000e+00 : f32
    %gt3A_12 = vector.broadcast %gt3A : f32 to vector<1x1xf32>
    %gt3A_13 = arith.cmpf ogt, %mul3A_11, %gt3A_12 : vector<1x1xf32>
    %max3A_14 = arith.constant 1.000000e-30 : f32
    %max3A_15 = vector.broadcast %max3A_14 : f32 to vector<1x1xf32>
    %max3A_16 = arith.maximumf %mul3A_11, %max3A_15 : vector<1x1xf32>
    %div3A = arith.divf %max3A_7, %max3A_16 : vector<1x1xf32>
    %jit3A = arith.constant 1.000000e+00 : f32
    %broadcast_in_dim3A = vector.broadcast %jit3A : f32 to vector<1x1xf32>
    %select_n3A = arith.select %gt3A_13, %div3A, %broadcast_in_dim3A : vector<1x1xi1>, vector<1x1xf32>
    %swap3A = arith.constant 0 : index
    %swap3A_17 = arith.constant 0 : index
    %swap3A_18 = vector.load %arg5[%swap3A, %swap3A_17] : memref<1x1xf32, #tpu.memory_space<vmem>>, vector<1x1xf32>
    tpu.vector_store %arg5[%swap3A, %swap3A_17], %select_n3A {strides = array<i32>} : memref<1x1xf32, #tpu.memory_space<vmem>>, vector<1x1xf32>,
    %get3A_19 = arith.constant 0 : index
    %get3A_20 = arith.constant 0 : index
    %get3A_21 = arith.constant 0 : index
    %get3A_22 = vector.load %arg1[%get3A_19, %get3A_20, %get3A_21] : memref<2x1000x128xf32, #tpu.memory_space<vmem>>, vector<1x1000x128xf32>
    %get3A_23 = vector.shape_cast %get3A_22 : vector<1x1000x128xf32> to vector<1000x128xf32>
    %mul3A_24 = vector.broadcast %select_n3A : vector<1x1xf32> to vector<1000x128xf32>
    %mul3A_25 = arith.mulf %get3A_23, %mul3A_24 : vector<1000x128xf32>
    %round3A = math.roundeven %mul3A_25 : vector<1000x128xf32>
    %convert_element_type3A = arith.fptosi %round3A : vector<1000x128xf32> to vector<1000x128xi32>
    %get3A_26 = arith.constant 1 : index
    %get3A_27 = arith.constant 0 : index
    %get3A_28 = arith.constant 0 : index
    %get3A_29 = vector.load %arg1[%get3A_26, %get3A_27, %get3A_28] : memref<2x1000x128xf32, #tpu.memory_space<vmem>>, vector<1x1000x128xf32>
    %get3A_30 = vector.shape_cast %get3A_29 : vector<1x1000x128xf32> to vector<1000x128xf32>
    %mul3A_31 = vector.broadcast %select_n3A : vector<1x1xf32> to vector<1000x128xf32>
    %mul3A_32 = arith.mulf %get3A_30, %mul3A_31 : vector<1000x128xf32>
    %round3A_33 = math.roundeven %mul3A_32 : vector<1000x128xf32>
    %convert_element_type3A_34 = arith.fptosi %round3A_33 : vector<1000x128xf32> to vector<1000x128xi32>
    %shift_left3A = arith.constant 16 : i32
    %shift_left3A_35 = vector.broadcast %shift_left3A : i32 to vector<1000x128xi32>
    %shift_left3A_36 = arith.shli %convert_element_type3A_34, %shift_left3A_35 : vector<1000x128xi32>
    %add3A = arith.addi %convert_element_type3A, %shift_left3A_36 : vector<1000x128xi32>
    %swap3A_37 = arith.constant 0 : index
    %swap3A_38 = arith.constant 0 : index
    %swap3A_39 = vector.load %arg4[%swap3A_37, %swap3A_38] : memref<1000x128xi32, #tpu.memory_space<vmem>>, vector<1000x128xi32>
    tpu.vector_store %arg4[%swap3A_37, %swap3A_38], %add3A {strides = array<i32>} : memref<1000x128xi32, #tpu.memory_space<vmem>>, vector<1000x128xi32>,
    return
  }
  func.func @transform_0(%arg0: i32) -> (i32, i32, i32) {
    %c0_i32 = arith.constant 0 : i32
    %c0_i32_0 = arith.constant 0 : i32
    %c0_i32_1 = arith.constant 0 : i32
    return %c0_i32, %arg0, %c0_i32_0 : i32, i32, i32
  }
  func.func @transform_1(%arg0: i32) -> (i32, i32) {
    %c0_i32 = arith.constant 0 : i32
    %c0_i32_0 = arith.constant 0 : i32
    %c0_i32_1 = arith.constant 0 : i32
    return %c0_i32, %c0_i32_0 : i32, i32
  }
  func.func @transform_2(%arg0: i32) -> (i32, i32) {
    %c0_i32 = arith.constant 0 : i32
    %c0_i32_0 = arith.constant 0 : i32
    %c0_i32_1 = arith.constant 0 : i32
    return %c0_i32, %c0_i32_0 : i32, i32
  }
  func.func @transform_3(%arg0: i32) -> (i32, i32) {
    %c0_i32 = arith.constant 0 : i32
    %c0_i32_0 = arith.constant 0 : i32
    return %arg0, %c0_i32 : i32, i32
  }
  func.func @transform_4(%arg0: i32) -> (i32, i32) {
    %c0_i32 = arith.constant 0 : i32
    %c0_i32_0 = arith.constant 0 : i32
    %c0_i32_1 = arith.constant 0 : i32
    return %c0_i32, %c0_i32_0 : i32, i32
  }
}

module attributes {stable_mosaic.version = 14 : i64} {
  func.func @_layer2_tc(%arg0: i32, %arg1: memref<2x1000x128xi32, #tpu.memory_space<vmem>>, %arg2: memref<2x1000x128xf32, #tpu.memory_space<vmem>>, %arg3: memref<1000x1xf32, #tpu.memory_space<vmem>>, %arg4: memref<1x1xf32, #tpu.memory_space<vmem>>, %arg5: memref<256x256xf32, #tpu.memory_space<vmem>>, %arg6: memref<256x256xf32, #tpu.memory_space<vmem>>, %arg7: memref<1x256xf32, #tpu.memory_space<vmem>>, %arg8: memref<1x256xf32, #tpu.memory_space<vmem>>, %arg9: memref<1x256xf32, #tpu.memory_space<vmem>>, %arg10: memref<1x256xf32, #tpu.memory_space<vmem>>, %arg11: memref<1x256xf32, #tpu.memory_space<vmem>>, %arg12: memref<256x128xf32, #tpu.memory_space<vmem>>, %arg13: memref<1x128xf32, #tpu.memory_space<vmem>>, %arg14: memref<128x128xf32, #tpu.memory_space<vmem>>, %arg15: memref<1x128xf32, #tpu.memory_space<vmem>>, %arg16: memref<1000x256xf32, #tpu.memory_space<vmem>>, %arg17: memref<1000x128xf32, #tpu.memory_space<vmem>>) attributes {dimension_semantics = [#tpu.dimension_semantics<arbitrary>], iteration_bounds = array<i64: 10>, scalar_prefetch = 0 : i64, scratch_operands = 0 : i64, tpu.core_type = #tpu.core_type<tc>, window_params = [{transform_indices = @transform_0, window_bounds = array<i64: 2, 1000, 128>}, {transform_indices = @transform_1, window_bounds = array<i64: 2, 1000, 128>}, {transform_indices = @transform_2, window_bounds = array<i64: 1000, 1>}, {pipeline_mode = #tpu.pipeline_mode<synchronous>, transform_indices = @transform_3, window_bounds = array<i64: 1, 1>}, {pipeline_mode = #tpu.pipeline_mode<synchronous>, transform_indices = @transform_4, window_bounds = array<i64: 256, 256>}, {pipeline_mode = #tpu.pipeline_mode<synchronous>, transform_indices = @transform_5, window_bounds = array<i64: 256, 256>}, {pipeline_mode = #tpu.pipeline_mode<synchronous>, transform_indices = @transform_6, window_bounds = array<i64: 1, 256>}, {pipeline_mode = #tpu.pipeline_mode<synchronous>, transform_indices = @transform_7, window_bounds = array<i64: 1, 256>}, {pipeline_mode = #tpu.pipeline_mode<synchronous>, transform_indices = @transform_8, window_bounds = array<i64: 1, 256>}, {pipeline_mode = #tpu.pipeline_mode<synchronous>, transform_indices = @transform_9, window_bounds = array<i64: 1, 256>}, {pipeline_mode = #tpu.pipeline_mode<synchronous>, transform_indices = @transform_10, window_bounds = array<i64: 1, 256>}, {pipeline_mode = #tpu.pipeline_mode<synchronous>, transform_indices = @transform_11, window_bounds = array<i64: 256, 128>}, {pipeline_mode = #tpu.pipeline_mode<synchronous>, transform_indices = @transform_12, window_bounds = array<i64: 1, 128>}, {pipeline_mode = #tpu.pipeline_mode<synchronous>, transform_indices = @transform_13, window_bounds = array<i64: 128, 128>}, {pipeline_mode = #tpu.pipeline_mode<synchronous>, transform_indices = @transform_14, window_bounds = array<i64: 1, 128>}, {transform_indices = @transform_15, window_bounds = array<i64: 1000, 256>}, {transform_indices = @transform_16, window_bounds = array<i64: 1000, 128>}]} {
    %get3A = arith.constant 0 : index
    %get3A_0 = arith.constant 0 : index
    %get3A_1 = arith.constant 0 : index
    %get3A_2 = vector.load %arg1[%get3A, %get3A_0, %get3A_1] : memref<2x1000x128xi32, #tpu.memory_space<vmem>>, vector<1x1000x128xi32>
    %get3A_3 = vector.shape_cast %get3A_2 : vector<1x1000x128xi32> to vector<1000x128xi32>
    %get3A_4 = arith.constant 1 : index
    %get3A_5 = arith.constant 0 : index
    %get3A_6 = arith.constant 0 : index
    %get3A_7 = vector.load %arg1[%get3A_4, %get3A_5, %get3A_6] : memref<2x1000x128xi32, #tpu.memory_space<vmem>>, vector<1x1000x128xi32>
    %get3A_8 = vector.shape_cast %get3A_7 : vector<1x1000x128xi32> to vector<1000x128xi32>
    %add3A = arith.addi %get3A_3, %get3A_8 : vector<1000x128xi32>
    %and3A = arith.constant 65535 : i32
    %and3A_9 = vector.broadcast %and3A : i32 to vector<1000x128xi32>
    %and3A_10 = arith.andi %add3A, %and3A_9 : vector<1000x128xi32>
    %convert_element_type3A = arith.sitofp %and3A_10 : vector<1000x128xi32> to vector<1000x128xf32>
    %shift_right_logical3A = arith.constant 16 : i32
    %shift_right_logical3A_11 = vector.broadcast %shift_right_logical3A : i32 to vector<1000x128xi32>
    %shift_right_logical3A_12 = arith.shrui %add3A, %shift_right_logical3A_11 : vector<1000x128xi32>
    %convert_element_type3A_13 = arith.sitofp %shift_right_logical3A_12 : vector<1000x128xi32> to vector<1000x128xf32>
    %concatenate3A = tpu.concatenate %convert_element_type3A, %convert_element_type3A_13 in 1 : vector<1000x128xf32>, vector<1000x128xf32> -> vector<1000x256xf32>
    %get3A_14 = arith.constant 0 : index
    %get3A_15 = arith.constant 0 : index
    %get3A_16 = arith.constant 0 : index
    %get3A_17 = vector.load %arg2[%get3A_14, %get3A_15, %get3A_16] : memref<2x1000x128xf32, #tpu.memory_space<vmem>>, vector<1x1000x128xf32>
    %get3A_18 = vector.shape_cast %get3A_17 : vector<1x1000x128xf32> to vector<1000x128xf32>
    %get3A_19 = arith.constant 1 : index
    %get3A_20 = arith.constant 0 : index
    %get3A_21 = arith.constant 0 : index
    %get3A_22 = vector.load %arg2[%get3A_19, %get3A_20, %get3A_21] : memref<2x1000x128xf32, #tpu.memory_space<vmem>>, vector<1x1000x128xf32>
    %get3A_23 = vector.shape_cast %get3A_22 : vector<1x1000x128xf32> to vector<1000x128xf32>
    %concatenate3A_24 = tpu.concatenate %get3A_18, %get3A_23 in 1 : vector<1000x128xf32>, vector<1000x128xf32> -> vector<1000x256xf32>
    %get3A_25 = arith.constant 0 : index
    %get3A_26 = arith.constant 0 : index
    %get3A_27 = vector.load %arg3[%get3A_25, %get3A_26] : memref<1000x1xf32, #tpu.memory_space<vmem>>, vector<1000x1xf32>
    %get3A_28 = arith.constant 0 : index
    %get3A_29 = arith.constant 0 : index
    %get3A_30 = vector.load %arg4[%get3A_28, %get3A_29] : memref<1x1xf32, #tpu.memory_space<vmem>>, vector<1x1xf32>
    %div3A = vector.broadcast %get3A_30 : vector<1x1xf32> to vector<1000x1xf32>
    %div3A_31 = arith.divf %get3A_27, %div3A : vector<1000x1xf32>
    %mul3A = vector.broadcast %div3A_31 : vector<1000x1xf32> to vector<1000x256xf32>
    %mul3A_32 = arith.mulf %concatenate3A, %mul3A : vector<1000x256xf32>
    %get3A_33 = arith.constant 0 : index
    %get3A_34 = arith.constant 0 : index
    %get3A_35 = vector.load %arg5[%get3A_33, %get3A_34] : memref<256x256xf32, #tpu.memory_space<vmem>>, vector<256x256xf32>
    %dot_general3A = arith.constant dense<0.000000e+00> : vector<1000x256xf32>
    %dot_general3A_36 = tpu.matmul %mul3A_32, %get3A_35, %dot_general3A {dimension_numbers = #tpu.dot_dimension_numbers<[1], [0], [0], [1], [0, 0, 1, 1], [], []>, transpose_lhs_hint = false} : vector<1000x256xf32>, vector<256x256xf32>, vector<1000x256xf32> -> vector<1000x256xf32>
    %get3A_37 = arith.constant 0 : index
    %get3A_38 = arith.constant 0 : index
    %get3A_39 = vector.load %arg6[%get3A_37, %get3A_38] : memref<256x256xf32, #tpu.memory_space<vmem>>, vector<256x256xf32>
    %dot_general3A_40 = arith.constant dense<0.000000e+00> : vector<1000x256xf32>
    %dot_general3A_41 = tpu.matmul %concatenate3A_24, %get3A_39, %dot_general3A_40 {dimension_numbers = #tpu.dot_dimension_numbers<[1], [0], [0], [1], [0, 0, 1, 1], [], []>, transpose_lhs_hint = false} : vector<1000x256xf32>, vector<256x256xf32>, vector<1000x256xf32> -> vector<1000x256xf32>
    %add3A_42 = arith.addf %dot_general3A_36, %dot_general3A_41 : vector<1000x256xf32>
    %get3A_43 = arith.constant 0 : index
    %get3A_44 = arith.constant 0 : index
    %get3A_45 = vector.load %arg7[%get3A_43, %get3A_44] : memref<1x256xf32, #tpu.memory_space<vmem>>, vector<1x256xf32>
    %add3A_46 = vector.broadcast %get3A_45 : vector<1x256xf32> to vector<1000x256xf32>
    %add3A_47 = arith.addf %add3A_42, %add3A_46 : vector<1000x256xf32>
    %get3A_48 = arith.constant 0 : index
    %get3A_49 = arith.constant 0 : index
    %get3A_50 = vector.load %arg10[%get3A_48, %get3A_49] : memref<1x256xf32, #tpu.memory_space<vmem>>, vector<1x256xf32>
    %sub3A = vector.broadcast %get3A_50 : vector<1x256xf32> to vector<1000x256xf32>
    %sub3A_51 = arith.subf %add3A_47, %sub3A : vector<1000x256xf32>
    %get3A_52 = arith.constant 0 : index
    %get3A_53 = arith.constant 0 : index
    %get3A_54 = vector.load %arg11[%get3A_52, %get3A_53] : memref<1x256xf32, #tpu.memory_space<vmem>>, vector<1x256xf32>
    %add3A_55 = arith.constant 9.99999974E-6 : f32
    %add3A_56 = vector.broadcast %add3A_55 : f32 to vector<1x256xf32>
    %add3A_57 = arith.addf %get3A_54, %add3A_56 : vector<1x256xf32>
    %sqrt3A = math.sqrt %add3A_57 : vector<1x256xf32>
    %div3A_58 = vector.broadcast %sqrt3A : vector<1x256xf32> to vector<1000x256xf32>
    %div3A_59 = arith.divf %sub3A_51, %div3A_58 : vector<1000x256xf32>
    %get3A_60 = arith.constant 0 : index
    %get3A_61 = arith.constant 0 : index
    %get3A_62 = vector.load %arg8[%get3A_60, %get3A_61] : memref<1x256xf32, #tpu.memory_space<vmem>>, vector<1x256xf32>
    %mul3A_63 = vector.broadcast %get3A_62 : vector<1x256xf32> to vector<1000x256xf32>
    %mul3A_64 = arith.mulf %div3A_59, %mul3A_63 : vector<1000x256xf32>
    %get3A_65 = arith.constant 0 : index
    %get3A_66 = arith.constant 0 : index
    %get3A_67 = vector.load %arg9[%get3A_65, %get3A_66] : memref<1x256xf32, #tpu.memory_space<vmem>>, vector<1x256xf32>
    %add3A_68 = vector.broadcast %get3A_67 : vector<1x256xf32> to vector<1000x256xf32>
    %add3A_69 = arith.addf %mul3A_64, %add3A_68 : vector<1000x256xf32>
    %max3A = arith.constant 0.000000e+00 : f32
    %max3A_70 = vector.broadcast %max3A : f32 to vector<1000x256xf32>
    %max3A_71 = arith.maximumf %add3A_69, %max3A_70 : vector<1000x256xf32>
    %get3A_72 = arith.constant 0 : index
    %get3A_73 = arith.constant 0 : index
    %get3A_74 = vector.load %arg12[%get3A_72, %get3A_73] : memref<256x128xf32, #tpu.memory_space<vmem>>, vector<256x128xf32>
    %dot_general3A_75 = arith.constant dense<0.000000e+00> : vector<1000x128xf32>
    %dot_general3A_76 = tpu.matmul %max3A_71, %get3A_74, %dot_general3A_75 {dimension_numbers = #tpu.dot_dimension_numbers<[1], [0], [0], [1], [0, 0, 1, 1], [], []>, transpose_lhs_hint = false} : vector<1000x256xf32>, vector<256x128xf32>, vector<1000x128xf32> -> vector<1000x128xf32>
    %get3A_77 = arith.constant 0 : index
    %get3A_78 = arith.constant 0 : index
    %get3A_79 = vector.load %arg13[%get3A_77, %get3A_78] : memref<1x128xf32, #tpu.memory_space<vmem>>, vector<1x128xf32>
    %add3A_80 = vector.broadcast %get3A_79 : vector<1x128xf32> to vector<1000x128xf32>
    %add3A_81 = arith.addf %dot_general3A_76, %add3A_80 : vector<1000x128xf32>
    %max3A_82 = arith.constant 0.000000e+00 : f32
    %max3A_83 = vector.broadcast %max3A_82 : f32 to vector<1000x128xf32>
    %max3A_84 = arith.maximumf %add3A_81, %max3A_83 : vector<1000x128xf32>
    %get3A_85 = arith.constant 0 : index
    %get3A_86 = arith.constant 0 : index
    %get3A_87 = vector.load %arg14[%get3A_85, %get3A_86] : memref<128x128xf32, #tpu.memory_space<vmem>>, vector<128x128xf32>
    %dot_general3A_88 = arith.constant dense<0.000000e+00> : vector<1000x128xf32>
    %dot_general3A_89 = tpu.matmul %max3A_84, %get3A_87, %dot_general3A_88 {dimension_numbers = #tpu.dot_dimension_numbers<[1], [0], [0], [1], [0, 0, 1, 1], [], []>, transpose_lhs_hint = false} : vector<1000x128xf32>, vector<128x128xf32>, vector<1000x128xf32> -> vector<1000x128xf32>
    %get3A_90 = arith.constant 0 : index
    %get3A_91 = arith.constant 0 : index
    %get3A_92 = vector.load %arg15[%get3A_90, %get3A_91] : memref<1x128xf32, #tpu.memory_space<vmem>>, vector<1x128xf32>
    %add3A_93 = vector.broadcast %get3A_92 : vector<1x128xf32> to vector<1000x128xf32>
    %add3A_94 = arith.addf %dot_general3A_89, %add3A_93 : vector<1000x128xf32>
    %swap3A = arith.constant 0 : index
    %swap3A_95 = arith.constant 0 : index
    %swap3A_96 = vector.load %arg16[%swap3A, %swap3A_95] : memref<1000x256xf32, #tpu.memory_space<vmem>>, vector<1000x256xf32>
    tpu.vector_store %arg16[%swap3A, %swap3A_95], %max3A_71 {strides = array<i32>} : memref<1000x256xf32, #tpu.memory_space<vmem>>, vector<1000x256xf32>,
    %swap3A_97 = arith.constant 0 : index
    %swap3A_98 = arith.constant 0 : index
    %swap3A_99 = vector.load %arg17[%swap3A_97, %swap3A_98] : memref<1000x128xf32, #tpu.memory_space<vmem>>, vector<1000x128xf32>
    tpu.vector_store %arg17[%swap3A_97, %swap3A_98], %add3A_94 {strides = array<i32>} : memref<1000x128xf32, #tpu.memory_space<vmem>>, vector<1000x128xf32>,
    return
  }
  func.func @transform_0(%arg0: i32) -> (i32, i32, i32) {
    %c0_i32 = arith.constant 0 : i32
    %c0_i32_0 = arith.constant 0 : i32
    %c0_i32_1 = arith.constant 0 : i32
    return %c0_i32, %arg0, %c0_i32_0 : i32, i32, i32
  }
  func.func @transform_1(%arg0: i32) -> (i32, i32, i32) {
    %c0_i32 = arith.constant 0 : i32
    %c0_i32_0 = arith.constant 0 : i32
    %c0_i32_1 = arith.constant 0 : i32
    return %c0_i32, %arg0, %c0_i32_0 : i32, i32, i32
  }
  func.func @transform_2(%arg0: i32) -> (i32, i32) {
    %c0_i32 = arith.constant 0 : i32
    %c0_i32_0 = arith.constant 0 : i32
    return %arg0, %c0_i32 : i32, i32
  }
  func.func @transform_3(%arg0: i32) -> (i32, i32) {
    %c0_i32 = arith.constant 0 : i32
    %c0_i32_0 = arith.constant 0 : i32
    %c0_i32_1 = arith.constant 0 : i32
    return %c0_i32, %c0_i32_0 : i32, i32
  }
  func.func @transform_4(%arg0: i32) -> (i32, i32) {
    %c0_i32 = arith.constant 0 : i32
    %c0_i32_0 = arith.constant 0 : i32
    %c0_i32_1 = arith.constant 0 : i32
    return %c0_i32, %c0_i32_0 : i32, i32
  }
  func.func @transform_5(%arg0: i32) -> (i32, i32) {
    %c0_i32 = arith.constant 0 : i32
    %c0_i32_0 = arith.constant 0 : i32
    %c0_i32_1 = arith.constant 0 : i32
    return %c0_i32, %c0_i32_0 : i32, i32
  }
  func.func @transform_6(%arg0: i32) -> (i32, i32) {
    %c0_i32 = arith.constant 0 : i32
    %c0_i32_0 = arith.constant 0 : i32
    %c0_i32_1 = arith.constant 0 : i32
    return %c0_i32, %c0_i32_0 : i32, i32
  }
  func.func @transform_7(%arg0: i32) -> (i32, i32) {
    %c0_i32 = arith.constant 0 : i32
    %c0_i32_0 = arith.constant 0 : i32
    %c0_i32_1 = arith.constant 0 : i32
    return %c0_i32, %c0_i32_0 : i32, i32
  }
  func.func @transform_8(%arg0: i32) -> (i32, i32) {
    %c0_i32 = arith.constant 0 : i32
    %c0_i32_0 = arith.constant 0 : i32
    %c0_i32_1 = arith.constant 0 : i32
    return %c0_i32, %c0_i32_0 : i32, i32
  }
  func.func @transform_9(%arg0: i32) -> (i32, i32) {
    %c0_i32 = arith.constant 0 : i32
    %c0_i32_0 = arith.constant 0 : i32
    %c0_i32_1 = arith.constant 0 : i32
    return %c0_i32, %c0_i32_0 : i32, i32
  }
  func.func @transform_10(%arg0: i32) -> (i32, i32) {
    %c0_i32 = arith.constant 0 : i32
    %c0_i32_0 = arith.constant 0 : i32
    %c0_i32_1 = arith.constant 0 : i32
    return %c0_i32, %c0_i32_0 : i32, i32
  }
  func.func @transform_11(%arg0: i32) -> (i32, i32) {
    %c0_i32 = arith.constant 0 : i32
    %c0_i32_0 = arith.constant 0 : i32
    %c0_i32_1 = arith.constant 0 : i32
    return %c0_i32, %c0_i32_0 : i32, i32
  }
  func.func @transform_12(%arg0: i32) -> (i32, i32) {
    %c0_i32 = arith.constant 0 : i32
    %c0_i32_0 = arith.constant 0 : i32
    %c0_i32_1 = arith.constant 0 : i32
    return %c0_i32, %c0_i32_0 : i32, i32
  }
  func.func @transform_13(%arg0: i32) -> (i32, i32) {
    %c0_i32 = arith.constant 0 : i32
    %c0_i32_0 = arith.constant 0 : i32
    %c0_i32_1 = arith.constant 0 : i32
    return %c0_i32, %c0_i32_0 : i32, i32
  }
  func.func @transform_14(%arg0: i32) -> (i32, i32) {
    %c0_i32 = arith.constant 0 : i32
    %c0_i32_0 = arith.constant 0 : i32
    %c0_i32_1 = arith.constant 0 : i32
    return %c0_i32, %c0_i32_0 : i32, i32
  }
  func.func @transform_15(%arg0: i32) -> (i32, i32) {
    %c0_i32 = arith.constant 0 : i32
    %c0_i32_0 = arith.constant 0 : i32
    return %arg0, %c0_i32 : i32, i32
  }
  func.func @transform_16(%arg0: i32) -> (i32, i32) {
    %c0_i32 = arith.constant 0 : i32
    %c0_i32_0 = arith.constant 0 : i32
    return %arg0, %c0_i32 : i32, i32
  }
}

</mosaic_0001>

<sc_bundles>
// kernel: kernel.11.cloned.1.call-start
scs
__scs_entry_jumppad:
0x0: {  	(pc) =	sbr.rel $0x88, $3  }
0x1: {  	(tag) =	ssettag $0x0;
	lr =	simm.s32 $0x1  }
0x2: {  	[smem:$0x3F8D] =	sst lr;
	_ =	strace $0xD0000000  }
0x3: {  	_ = 	snop  }
0x4: {  	_ = 	snop  }
0x5: {  	_ = 	snop  }
0x6: {  	_ = 	snop  }
0x7: {  	_ = 	snop  }
__scs_overlays_trampoline_lowered:
0x8: {  	[smem:$0x3F9C] =	sst s0  }
0x9: {  	[smem:$0x3F9D] =	sst s1  }
0xa: {  	[smem:$0x3F9E] =	sst s2  }
0xb: {  	[smem:$0x3F9F] =	sst s3  }
0xc: {  	[smem:$0x3FA0] =	sst s4  }
0xd: {  	[smem:$0x3FA1] =	sst s5  }
0xe: {  	[smem:$0x3FA2] =	sst s6  }
0xf: {  	[smem:$0x3FA3] =	sst s7  }
0x10: {  	[smem:$0x3FA4] =	sst s8  }
0x11: {  	[smem:$0x3FA5] =	sst s9;
	s0 =	simm.s32 @!p0 $0x0  }
0x12: {  	s1 =	sld [smem:$0x3F8B];
	s0 =	simm.s32 @p0 $0x1  }
0x13: {  	[smem:$0x3FA6] =	sst s0;
	s0 =	simm.s32 @!p1 $0x0  }
0x14: {  	s2 =	sld [smem:$0x3F8A];
	s0 =	simm.s32 @p1 $0x1  }
0x15: {  	[smem:$0x3FA7] =	sst s0;
	s0 =	simm.s32 @!p2 $0x0  }
0x16: {  	s3 =	sld [smem:$0x3FDB];
	s0 =	simm.s32 @p2 $0x1  }
0x17: {  	s4 =	simm.s32 $0x1BF5;
	[smem:$0x3FA9] =	sst s0  }
0x18: {  	s0 =	sld [smem:$0x3F8C];
	_ =	swait.ge [sflag:s4], $0x0  }
0x19: {  	s7 =	sld [smem:$0x3F8D]  }
0x1a: {  	s8 =	sadd.s32 $0xFFFFE003, lr  }
0x1b: {  	s9 =	sadd.s32 $0xFFFFFEF7, lr;
	s5 =	simm.s32 $0xFFFFFFFF;
	p2 =	slt.u32 s8, $0xFFFFF086  }
0x1c: {  	p1 =	slt.u32 s9, $0xF7A;
	s5 =	simm.s32 @!p2 $0x0  }
0x1d: {  	s5 =	simm.s32 @p1 $0x1;
	p0 =	seq.s32 s7, s2  }
0x1e: {  	s7 =	smul.u32 @!p0 $0xF7A, s2;
	p2 =	seq.s32 @!p0 s5, $0x0  }
0x1f: {  	s9 =	smul.u32 $0xF7A, s1;
	s8 =	simm.s32 @!p0 $0x1BF5;
	p2 =	por !p2, p0  }
0x20: {  	[sflag:s8] =	ssyncset.s32 @!p0 $0xFFFFF086;
	s6 =	sadd.s32 @!p0 s3, s7;
	s7 =	simm.s32 @!p0 $0x108  }
0x21: {  	s3 =	sadd.s32 s3, s9;
	s6 =	sadd.s32 @!p0 $0x88, s6;
	s7 =	simm.s32 @p2 $0x1082  }
0x22: {  	[simem:s7], [sflag:s8] =	dma.local @!p0 [hbm:s6], $0xF7A  }
0x23: {  	s9 =	sor.u32 $0xD0000000, s2;
	s6 =	simm.s32 $0x108;
	_ =	swait.ge @!p0 [sflag:s8], $0x0  }
0x24: {  	s3 =	sadd.s32 $0x88, s3;
	s6 =	simm.s32 @!p1 $0x1082;
	[sflag:s4] =	ssyncset.s32 $0xFFFFF086  }
0x25: {  	[simem:s6], [sflag:s4] =	dma.local [hbm:s3], $0xF7A  }
0x26: {  	[smem:$0x3F8D] =	sst s1;
	(tag) =	ssettag s2;
	_ =	strace s9  }
0x27: {  	s1 =	sld [smem:$0x3F9D]  }
0x28: {  	s2 =	sld [smem:$0x3F9E]  }
0x29: {  	s4 =	sld [smem:$0x3FA0]  }
0x2a: {  	p0 =	seq.s32 s5, $0x0;
	s5 =	sld [smem:$0x3FA1]  }
0x2b: {  	s6 =	sld [smem:$0x3FA2]  }
0x2c: {  	s7 =	sld [smem:$0x3FA3]  }
0x2d: {  	s3 =	simm.s32 $0x108;
	s8 =	sld [smem:$0x3FA4]  }
0x2e: {  	s3 =	simm.s32 @!p0 $0x1082;
	s9 =	sld [smem:$0x3FA5]  }
0x2f: {  	lr =	sadd.s32 s0, s3;
	s0 =	sld [smem:$0x3F9C]  }
0x30: {  	s3 =	sld [smem:$0x3F9F]  }
0x31: {  	[smem:$0x3FA8] =	sst s10  }
0x32: {  	s10 =	sld [smem:$0x3FA6];
	_ =	sdelay $0x3  }
0x33: {  	p0 =	seq.s32 s10, $0x1;
	s10 =	sld [smem:$0x3FA8];
	_ =	sdelay $0x3  }
0x34: {  	[smem:$0x3FA8] =	sst s10  }
0x35: {  	s10 =	sld [smem:$0x3FA7];
	_ =	sdelay $0x3  }
0x36: {  	p1 =	seq.s32 s10, $0x1;
	s10 =	sld [smem:$0x3FA8];
	_ =	sdelay $0x3  }
0x37: {  	[smem:$0x3FA8] =	sst s10  }
0x38: {  	s10 =	sld [smem:$0x3FA9]  }
0x39: {  	_ = 	snop;
	(pc) =	sbr.ind lr, $3  }
0x3a: {  	_ = 	snop  }
0x3b: {  	_ = 	snop  }
0x3c: {  	p2 =	seq.s32 s10, $0x1;
	s10 =	sld [smem:$0x3FA8]  }
0x3d: {  	_ =	shalt  }
0x3e: {  	_ =	shalt  }
0x3f: {  	_ =	shalt  }
0x40: {  	_ =	shalt  }
0x41: {  	_ =	shalt  }
0x42: {  	_ =	shalt  }
0x43: {  	_ =	shalt  }
0x44: {  	_ =	shalt  }
0x45: {  	_ =	shalt  }
0x46: {  	_ =	shalt  }
0x47: {  	_ =	shalt  }
0x48: {  	_ =	shalt  }
0x49: {  	_ =	shalt  }
0x4a: {  	_ =	shalt  }
0x4b: {  	_ =	shalt  }
0x4c: {  	_ =	shalt  }
0x4d: {  	_ =	shalt  }
0x4e: {  	_ =	shalt  }
0x4f: {  	_ =	shalt  }
0x50: {  	_ =	shalt  }
0x51: {  	_ =	shalt  }
0x52: {  	_ =	shalt  }
0x53: {  	_ =	shalt  }
0x54: {  	_ =	shalt  }
0x55: {  	_ =	shalt  }
0x56: {  	_ =	shalt  }
0x57: {  	_ =	shalt  }
0x58: {  	_ =	shalt  }
0x59: {  	_ =	shalt  }
0x5a: {  	_ =	shalt  }
0x5b: {  	_ =	shalt  }
0x5c: {  	_ =	shalt  }
0x5d: {  	_ =	shalt  }
0x5e: {  	_ =	shalt  }
0x5f: {  	_ =	shalt  }
0x60: {  	_ =	shalt  }
0x61: {  	_ =	shalt  }
0x62: {  	_ =	shalt  }
0x63: {  	_ =	shalt  }
0x64: {  	_ =	shalt  }
0x65: {  	_ =	shalt  }
0x66: {  	_ =	shalt  }
0x67: {  	_ =	shalt  }
0x68: {  	_ =	shalt  }
0x69: {  	_ =	shalt  }
0x6a: {  	_ =	shalt  }
0x6b: {  	_ =	shalt  }
0x6c: {  	_ =	shalt  }
0x6d: {  	_ =	shalt  }
0x6e: {  	_ =	shalt  }
0x6f: {  	_ =	shalt  }
0x70: {  	_ =	shalt  }
0x71: {  	_ =	shalt  }
0x72: {  	_ =	shalt  }
0x73: {  	_ =	shalt  }
0x74: {  	_ =	shalt  }
0x75: {  	_ =	shalt  }
0x76: {  	_ =	shalt  }
0x77: {  	_ =	shalt  }
0x78: {  	_ =	shalt  }
0x79: {  	_ =	shalt  }
0x7a: {  	_ =	shalt  }
0x7b: {  	_ =	shalt  }
0x7c: {  	_ =	shalt  }
0x7d: {  	_ =	shalt  }
0x7e: {  	_ =	shalt  }
0x7f: {  	_ =	shalt  }
0x80: {  	_ =	shalt  }
0x81: {  	_ =	shalt  }
0x82: {  	_ =	shalt  }
0x83: {  	_ =	shalt  }
0x84: {  	_ =	shalt  }
0x85: {  	_ =	shalt  }
0x86: {  	_ =	shalt  }
0x87: {  	_ =	shalt  }
.Lfunc_end0:
.L_simem_size_0:
called_computation.1_lowered:
.L_overlay_start_0:
0x88: {  	s2 =	sld [smem:$0x3FD9]  }
0x89: {  	s3 =	sld [smem:$0x3FFE];
	_ =	sdelay $0x1  }
0x8a: {  	s1 =	srdreg.scid  }
0x8b: {  	s0 =	sand.u32 $0x1, s1  }
0x8c: {  	s14 =	sshll.u32 s0, $0xA;
	s2 =	sadd.s32 s3, s2  }
0x8d: {  	s2 =	sadd.s32 s2, s14  }
0x8e: {  	[smem:$0x3FB4] =	sst s2  }
0x8f: {  	_ = 	snop  }
0x90: {  	s2 =	sld [smem:$0x3FD0];
	_ =	sdelay $0x2  }
0x91: {  	s15 =	simm.s32 $0xA;
	s4 =	simm.s32 $0x10  }
0x92: {  	[smem:s4], [sflag:s15] =	dma.local [hbm:s2], $0x1  }
0x93: {  	_ =	swait.eq [sflag:s15], $0x1  }
0x94: {  	[sflag:s15] =	ssyncset.done $0x0  }
0x95: {  	[sflag:s15] =	ssyncadd.s32 $0xFFFFFFFF  }
0x96: {  	s16 =	sld [smem:$0x11];
	(tm) =	ssettm $0x1  }
0x97: {  	s17 =	sld [smem:$0x3FFB];
	_ =	sdelay $0x3  }
0x98: {  	_ =	strace s17  }
0x99: {  	s3 =	sld [smem:$0x3FFC];
	_ =	sdelay $0x3  }
0x9a: {  	_ =	strace s3  }
0x9b: {  	s3 =	sld [smem:$0x3FFD];
	_ =	sdelay $0x3  }
0x9c: {  	_ =	strace s3  }
0x9d: {  	_ =	strace $0x8FFFFFFF  }
0x9e: {  	s18 =	sld [smem:$0x3FDB];
	_ =	sdelay $0x1  }
0x9f: {  	s19 =	simm.s32 $_scs_section_size  }
0xa0: {  	s5 =	simm.s32 $_size__tile_overlayer_lowered;
	s6 =	simm.s32 $_tile_overlayer_lowered  }
0xa1: {  	s22 =	simm.s32 $0x1BFF;
	s21 =	sshll.u32 s6, $0x1;
	s3 =	sadd.s32 s19, s18  }
0xa2: {  	s7 =	simm.s32 $0x0;
	s20 =	sshll.u32 s5, $0x1;
	s5 =	sadd.s32 s21, s3  }
0xa3: {  	[timem:s7], [sflag:s22] =	dma.local [hbm:s5], s20  }
0xa4: {  	_ =	swait.ge [sflag:s22], s20  }
0xa5: {  	s4 =	ssub.s32 $0x0, s20;
	[sflag:s22] =	ssyncset.done $0x0  }
0xa6: {  	[sflag:s22] =	ssyncadd.s32 s4;
	_ =	sdelay $0x1  }
0xa7: {  	s23 =	simm.s32 $0x1B8B  }
0xa8: {  	_ =	swait.ge [sflag:s23], $0x1  }
0xa9: {  	[sflag:s23] =	ssyncset.done $0x0  }
0xaa: {  	s25 =	simm.s32 $0x1B8E;
	s24 =	sld [smem:$0x3FFE];
	[sflag:s23] =	ssyncadd.s32 $0xFFFFFFFF  }
0xab: {  	s26 =	simm.s32 $execute0_lowered;
	[smem:$0x3FD2] =	sst s25  }
0xac: {  	s5 =	sshll.u32 s26, $0x1;
	_ =	strace $0x80000049;
	[dreg:$0x1] =	wrdreg $0xFFFFFFFF  }
0xad: {  	s28 =	simm.s32 $_size_execute0_lowered;
	s3 =	sadd.s32 s3, s5;
	[dreg:$0x0] =	wrdreg $0x0  }
0xae: {  	s5 =	sshll.u32 s28, $0x1;
	[dreg:$0x2] =	wrdreg s3  }
0xaf: {  	[dreg:$0x3] =	wrdreg s5  }
0xb0: {  	[dreg:$0x4] =	wrdreg $0xC0  }
0xb1: {  	_ =	task [dreg:s7], $0x5FFFF  }
0xb2: {  	[dreg:$0x1] =	wrdreg $0xFFFFFFFF  }
0xb3: {  	[dreg:$0x0] =	wrdreg $0x60  }
0xb4: {  	[dreg:$0x2] =	wrdreg s24  }
0xb5: {  	[dreg:$0x3] =	wrdreg s16  }
0xb6: {  	[dreg:$0x4] =	wrdreg $0xAC000  }
0xb7: {  	[dreg:$0x5] =	wrdreg $0x9  }
0xb8: {  	_ =	task.clear_ibuf [dreg:s7], $0x6FFFF;
	_ =	strace $0x90000049  }
0xb9: {  	s29 =	simm.s32 $0x9;
	_ =	strace $0x8000004B  }
0xba: {  	_ =	swait.ge [sflag:s29], $0x1  }
0xbb: {  	[sflag:s29] =	ssyncadd.s32 $0xFFFFFFFF  }
0xbc: {  	_ =	strace $0x9000004B  }
0xbd: {  	_ =	sfence  }
0xbe: {  	s30 =	sld [smem:$0x0];
	_ =	sdelay $0x2  }
0xbf: {  	s31 =	sshll.u32 s1, $0xD;
	s1 =	sshrl.u32 s1, $0x2  }
0xc0: {  	s3 =	sand.u32 $0x4000, s31;
	s1 =	sadd.s32 s1, s30  }
0xc1: {  	s0 =	sor.u32 s3, s0;
	s1 =	sshll.u32 s1, $0x11  }
0xc2: {  	s0 =	sor.u32 s1, s0  }
0xc3: {  	s0 =	sadd.s32 $0x8F2B, s0  }
0xc4: {  	[sflag:s0] =	ssyncadd.remote.s32 $0x1  }
0xc5: {  	_ =	sfence.sel $0xFFFF  }
0xc6: {  	[dreg:$0x0] =	wrdreg $0xFFFFFFFF;
	(pc) =	sbr.abs _section_cstart, $3  }
0xc7: {  	[dreg:$0x1] =	wrdreg $0xFFFFFFFF  }
0xc8: {  	_ =	task.clear_ibuf [dreg:s7], $0x2FFFF;
	_ =	strace $0x9FFFFFFF  }
0xc9: {  	(tm) =	ssettm $0x7FFFFFFF  }
tec
execute0_lowered:
.L_overlay_start_1:
0x0: {  	(tag) =	ssettag $0x1  }
0x1: {  	s0 =	rddreg [dreg:$0x0]  }
0x2: {  	s1 =	rddreg [dreg:$0x1];
	s3 =	srdreg.scid  }
0x3: {  	s14 =	stileid.u32;
	s2 =	rddreg [dreg:$0x2]  }
0x4: {  	s15 =	simm.s32 $0x0;
	s28 =	simm.s32 $0x4;
	s29 =	simm.s32 $0x5  }
0x5: {  	s30 =	simm.s32 $0x0;
	s7 =	sand.u32 $0x1, s3;
	s8 =	smul.u32 $0x14000, s14  }
0x6: {  	[smem:$0x7FF] =	sst s15;
	s4 =	sadd.s32 $0x71200, s0;
	s10 =	smul.u32 $0x50000, s14  }
0x7: {  	s12 =	sshll.u32 s14, $0x1;
	s20 =	sshll.u32 s14, $0x6;
	s21 =	smul.u32 $0x3E, s14  }
0x8: {  	p0 =	slt.u32 s14, $0x4;
	s3 =	simm.s32 $0x7;
	s5 =	smul.u32 $0x140000, s7  }
0x9: {  	_ =	strace $0x8000004A;
	s18 =	ssub.s32 $0x2, s7;
	s19 =	sor.u32 s7, s12  }
0xa: {  	s16 =	sor.u32 $0x1C07, s20;
	s7 =	smul.u32 $0x1F, s7;
	s20 =	simm.s32 $0xC00  }
0xb: {  	s11 =	sshrl.u32 s18, $0x1;
	s10 =	sshrl.u32 s10, $0x2;
	s13 =	smul.u32 $0x1F, s19  }
0xc: {  	s22 =	smin.u32 s19, $0x8;
	s19 =	simm.s32 $0x50;
	[dreg:$0x5] =	wrdreg s16  }
0xd: {  	s6 =	sadd.s32 s8, s5;
	s5 =	sadd.s32 $0x3A00, s0;
	s11 =	ssub.s32 s18, s11  }
0xe: {  	s10 =	sadd.s32 s10, s2;
	s8 =	sshrl.u32 s8, $0x3;
	s18 =	simm.s32 $0x6  }
0xf: {  	s9 =	sshrl.u32 s6, $0x3;
	s6 =	sadd.s32 $0x13400, s0;
	s1 =	sadd.s32 s1, s8  }
0x10: {  	s13 =	sadd.s32 s22, s13;
	s26 =	smax.u32 s11, $0x1;
	s0 =	sadd.s32 s9, s0  }
0x11: {  	[dreg:$0x4] =	wrdreg s1;
	s9 =	simm.s32 $0x20;
	s1 =	sadd.s32 s21, s22  }
0x12: {  	s23 =	sshll.u32 s13, $0x6;
	[dreg:$0x9] =	wrdreg s26;
	s21 =	simm.s32 $0x3400  }
0x13: {  	s22 =	simm.s32 $0x5C00;
	s26 =	simm.s32 $0x3;
	s24 =	sadd.s32 s5, s23  }
0x14: {  	s1 =	sadd.s32 s7, s1;
	s25 =	sadd.s32 s6, s23;
	[dreg:$0x6] =	wrdreg s24  }
0x15: {  	s0 =	sadd.s32 $0x98400, s0;
	[dreg:$0x7] =	wrdreg s25;
	s1 =	sshll.u32 s1, $0x9  }
0x16: {  	s9 =	simm.s32 @!p0 $0x1F;
	[dreg:$0x8] =	wrdreg s0;
	s31 =	sadd.s32 $0x200, s1  }
0x17: {  	s23 =	simm.s32 $0x8400;
	s1 =	sshrl.u32 s10, $0x3;
	[dreg:$0xa] =	wrdreg s31  }
0x18: {  	s24 =	simm.s32 $0x1;
	s25 =	simm.s32 $0x2;
	[dreg:$0xb] =	wrdreg s1  }
.LBB2_1:
0x19: {  	s0 =	rddreg [dreg:$0x4]  }
0x1a: {  	[spmem:s1], [sflag:s16] =	dma.local [hbm:s0], $0x2800  }
0x1b: {  	_ =	swait.ge [sflag:s3], $0x2800  }
0x1c: {  	[sflag:s3] =	ssyncset.done $0x0  }
0x1d: {  	[sflag:s3] =	ssyncadd.s32 $0xFFFFD800  }
0x1e: {  	p1 =	sne.s32 s9, $0x1;
	[bflag:$0x0] =	sbarrier.arrive $0xFFFF  }
.Ltmp0:
0x1f: {  	s13 =	rddreg [dreg:$0x6];
	(pc) =	sbr.rel @!p1 .LBB2_2-.Ltmp0, $4  }
0x20: {  	[tilespmem:s15], [sflag:$0x6] =	stream.linear.gather [hbm4b:s13+s15], $0x200, $0x38;
	[tilespmem:$0x1EC00] =	vst v63  }
0x21: {  	s17 =	simm.s32 $0x600;
	s31 =	simm.s32 $0x1;
	s14 =	rddreg [dreg:$0x7]  }
0x22: {  	[tilespmem:s17], [sflag:$0x6] =	stream.linear.gather [hbm4b:s14+s15], $0x200, $0x38;
	[tilespmem:$0x1EC00] =	vst v63  }
0x23: {  	p0 =	por $0x0, $0x0;
	s1 =	simm.s32 $0x2;
	s17 =	smulhi.u32 $0xAAAAAAAB, s24  }
0x24: {  	_ =	swait.ge [sflag:s18], $0x200  }
0x25: {  	s7 =	sshrl.u32 s17, $0x1;
	[sflag:s18] =	ssyncset.done $0x0  }
0x26: {  	p1 =	sle.u32 s9, $0x1;
	s7 =	smul.u32 $0xFFFFE800, s7;
	[sflag:s18] =	ssyncadd.s32 $0xFFFFFE00  }
0x27: {  	s11 =	simm.s32 @!p1 $0x0;
	_ =	swait.ge [sflag:s18], $0x200  }
0x28: {  	s7 =	sshra.s32 s7, $0x2;
	s0 =	rddreg [dreg:$0xa];
	[sflag:s18] =	ssyncset.done $0x0  }
0x29: {  	s10 =	sadd.s32 $0x200, s7;
	s12 =	sshrl.u32 @!p1 s0, $0x3;
	s7 =	sadd.s32 $0x800, s7  }
0x2a: {  	[sflag:s18] =	ssyncadd.s32 $0xFFFFFE00;
	s10 =	sadd.s32 @!p1 $0x0, s10;
	s13 =	sadd.s32 @!p1 s5, s12  }
0x2b: {  	[tilespmem:s10], [sflag:$0x6] =	stream.linear.gather @!p1 [hbm4b:s13+s11], $0x200, $0x38;
	[tilespmem:$0x1EC00] =	vst v63  }
0x2c: {  	p0 =	por $0x1, $0x1;
	s7 =	sadd.s32 @!p1 $0x0, s7;
	s10 =	sadd.s32 @!p1 s6, s12  }
0x2d: {  	[tilespmem:s7], [sflag:$0x6] =	stream.linear.gather @!p1 [hbm4b:s10+s11], $0x200, $0x38;
	[tilespmem:$0x1EC00] =	vst v63  }
0x2e: {  	s7 =	simm.s32 @!p0 $0x5  }
0x2f: {  	_ =	swait.ge @!p0 [sflag:s7], $0x2800  }
0x30: {  	[sflag:s7] =	ssyncset.done @!p0 $0x0  }
0x31: {  	[sflag:s7] =	ssyncadd.s32 @!p0 $0xFFFFD800  }
0x32: {  	_ =	swait.ge @!p0 [sflag:s7], $0x2800  }
0x33: {  	[sflag:s7] =	ssyncset.done @!p0 $0x0  }
0x34: {  	s12 =	smulhi.u32 $0xAAAAAAAB, s15;
	[sflag:s7] =	ssyncadd.s32 @!p0 $0xFFFFD800  }
0x35: {  	_ =	swait.ge @!p0 [sflag:s7], $0x2800  }
0x36: {  	s10 =	sshrl.u32 s12, $0x1;
	[sflag:s7] =	ssyncset.done @!p0 $0x0  }
0x37: {  	s10 =	smul.u32 $0xFFFFE800, s10;
	[sflag:s7] =	ssyncadd.s32 @!p0 $0xFFFFD800  }
0x38: {  	_ =	swait.ge @!p0 [sflag:s7], $0x2800  }
0x39: {  	s10 =	sshra.s32 s10, $0x2;
	[sflag:s7] =	ssyncset.done @!p0 $0x0  }
0x3a: {  	s13 =	sadd.s32 $0x0, s10;
	[sflag:s7] =	ssyncadd.s32 @!p0 $0xFFFFD800  }
0x3b: {  	[tilespmem:s20], [sflag:$0x1] =	stream.indirect.gather [hbm4b:s4+s19], $0x80, s13, s19, $0xb8;
	[tilespmem:$0x1EC00] =	vst v63  }
0x3c: {  	s14 =	sadd.s32 $0x80, s13  }
0x3d: {  	[tilespmem:s21], [sflag:$0x2] =	stream.indirect.gather [hbm4b:s4+s19], $0x80, s14, s19, $0xb8;
	[tilespmem:$0x1EC00] =	vst v63  }
0x3e: {  	s15 =	sadd.s32 $0x100, s13  }
0x3f: {  	[tilespmem:s22], [sflag:$0x3] =	stream.indirect.gather [hbm4b:s4+s19], $0x80, s15, s19, $0xb8;
	[tilespmem:$0x1EC00] =	vst v63  }
0x40: {  	s16 =	sadd.s32 $0x180, s13  }
0x41: {  	[tilespmem:s23], [sflag:$0x4] =	stream.indirect.gather [hbm4b:s4+s19], $0x80, s16, s19, $0xb8;
	[tilespmem:$0x1EC00] =	vst v63  }
0x42: {  	_ =	swait.ge [sflag:s24], $0x2800  }
0x43: {  	s17 =	sadd.s32 $0x600, s10;
	[sflag:s24] =	ssyncset.done $0x0  }
0x44: {  	s12 =	sadd.s32 $0x0, s17;
	[sflag:s24] =	ssyncadd.s32 $0xFFFFD800  }
0x45: {  	[spmem:s2] =	stream.indirect.scatter.add.s32 [tilespmem:s20], [sflag:$0x5], $0x80, s12, s19, $0xb8;
	[tilespmem:$0x1EC00] =	vst v63  }
0x46: {  	p1 =	sne.s32 s9, $0x2;
	_ =	swait.ge [sflag:s25], $0x2800  }
0x47: {  	s11 =	simm.s32 $0x2;
	s10 =	simm.s32 $0x3;
	[sflag:s25] =	ssyncset.done $0x0  }
.Ltmp1:
0x48: {  	s7 =	sadd.s32 $0x80, s12;
	[sflag:s25] =	ssyncadd.s32 $0xFFFFD800;
	(pc) =	sbr.rel @!p1 .LBB2_4-.Ltmp1, $4  }
0x49: {  	[spmem:s2] =	stream.indirect.scatter.add.s32 [tilespmem:s21], [sflag:$0x5], $0x80, s7, s19, $0xb8;
	[tilespmem:$0x1EC00] =	vst v63  }
0x4a: {  	s17 =	smulhi.u32 $0xAAAAAAAB, s1;
	s1 =	simm.s32 $0x800;
	_ =	swait.ge [sflag:s26], $0x2800  }
0x4b: {  	p0 =	por $0x1, $0x1;
	s13 =	sadd.s32 $0x100, s12;
	[sflag:s26] =	ssyncset.done $0x0  }
0x4c: {  	s14 =	sadd.s32 $0x200, s0;
	s7 =	simm.s32 $0x2;
	[sflag:s26] =	ssyncadd.s32 $0xFFFFD800  }
.LBB2_5:
0x4d: {  	[spmem:s2] =	stream.indirect.scatter.add.s32 [tilespmem:s22], [sflag:$0x5], $0x80, s13, s19, $0xb8;
	[tilespmem:$0x1EC00] =	vst v63  }
0x4e: {  	s13 =	smov.u32 s11  }
0x4f: {  	s3 =	sshrl.u32 s17, $0x1;
	s17 =	smulhi.u32 $0xAAAAAAAB, s10;
	_ =	swait.ge [sflag:s28], $0x2800  }
0x50: {  	s11 =	sadd.s32 $0x1, s11;
	s3 =	smul.u32 $0xFFFFE800, s3;
	[sflag:s28] =	ssyncset.done $0x0  }
0x51: {  	s12 =	sadd.s32 $0x180, s12;
	p1 =	sne.s32 s9, s11;
	[sflag:s28] =	ssyncadd.s32 $0xFFFFD800  }
0x52: {  	[spmem:s2] =	stream.indirect.scatter.add.s32 [tilespmem:s23], [sflag:$0x5], $0x80, s12, s19, $0xb8;
	[tilespmem:$0x1EC00] =	vst v63  }
0x53: {  	p3 =	sge.u32 s7, s9;
	s3 =	sshra.s32 s3, $0x2;
	_ =	swait.ge [sflag:s18], $0x200  }
0x54: {  	s7 =	sadd.s32 $0x200, s3;
	s12 =	simm.s32 @!p3 $0x0;
	[sflag:s18] =	ssyncset.done $0x0  }
0x55: {  	s8 =	sshra.s32 @!p3 s1, $0x2;
	s15 =	sshrl.u32 @!p3 s14, $0x3;
	[sflag:s18] =	ssyncadd.s32 $0xFFFFFE00  }
0x56: {  	s16 =	sadd.s32 @!p3 s5, s15;
	s0 =	sadd.s32 @!p3 s8, s7;
	_ =	swait.ge [sflag:s18], $0x200  }
0x57: {  	s15 =	sadd.s32 @!p3 s6, s15;
	s3 =	sadd.s32 $0x800, s3;
	[sflag:s18] =	ssyncset.done $0x0  }
0x58: {  	s3 =	sadd.s32 @!p3 s8, s3;
	s7 =	smov.u32 s11;
	[sflag:s18] =	ssyncadd.s32 $0xFFFFFE00  }
0x59: {  	[tilespmem:s0], [sflag:$0x6] =	stream.linear.gather @!p3 [hbm4b:s16+s12], $0x200, $0x38;
	[tilespmem:$0x1EC00] =	vst v63  }
0x5a: {  	p2 =	seq.s32 s31, $0x0  }
0x5b: {  	[tilespmem:s3], [sflag:$0x6] =	stream.linear.gather @!p3 [hbm4b:s15+s12], $0x200, $0x38;
	[tilespmem:$0x1EC00] =	vst v63  }
0x5c: {  	s0 =	simm.s32 @!p2 $0x5  }
0x5d: {  	_ =	swait.ge @!p2 [sflag:s0], $0x2800  }
0x5e: {  	[sflag:s0] =	ssyncset.done @!p2 $0x0  }
0x5f: {  	[sflag:s0] =	ssyncadd.s32 @!p2 $0xFFFFD800  }
0x60: {  	_ =	swait.ge @!p2 [sflag:s0], $0x2800  }
0x61: {  	[sflag:s0] =	ssyncset.done @!p2 $0x0  }
0x62: {  	s3 =	smulhi.u32 $0xAAAAAAAB, s31;
	s31 =	smov.u32 s13;
	[sflag:s0] =	ssyncadd.s32 @!p2 $0xFFFFD800  }
0x63: {  	_ =	swait.ge @!p2 [sflag:s0], $0x2800  }
0x64: {  	s3 =	sshrl.u32 s3, $0x1;
	[sflag:s0] =	ssyncset.done @!p2 $0x0  }
0x65: {  	s3 =	smul.u32 $0xFFFFE800, s3;
	[sflag:s0] =	ssyncadd.s32 @!p2 $0xFFFFD800  }
0x66: {  	_ =	swait.ge @!p2 [sflag:s0], $0x2800  }
0x67: {  	s8 =	sshra.s32 s1, $0x2;
	s3 =	sshra.s32 s3, $0x2;
	[sflag:s0] =	ssyncset.done @!p2 $0x0  }
0x68: {  	s12 =	sadd.s32 $0x600, s3;
	s3 =	sadd.s32 s8, s3;
	[sflag:s0] =	ssyncadd.s32 @!p2 $0xFFFFD800  }
0x69: {  	[tilespmem:s20], [sflag:$0x1] =	stream.indirect.gather [hbm4b:s4+s19], $0x80, s3, s19, $0xb8;
	[tilespmem:$0x1EC00] =	vst v63  }
0x6a: {  	s0 =	sadd.s32 $0x80, s3  }
0x6b: {  	[tilespmem:s21], [sflag:$0x2] =	stream.indirect.gather [hbm4b:s4+s19], $0x80, s0, s19, $0xb8;
	[tilespmem:$0x1EC00] =	vst v63  }
0x6c: {  	s0 =	sadd.s32 $0x100, s3  }
0x6d: {  	[tilespmem:s22], [sflag:$0x3] =	stream.indirect.gather [hbm4b:s4+s19], $0x80, s0, s19, $0xb8;
	[tilespmem:$0x1EC00] =	vst v63  }
0x6e: {  	s0 =	sadd.s32 $0x180, s3  }
0x6f: {  	[tilespmem:s23], [sflag:$0x4] =	stream.indirect.gather [hbm4b:s4+s19], $0x80, s0, s19, $0xb8;
	[tilespmem:$0x1EC00] =	vst v63  }
0x70: {  	_ =	swait.ge [sflag:s24], $0x2800  }
0x71: {  	[sflag:s24] =	ssyncset.done $0x0  }
0x72: {  	s12 =	sadd.s32 s8, s12;
	[sflag:s24] =	ssyncadd.s32 $0xFFFFD800  }
0x73: {  	[spmem:s2] =	stream.indirect.scatter.add.s32 [tilespmem:s20], [sflag:$0x5], $0x80, s12, s19, $0xb8;
	[tilespmem:$0x1EC00] =	vst v63  }
0x74: {  	_ =	swait.ge [sflag:s25], $0x2800  }
0x75: {  	[sflag:s25] =	ssyncset.done $0x0  }
.Ltmp2:
0x76: {  	s0 =	sadd.s32 $0x80, s12;
	[sflag:s25] =	ssyncadd.s32 $0xFFFFD800;
	(pc) =	sbr.rel @p1 .LBB2_5-.Ltmp2, $4  }
0x77: {  	[spmem:s2] =	stream.indirect.scatter.add.s32 [tilespmem:s21], [sflag:$0x5], $0x80, s0, s19, $0xb8;
	[tilespmem:$0x1EC00] =	vst v63  }
0x78: {  	_ =	swait.ge [sflag:s26], $0x2800  }
0x79: {  	s14 =	sadd.s32 $0x200, s14;
	s1 =	sadd.s32 $0x800, s1;
	[sflag:s26] =	ssyncset.done $0x0  }
0x7a: {  	s10 =	sadd.s32 $0x1, s10;
	s13 =	sadd.s32 $0x100, s12;
	[sflag:s26] =	ssyncadd.s32 $0xFFFFD800  }
0x7b: {  	s15 =	simm.s32 $0x0;
	s16 =	rddreg [dreg:$0x5]  }
.LBB2_7:
0x7c: {  	[spmem:s2] =	stream.indirect.scatter.add.s32 @p0 [tilespmem:s22], [sflag:$0x5], $0x80, s13, s19, $0xb8;
	[tilespmem:$0x1EC00] =	vst v63  }
0x7d: {  	_ =	swait.ge @p0 [sflag:s28], $0x2800  }
0x7e: {  	s0 =	sshrl.u32 s17, $0x1;
	[sflag:s28] =	ssyncset.done @p0 $0x0  }
0x7f: {  	s3 =	sadd.s32 @p0 $0x180, s12;
	s0 =	smul.u32 $0xFFFFE800, s0;
	[sflag:s28] =	ssyncadd.s32 @p0 $0xFFFFD800  }
0x80: {  	[spmem:s2] =	stream.indirect.scatter.add.s32 @p0 [tilespmem:s23], [sflag:$0x5], $0x80, s3, s19, $0xb8;
	[tilespmem:$0x1EC00] =	vst v63  }
0x81: {  	_ =	swait.ge [sflag:s18], $0x200  }
0x82: {  	s0 =	sshra.s32 s0, $0x2;
	[sflag:s18] =	ssyncset.done $0x0  }
0x83: {  	p0 =	sge.u32 s7, s9;
	s3 =	sadd.s32 $0x200, s0;
	[sflag:s18] =	ssyncadd.s32 $0xFFFFFE00  }
0x84: {  	s0 =	sadd.s32 $0x800, s0;
	s7 =	simm.s32 @!p0 $0x0;
	_ =	swait.ge [sflag:s18], $0x200  }
0x85: {  	s8 =	sshra.s32 @!p0 s1, $0x2;
	s10 =	sshrl.u32 @!p0 s14, $0x3;
	[sflag:s18] =	ssyncset.done $0x0  }
0x86: {  	s3 =	sadd.s32 @!p0 s8, s3;
	s11 =	sadd.s32 @!p0 s5, s10;
	[sflag:s18] =	ssyncadd.s32 $0xFFFFFE00  }
0x87: {  	[tilespmem:s3], [sflag:$0x6] =	stream.linear.gather @!p0 [hbm4b:s11+s7], $0x200, $0x38;
	[tilespmem:$0x1EC00] =	vst v63  }
0x88: {  	s0 =	sadd.s32 @!p0 s8, s0;
	s3 =	sadd.s32 @!p0 s6, s10  }
0x89: {  	[tilespmem:s0], [sflag:$0x6] =	stream.linear.gather @!p0 [hbm4b:s3+s7], $0x200, $0x38;
	[tilespmem:$0x1EC00] =	vst v63  }
0x8a: {  	p0 =	seq.s32 s31, $0x0  }
0x8b: {  	s0 =	simm.s32 @!p0 $0x5  }
0x8c: {  	_ =	swait.ge @!p0 [sflag:s0], $0x2800  }
0x8d: {  	[sflag:s0] =	ssyncset.done @!p0 $0x0  }
0x8e: {  	[sflag:s0] =	ssyncadd.s32 @!p0 $0xFFFFD800  }
0x8f: {  	_ =	swait.ge @!p0 [sflag:s0], $0x2800  }
0x90: {  	[sflag:s0] =	ssyncset.done @!p0 $0x0  }
0x91: {  	s17 =	smulhi.u32 $0xAAAAAAAB, s31;
	[sflag:s0] =	ssyncadd.s32 @!p0 $0xFFFFD800  }
0x92: {  	_ =	swait.ge @!p0 [sflag:s0], $0x2800  }
0x93: {  	s3 =	sshrl.u32 s17, $0x1;
	[sflag:s0] =	ssyncset.done @!p0 $0x0  }
0x94: {  	s3 =	smul.u32 $0xFFFFE800, s3;
	[sflag:s0] =	ssyncadd.s32 @!p0 $0xFFFFD800  }
0x95: {  	_ =	swait.ge @!p0 [sflag:s0], $0x2800  }
0x96: {  	s31 =	sshra.s32 s1, $0x2;
	s3 =	sshra.s32 s3, $0x2;
	[sflag:s0] =	ssyncset.done @!p0 $0x0  }
0x97: {  	s8 =	sadd.s32 s31, s3;
	[sflag:s0] =	ssyncadd.s32 @!p0 $0xFFFFD800  }
0x98: {  	[tilespmem:s20], [sflag:$0x1] =	stream.indirect.gather [hbm4b:s4+s19], $0x80, s8, s19, $0xb8;
	[tilespmem:$0x1EC00] =	vst v63  }
0x99: {  	s10 =	sadd.s32 $0x80, s8  }
0x9a: {  	[tilespmem:s21], [sflag:$0x2] =	stream.indirect.gather [hbm4b:s4+s19], $0x80, s10, s19, $0xb8;
	[tilespmem:$0x1EC00] =	vst v63  }
0x9b: {  	s11 =	sadd.s32 $0x100, s8  }
0x9c: {  	[tilespmem:s22], [sflag:$0x3] =	stream.indirect.gather [hbm4b:s4+s19], $0x80, s11, s19, $0xb8;
	[tilespmem:$0x1EC00] =	vst v63  }
0x9d: {  	s12 =	sadd.s32 $0x180, s8  }
0x9e: {  	[tilespmem:s23], [sflag:$0x4] =	stream.indirect.gather [hbm4b:s4+s19], $0x80, s12, s19, $0xb8;
	[tilespmem:$0x1EC00] =	vst v63  }
0x9f: {  	_ =	swait.ge [sflag:s24], $0x2800  }
0xa0: {  	s13 =	sadd.s32 $0x600, s3;
	[sflag:s24] =	ssyncset.done $0x0  }
0xa1: {  	s0 =	sadd.s32 s31, s13;
	[sflag:s24] =	ssyncadd.s32 $0xFFFFD800  }
0xa2: {  	[spmem:s2] =	stream.indirect.scatter.add.s32 [tilespmem:s20], [sflag:$0x5], $0x80, s0, s19, $0xb8;
	[tilespmem:$0x1EC00] =	vst v63  }
0xa3: {  	_ =	swait.ge [sflag:s25], $0x2800  }
0xa4: {  	[sflag:s25] =	ssyncset.done $0x0  }
0xa5: {  	s1 =	sadd.s32 $0x80, s0;
	[sflag:s25] =	ssyncadd.s32 $0xFFFFD800  }
0xa6: {  	[spmem:s2] =	stream.indirect.scatter.add.s32 [tilespmem:s21], [sflag:$0x5], $0x80, s1, s19, $0xb8;
	[tilespmem:$0x1EC00] =	vst v63  }
0xa7: {  	_ =	swait.ge [sflag:s26], $0x2800  }
0xa8: {  	[sflag:s26] =	ssyncset.done $0x0  }
0xa9: {  	s14 =	sadd.s32 $0x100, s0;
	[sflag:s26] =	ssyncadd.s32 $0xFFFFD800  }
0xaa: {  	[spmem:s2] =	stream.indirect.scatter.add.s32 [tilespmem:s22], [sflag:$0x5], $0x80, s14, s19, $0xb8;
	[tilespmem:$0x1EC00] =	vst v63  }
0xab: {  	_ =	swait.ge [sflag:s28], $0x2800  }
0xac: {  	[sflag:s28] =	ssyncset.done $0x0  }
0xad: {  	s0 =	sadd.s32 $0x180, s0;
	[sflag:s28] =	ssyncadd.s32 $0xFFFFD800  }
0xae: {  	[spmem:s2] =	stream.indirect.scatter.add.s32 [tilespmem:s23], [sflag:$0x5], $0x80, s0, s19, $0xb8;
	[tilespmem:$0x1EC00] =	vst v63  }
0xaf: {  	_ =	swait.ge [sflag:s29], $0x2800  }
0xb0: {  	[sflag:s29] =	ssyncset.done $0x0  }
0xb1: {  	[sflag:s29] =	ssyncadd.s32 $0xFFFFD800  }
0xb2: {  	_ =	swait.ge [sflag:s29], $0x2800  }
0xb3: {  	[sflag:s29] =	ssyncset.done $0x0  }
0xb4: {  	[sflag:s29] =	ssyncadd.s32 $0xFFFFD800  }
0xb5: {  	_ =	swait.ge [sflag:s29], $0x2800  }
0xb6: {  	[sflag:s29] =	ssyncset.done $0x0  }
0xb7: {  	[sflag:s29] =	ssyncadd.s32 $0xFFFFD800  }
0xb8: {  	_ =	swait.ge [sflag:s29], $0x2800  }
0xb9: {  	[sflag:s29] =	ssyncset.done $0x0  }
0xba: {  	[sflag:s29] =	ssyncadd.s32 $0xFFFFD800  }
0xbb: {  	[bflag:$0x0] =	sbarrier.arrive $0xFFFF  }
0xbc: {  	s17 =	rddreg [dreg:$0x8]  }
0xbd: {  	s3 =	simm.s32 $0x7;
	s1 =	rddreg [dreg:$0xb]  }
0xbe: {  	[hbm:s17], [sflag:s16] =	dma.local [spmem:s1], $0x2800  }
0xbf: {  	_ =	swait.ge [sflag:s3], $0x2800  }
0xc0: {  	s30 =	sadd.s32 $0x1, s30;
	s31 =	rddreg [dreg:$0x9]  }
0xc1: {  	p0 =	sne.s32 s30, s31  }
.Ltmp3:
0xc2: {  	_ = 	snop;
	(pc) =	sbr.rel @p0 .LBB2_1-.Ltmp3, $4  }
.Ltmp4:
0xc3: {  	_ = 	snop;
	(pc) =	sbr.rel @!p0 .LBB2_8-.Ltmp4, $4  }
0xc4: {  	_ = 	snop  }
0xc5: {  	[sflag:s3] =	ssyncset.done $0x0  }
0xc6: {  	[sflag:s3] =	ssyncadd.s32 $0xFFFFD800  }
0xc7: {  	_ = 	snop  }
.LBB2_2:
.Ltmp5:
0xc8: {  	(pc) =	sbr.rel .LBB2_7-.Ltmp5, $3  }
0xc9: {  	_ =	sdelay $0x1  }
0xca: {  	s7 =	simm.s32 $0x1  }
0xcb: {  	s1 =	simm.s32 $0x0;
	s14 =	rddreg [dreg:$0xa];
	s31 =	simm.s32 $0x0  }
.LBB2_4:
.Ltmp6:
0xcc: {  	(pc) =	sbr.rel .LBB2_7-.Ltmp6, $2  }
0xcd: {  	_ =	sdelay $0x2  }
0xce: {  	s15 =	simm.s32 $0x0;
	s16 =	rddreg [dreg:$0x5]  }
.LBB2_8:
0xcf: {  	_ =	sfence.sel $0x180000  }
0xd0: {  	[bflag:$0x0] =	sbarrier.arrive $0xFFFF  }
0xd1: {  	_ =	strace $0x9000004A  }
0xd2: {  	s0 =	stileid.u32;
	[bflag:$0x2] =	sbarrier.arrive $0xFFFF  }
0xd3: {  	p0 =	sne.s32 s0, $0x0;
	s0 =	rddreg [dreg:$0x3]  }
0xd4: {  	s0 =	sadd.s32 @!p0 $0x100000, s0  }
0xd5: {  	[sflag:s0] =	ssyncadd.tile.s32 @!p0 $0x1;
	_ =	shalt  }
.Lfunc_end2:
_tile_overlayer_lowered:
.L_overlay_start_2:
0xd6: {  	(tag) =	ssettag $0x2  }
0xd7: {  	s0 =	rddreg [dreg:$0x0];
	s2 =	stileid.u32  }
0xd8: {  	s1 =	rddreg [dreg:$0x1];
	p0 =	sne.s32 s2, $0x0  }
0xd9: {  	s3 =	rddreg [dreg:$0x2];
	[bflag:$0x3] =	sbarrier.arrive $0xFFFF;
	s2 =	simm.s32 @!p0 $0x1C07  }
0xda: {  	[timem:s3], [sflag:s2] =	dma.local @!p0 [hbm:s0], s1  }
0xdb: {  	s0 =	simm.s32 @!p0 $0x7  }
0xdc: {  	_ =	swait.ge @!p0 [sflag:s0], s1  }
0xdd: {  	s1 =	ssub.s32 @!p0 $0x0, s1;
	[sflag:s0] =	ssyncset.done @!p0 $0x0  }
0xde: {  	[sflag:s0] =	ssyncadd.s32 @!p0 s1  }
0xdf: {  	[bflag:$0x3] =	sbarrier.arrive $0xFFFF  }
0xe0: {  	_ =	shalt  }

// kernel: kernel.8.cloned.1.call-start
scs
__scs_entry_jumppad:
0x0: {  	(pc) =	sbr.rel $0x88, $3  }
0x1: {  	(tag) =	ssettag $0x0;
	lr =	simm.s32 $0x1  }
0x2: {  	[smem:$0x3F8D] =	sst lr;
	_ =	strace $0xD0000000  }
0x3: {  	_ = 	snop  }
0x4: {  	_ = 	snop  }
0x5: {  	_ = 	snop  }
0x6: {  	_ = 	snop  }
0x7: {  	_ = 	snop  }
__scs_overlays_trampoline_lowered:
0x8: {  	[smem:$0x3F9C] =	sst s0  }
0x9: {  	[smem:$0x3F9D] =	sst s1  }
0xa: {  	[smem:$0x3F9E] =	sst s2  }
0xb: {  	[smem:$0x3F9F] =	sst s3  }
0xc: {  	[smem:$0x3FA0] =	sst s4  }
0xd: {  	[smem:$0x3FA1] =	sst s5  }
0xe: {  	[smem:$0x3FA2] =	sst s6  }
0xf: {  	[smem:$0x3FA3] =	sst s7  }
0x10: {  	[smem:$0x3FA4] =	sst s8  }
0x11: {  	[smem:$0x3FA5] =	sst s9;
	s0 =	simm.s32 @!p0 $0x0  }
0x12: {  	s1 =	sld [smem:$0x3F8B];
	s0 =	simm.s32 @p0 $0x1  }
0x13: {  	[smem:$0x3FA6] =	sst s0;
	s0 =	simm.s32 @!p1 $0x0  }
0x14: {  	s2 =	sld [smem:$0x3F8A];
	s0 =	simm.s32 @p1 $0x1  }
0x15: {  	[smem:$0x3FA7] =	sst s0;
	s0 =	simm.s32 @!p2 $0x0  }
0x16: {  	s3 =	sld [smem:$0x3FDB];
	s0 =	simm.s32 @p2 $0x1  }
0x17: {  	s4 =	simm.s32 $0x1BF5;
	[smem:$0x3FA9] =	sst s0  }
0x18: {  	s0 =	sld [smem:$0x3F8C];
	_ =	swait.ge [sflag:s4], $0x0  }
0x19: {  	s7 =	sld [smem:$0x3F8D]  }
0x1a: {  	s8 =	sadd.s32 $0xFFFFE003, lr  }
0x1b: {  	s9 =	sadd.s32 $0xFFFFFEF7, lr;
	s5 =	simm.s32 $0xFFFFFFFF;
	p2 =	slt.u32 s8, $0xFFFFF086  }
0x1c: {  	p1 =	slt.u32 s9, $0xF7A;
	s5 =	simm.s32 @!p2 $0x0  }
0x1d: {  	s5 =	simm.s32 @p1 $0x1;
	p0 =	seq.s32 s7, s2  }
0x1e: {  	s7 =	smul.u32 @!p0 $0xF7A, s2;
	p2 =	seq.s32 @!p0 s5, $0x0  }
0x1f: {  	s9 =	smul.u32 $0xF7A, s1;
	s8 =	simm.s32 @!p0 $0x1BF5;
	p2 =	por !p2, p0  }
0x20: {  	[sflag:s8] =	ssyncset.s32 @!p0 $0xFFFFF086;
	s6 =	sadd.s32 @!p0 s3, s7;
	s7 =	simm.s32 @!p0 $0x108  }
0x21: {  	s3 =	sadd.s32 s3, s9;
	s6 =	sadd.s32 @!p0 $0x88, s6;
	s7 =	simm.s32 @p2 $0x1082  }
0x22: {  	[simem:s7], [sflag:s8] =	dma.local @!p0 [hbm:s6], $0xF7A  }
0x23: {  	s9 =	sor.u32 $0xD0000000, s2;
	s6 =	simm.s32 $0x108;
	_ =	swait.ge @!p0 [sflag:s8], $0x0  }
0x24: {  	s3 =	sadd.s32 $0x88, s3;
	s6 =	simm.s32 @!p1 $0x1082;
	[sflag:s4] =	ssyncset.s32 $0xFFFFF086  }
0x25: {  	[simem:s6], [sflag:s4] =	dma.local [hbm:s3], $0xF7A  }
0x26: {  	[smem:$0x3F8D] =	sst s1;
	(tag) =	ssettag s2;
	_ =	strace s9  }
0x27: {  	s1 =	sld [smem:$0x3F9D]  }
0x28: {  	s2 =	sld [smem:$0x3F9E]  }
0x29: {  	s4 =	sld [smem:$0x3FA0]  }
0x2a: {  	p0 =	seq.s32 s5, $0x0;
	s5 =	sld [smem:$0x3FA1]  }
0x2b: {  	s6 =	sld [smem:$0x3FA2]  }
0x2c: {  	s7 =	sld [smem:$0x3FA3]  }
0x2d: {  	s3 =	simm.s32 $0x108;
	s8 =	sld [smem:$0x3FA4]  }
0x2e: {  	s3 =	simm.s32 @!p0 $0x1082;
	s9 =	sld [smem:$0x3FA5]  }
0x2f: {  	lr =	sadd.s32 s0, s3;
	s0 =	sld [smem:$0x3F9C]  }
0x30: {  	s3 =	sld [smem:$0x3F9F]  }
0x31: {  	[smem:$0x3FA8] =	sst s10  }
0x32: {  	s10 =	sld [smem:$0x3FA6];
	_ =	sdelay $0x3  }
0x33: {  	p0 =	seq.s32 s10, $0x1;
	s10 =	sld [smem:$0x3FA8];
	_ =	sdelay $0x3  }
0x34: {  	[smem:$0x3FA8] =	sst s10  }
0x35: {  	s10 =	sld [smem:$0x3FA7];
	_ =	sdelay $0x3  }
0x36: {  	p1 =	seq.s32 s10, $0x1;
	s10 =	sld [smem:$0x3FA8];
	_ =	sdelay $0x3  }
0x37: {  	[smem:$0x3FA8] =	sst s10  }
0x38: {  	s10 =	sld [smem:$0x3FA9]  }
0x39: {  	_ = 	snop;
	(pc) =	sbr.ind lr, $3  }
0x3a: {  	_ = 	snop  }
0x3b: {  	_ = 	snop  }
0x3c: {  	p2 =	seq.s32 s10, $0x1;
	s10 =	sld [smem:$0x3FA8]  }
0x3d: {  	_ =	shalt  }
0x3e: {  	_ =	shalt  }
0x3f: {  	_ =	shalt  }
0x40: {  	_ =	shalt  }
0x41: {  	_ =	shalt  }
0x42: {  	_ =	shalt  }
0x43: {  	_ =	shalt  }
0x44: {  	_ =	shalt  }
0x45: {  	_ =	shalt  }
0x46: {  	_ =	shalt  }
0x47: {  	_ =	shalt  }
0x48: {  	_ =	shalt  }
0x49: {  	_ =	shalt  }
0x4a: {  	_ =	shalt  }
0x4b: {  	_ =	shalt  }
0x4c: {  	_ =	shalt  }
0x4d: {  	_ =	shalt  }
0x4e: {  	_ =	shalt  }
0x4f: {  	_ =	shalt  }
0x50: {  	_ =	shalt  }
0x51: {  	_ =	shalt  }
0x52: {  	_ =	shalt  }
0x53: {  	_ =	shalt  }
0x54: {  	_ =	shalt  }
0x55: {  	_ =	shalt  }
0x56: {  	_ =	shalt  }
0x57: {  	_ =	shalt  }
0x58: {  	_ =	shalt  }
0x59: {  	_ =	shalt  }
0x5a: {  	_ =	shalt  }
0x5b: {  	_ =	shalt  }
0x5c: {  	_ =	shalt  }
0x5d: {  	_ =	shalt  }
0x5e: {  	_ =	shalt  }
0x5f: {  	_ =	shalt  }
0x60: {  	_ =	shalt  }
0x61: {  	_ =	shalt  }
0x62: {  	_ =	shalt  }
0x63: {  	_ =	shalt  }
0x64: {  	_ =	shalt  }
0x65: {  	_ =	shalt  }
0x66: {  	_ =	shalt  }
0x67: {  	_ =	shalt  }
0x68: {  	_ =	shalt  }
0x69: {  	_ =	shalt  }
0x6a: {  	_ =	shalt  }
0x6b: {  	_ =	shalt  }
0x6c: {  	_ =	shalt  }
0x6d: {  	_ =	shalt  }
0x6e: {  	_ =	shalt  }
0x6f: {  	_ =	shalt  }
0x70: {  	_ =	shalt  }
0x71: {  	_ =	shalt  }
0x72: {  	_ =	shalt  }
0x73: {  	_ =	shalt  }
0x74: {  	_ =	shalt  }
0x75: {  	_ =	shalt  }
0x76: {  	_ =	shalt  }
0x77: {  	_ =	shalt  }
0x78: {  	_ =	shalt  }
0x79: {  	_ =	shalt  }
0x7a: {  	_ =	shalt  }
0x7b: {  	_ =	shalt  }
0x7c: {  	_ =	shalt  }
0x7d: {  	_ =	shalt  }
0x7e: {  	_ =	shalt  }
0x7f: {  	_ =	shalt  }
0x80: {  	_ =	shalt  }
0x81: {  	_ =	shalt  }
0x82: {  	_ =	shalt  }
0x83: {  	_ =	shalt  }
0x84: {  	_ =	shalt  }
0x85: {  	_ =	shalt  }
0x86: {  	_ =	shalt  }
0x87: {  	_ =	shalt  }
.Lfunc_end0:
.L_simem_size_0:
called_computation_lowered:
.L_overlay_start_0:
0x88: {  	s2 =	sld [smem:$0x3FD9]  }
0x89: {  	s3 =	sld [smem:$0x3FFE];
	_ =	sdelay $0x1  }
0x8a: {  	s1 =	srdreg.scid  }
0x8b: {  	s0 =	sand.u32 $0x1, s1  }
0x8c: {  	s14 =	sshll.u32 s0, $0xA;
	s2 =	sadd.s32 s3, s2  }
0x8d: {  	s2 =	sadd.s32 s2, s14  }
0x8e: {  	[smem:$0x3FB4] =	sst s2  }
0x8f: {  	_ = 	snop  }
0x90: {  	s2 =	sld [smem:$0x3FD0];
	_ =	sdelay $0x2  }
0x91: {  	s4 =	simm.s32 $0xA;
	s5 =	simm.s32 $0x10;
	s15 =	sld [smem:$0x3FC9]  }
0x92: {  	[smem:s5], [sflag:s4] =	dma.local [hbm:s2], $0x1  }
0x93: {  	_ =	swait.eq [sflag:s4], $0x1  }
0x94: {  	[sflag:s4] =	ssyncset.done $0x0  }
0x95: {  	[sflag:s4] =	ssyncadd.s32 $0xFFFFFFFF  }
0x96: {  	s16 =	sld [smem:$0x11];
	(tm) =	ssettm $0x1  }
0x97: {  	s17 =	sld [smem:$0x3FFB];
	_ =	sdelay $0x3  }
0x98: {  	_ =	strace s17  }
0x99: {  	s4 =	sld [smem:$0x3FFC];
	_ =	sdelay $0x3  }
0x9a: {  	_ =	strace s4  }
0x9b: {  	s4 =	sld [smem:$0x3FFD];
	_ =	sdelay $0x3  }
0x9c: {  	_ =	strace s4  }
0x9d: {  	_ =	strace $0x8FFFFFFF  }
0x9e: {  	s18 =	sld [smem:$0x3FDB];
	_ =	sdelay $0x1  }
0x9f: {  	s19 =	simm.s32 $_scs_section_size  }
0xa0: {  	s6 =	simm.s32 $_size__tile_overlayer_lowered;
	s7 =	simm.s32 $_tile_overlayer_lowered  }
0xa1: {  	s22 =	simm.s32 $0x1BFF;
	s21 =	sshll.u32 s7, $0x1;
	s4 =	sadd.s32 s19, s18  }
0xa2: {  	s8 =	simm.s32 $0x0;
	s20 =	sshll.u32 s6, $0x1;
	s6 =	sadd.s32 s21, s4  }
0xa3: {  	[timem:s8], [sflag:s22] =	dma.local [hbm:s6], s20  }
0xa4: {  	_ =	swait.ge [sflag:s22], s20  }
0xa5: {  	s5 =	ssub.s32 $0x0, s20;
	[sflag:s22] =	ssyncset.done $0x0  }
0xa6: {  	[sflag:s22] =	ssyncadd.s32 s5;
	_ =	sdelay $0x1  }
0xa7: {  	s23 =	simm.s32 $0x1B8B  }
0xa8: {  	_ =	swait.ge [sflag:s23], $0x1  }
0xa9: {  	[sflag:s23] =	ssyncset.done $0x0  }
0xaa: {  	s25 =	simm.s32 $0x1B8E;
	s24 =	sld [smem:$0x3FFE];
	[sflag:s23] =	ssyncadd.s32 $0xFFFFFFFF  }
0xab: {  	s26 =	simm.s32 $execute0_lowered;
	[smem:$0x3FD2] =	sst s25  }
0xac: {  	s6 =	sshll.u32 s26, $0x1;
	_ =	strace $0x80000046;
	[dreg:$0x1] =	wrdreg $0xFFFFFFFF  }
0xad: {  	s28 =	simm.s32 $_size_execute0_lowered;
	s4 =	sadd.s32 s4, s6;
	[dreg:$0x0] =	wrdreg $0x0  }
0xae: {  	s6 =	sshll.u32 s28, $0x1;
	[dreg:$0x2] =	wrdreg s4  }
0xaf: {  	[dreg:$0x3] =	wrdreg s6  }
0xb0: {  	[dreg:$0x4] =	wrdreg $0xC0  }
0xb1: {  	_ =	task [dreg:s8], $0x5FFFF  }
0xb2: {  	[dreg:$0x1] =	wrdreg $0xFFFFFFFF  }
0xb3: {  	[dreg:$0x0] =	wrdreg $0x60  }
0xb4: {  	[dreg:$0x2] =	wrdreg s15  }
0xb5: {  	[dreg:$0x3] =	wrdreg s24  }
0xb6: {  	[dreg:$0x4] =	wrdreg s16  }
0xb7: {  	[dreg:$0x5] =	wrdreg $0xAC000  }
0xb8: {  	[dreg:$0x6] =	wrdreg $0x9  }
0xb9: {  	_ =	task.clear_ibuf [dreg:s8], $0x7FFFF;
	_ =	strace $0x90000046  }
0xba: {  	s29 =	simm.s32 $0x9;
	_ =	strace $0x80000048  }
0xbb: {  	_ =	swait.ge [sflag:s29], $0x1  }
0xbc: {  	[sflag:s29] =	ssyncadd.s32 $0xFFFFFFFF  }
0xbd: {  	_ =	strace $0x90000048  }
0xbe: {  	_ =	sfence  }
0xbf: {  	s30 =	sld [smem:$0x0];
	_ =	sdelay $0x2  }
0xc0: {  	s31 =	sshll.u32 s1, $0xD;
	s1 =	sshrl.u32 s1, $0x2  }
0xc1: {  	s3 =	sand.u32 $0x4000, s31;
	s1 =	sadd.s32 s1, s30  }
0xc2: {  	s0 =	sor.u32 s3, s0;
	s1 =	sshll.u32 s1, $0x11  }
0xc3: {  	s0 =	sor.u32 s1, s0  }
0xc4: {  	s0 =	sadd.s32 $0x8F2B, s0  }
0xc5: {  	[sflag:s0] =	ssyncadd.remote.s32 $0x1  }
0xc6: {  	_ =	sfence.sel $0xFFFF  }
0xc7: {  	[dreg:$0x0] =	wrdreg $0xFFFFFFFF;
	(pc) =	sbr.abs _section_cstart, $3  }
0xc8: {  	[dreg:$0x1] =	wrdreg $0xFFFFFFFF  }
0xc9: {  	_ =	task.clear_ibuf [dreg:s8], $0x2FFFF;
	_ =	strace $0x9FFFFFFF  }
0xca: {  	(tm) =	ssettm $0x7FFFFFFF  }
0xcb: {  	_ =	shalt  }
tec
execute0_lowered:
.L_overlay_start_1:
0x0: {  	(tag) =	ssettag $0x1  }
0x1: {  	s1 =	rddreg [dreg:$0x0]  }
0x2: {  	s0 =	rddreg [dreg:$0x1]  }
0x3: {  	s2 =	rddreg [dreg:$0x2]  }
0x4: {  	s4 =	srdreg.scid;
	s14 =	stileid.u32  }
0x5: {  	s3 =	rddreg [dreg:$0x3];
	s15 =	simm.s32 $0x0;
	s28 =	simm.s32 $0x4  }
0x6: {  	s29 =	simm.s32 $0x5;
	s30 =	simm.s32 $0x0;
	s8 =	smul.u32 $0x14000, s14  }
0x7: {  	s7 =	sand.u32 $0x1, s4;
	[smem:$0x7FF] =	sst s15;
	s10 =	smul.u32 $0x50000, s14  }
0x8: {  	s12 =	sshll.u32 s14, $0x1;
	s20 =	sshll.u32 s14, $0x6;
	s21 =	smul.u32 $0x3E, s14  }
0x9: {  	p0 =	slt.u32 s14, $0x4;
	s4 =	simm.s32 $0x7;
	s5 =	smul.u32 $0x140000, s7  }
0xa: {  	_ =	strace $0x80000047;
	s18 =	ssub.s32 $0x2, s7;
	s19 =	sor.u32 s7, s12  }
0xb: {  	s16 =	sor.u32 $0x1C07, s20;
	s7 =	smul.u32 $0x1F, s7;
	s20 =	simm.s32 $0xC00  }
0xc: {  	s11 =	sshrl.u32 s18, $0x1;
	s10 =	sshrl.u32 s10, $0x2;
	s13 =	smul.u32 $0x1F, s19  }
0xd: {  	s22 =	smin.u32 s19, $0x8;
	s19 =	simm.s32 $0x50;
	[dreg:$0x6] =	wrdreg s16  }
0xe: {  	s6 =	sadd.s32 s8, s5;
	s5 =	sadd.s32 $0x3A00, s0;
	s11 =	ssub.s32 s18, s11  }
0xf: {  	s10 =	sadd.s32 s10, s3;
	s8 =	sshrl.u32 s8, $0x3;
	s18 =	simm.s32 $0x6  }
0x10: {  	s9 =	sshrl.u32 s6, $0x3;
	s6 =	sadd.s32 $0x13400, s0;
	s2 =	sadd.s32 s2, s8  }
0x11: {  	s13 =	sadd.s32 s22, s13;
	s26 =	smax.u32 s11, $0x1;
	s0 =	sadd.s32 s9, s0  }
0x12: {  	[dreg:$0x5] =	wrdreg s2;
	s9 =	simm.s32 $0x20;
	s2 =	sadd.s32 s21, s22  }
0x13: {  	s23 =	sshll.u32 s13, $0x6;
	[dreg:$0xa] =	wrdreg s26;
	s21 =	simm.s32 $0x3400  }
0x14: {  	s22 =	simm.s32 $0x5C00;
	s26 =	simm.s32 $0x3;
	s24 =	sadd.s32 s5, s23  }
0x15: {  	s2 =	sadd.s32 s7, s2;
	s25 =	sadd.s32 s6, s23;
	[dreg:$0x7] =	wrdreg s24  }
0x16: {  	s0 =	sadd.s32 $0x22E00, s0;
	[dreg:$0x8] =	wrdreg s25;
	s2 =	sshll.u32 s2, $0x9  }
0x17: {  	s9 =	simm.s32 @!p0 $0x1F;
	[dreg:$0x9] =	wrdreg s0;
	s31 =	sadd.s32 $0x200, s2  }
0x18: {  	s23 =	simm.s32 $0x8400;
	s2 =	sshrl.u32 s10, $0x3;
	[dreg:$0xb] =	wrdreg s31  }
0x19: {  	s24 =	simm.s32 $0x1;
	s25 =	simm.s32 $0x2;
	[dreg:$0xc] =	wrdreg s2  }
.LBB2_1:
0x1a: {  	s0 =	rddreg [dreg:$0x5]  }
0x1b: {  	[spmem:s2], [sflag:s16] =	dma.local [hbm:s0], $0x2800  }
0x1c: {  	_ =	swait.ge [sflag:s4], $0x2800  }
0x1d: {  	[sflag:s4] =	ssyncset.done $0x0  }
0x1e: {  	[sflag:s4] =	ssyncadd.s32 $0xFFFFD800  }
0x1f: {  	p1 =	sne.s32 s9, $0x1;
	[bflag:$0x0] =	sbarrier.arrive $0xFFFF  }
.Ltmp0:
0x20: {  	s13 =	rddreg [dreg:$0x7];
	(pc) =	sbr.rel @!p1 .LBB2_2-.Ltmp0, $4  }
0x21: {  	[tilespmem:s15], [sflag:$0x6] =	stream.linear.gather [hbm4b:s13+s15], $0x200, $0x38;
	[tilespmem:$0x1EC00] =	vst v63  }
0x22: {  	s17 =	simm.s32 $0x600;
	s31 =	simm.s32 $0x1;
	s14 =	rddreg [dreg:$0x8]  }
0x23: {  	[tilespmem:s17], [sflag:$0x6] =	stream.linear.gather [hbm4b:s14+s15], $0x200, $0x38;
	[tilespmem:$0x1EC00] =	vst v63  }
0x24: {  	p0 =	por $0x0, $0x0;
	s2 =	simm.s32 $0x2;
	s17 =	smulhi.u32 $0xAAAAAAAB, s24  }
0x25: {  	_ =	swait.ge [sflag:s18], $0x200  }
0x26: {  	s7 =	sshrl.u32 s17, $0x1;
	[sflag:s18] =	ssyncset.done $0x0  }
0x27: {  	p1 =	sle.u32 s9, $0x1;
	s7 =	smul.u32 $0xFFFFE800, s7;
	[sflag:s18] =	ssyncadd.s32 $0xFFFFFE00  }
0x28: {  	s11 =	simm.s32 @!p1 $0x0;
	_ =	swait.ge [sflag:s18], $0x200  }
0x29: {  	s7 =	sshra.s32 s7, $0x2;
	s0 =	rddreg [dreg:$0xb];
	[sflag:s18] =	ssyncset.done $0x0  }
0x2a: {  	s10 =	sadd.s32 $0x200, s7;
	s12 =	sshrl.u32 @!p1 s0, $0x3;
	s7 =	sadd.s32 $0x800, s7  }
0x2b: {  	[sflag:s18] =	ssyncadd.s32 $0xFFFFFE00;
	s10 =	sadd.s32 @!p1 $0x0, s10;
	s13 =	sadd.s32 @!p1 s5, s12  }
0x2c: {  	[tilespmem:s10], [sflag:$0x6] =	stream.linear.gather @!p1 [hbm4b:s13+s11], $0x200, $0x38;
	[tilespmem:$0x1EC00] =	vst v63  }
0x2d: {  	p0 =	por $0x1, $0x1;
	s7 =	sadd.s32 @!p1 $0x0, s7;
	s10 =	sadd.s32 @!p1 s6, s12  }
0x2e: {  	[tilespmem:s7], [sflag:$0x6] =	stream.linear.gather @!p1 [hbm4b:s10+s11], $0x200, $0x38;
	[tilespmem:$0x1EC00] =	vst v63  }
0x2f: {  	s7 =	simm.s32 @!p0 $0x5  }
0x30: {  	_ =	swait.ge @!p0 [sflag:s7], $0x2800  }
0x31: {  	[sflag:s7] =	ssyncset.done @!p0 $0x0  }
0x32: {  	[sflag:s7] =	ssyncadd.s32 @!p0 $0xFFFFD800  }
0x33: {  	_ =	swait.ge @!p0 [sflag:s7], $0x2800  }
0x34: {  	[sflag:s7] =	ssyncset.done @!p0 $0x0  }
0x35: {  	s12 =	smulhi.u32 $0xAAAAAAAB, s15;
	[sflag:s7] =	ssyncadd.s32 @!p0 $0xFFFFD800  }
0x36: {  	_ =	swait.ge @!p0 [sflag:s7], $0x2800  }
0x37: {  	s10 =	sshrl.u32 s12, $0x1;
	[sflag:s7] =	ssyncset.done @!p0 $0x0  }
0x38: {  	s10 =	smul.u32 $0xFFFFE800, s10;
	[sflag:s7] =	ssyncadd.s32 @!p0 $0xFFFFD800  }
0x39: {  	_ =	swait.ge @!p0 [sflag:s7], $0x2800  }
0x3a: {  	s10 =	sshra.s32 s10, $0x2;
	[sflag:s7] =	ssyncset.done @!p0 $0x0  }
0x3b: {  	s13 =	sadd.s32 $0x0, s10;
	[sflag:s7] =	ssyncadd.s32 @!p0 $0xFFFFD800  }
0x3c: {  	[tilespmem:s20], [sflag:$0x1] =	stream.indirect.gather [hbm4b:s1+s19], $0x80, s13, s19, $0xb8;
	[tilespmem:$0x1EC00] =	vst v63  }
0x3d: {  	s14 =	sadd.s32 $0x80, s13  }
0x3e: {  	[tilespmem:s21], [sflag:$0x2] =	stream.indirect.gather [hbm4b:s1+s19], $0x80, s14, s19, $0xb8;
	[tilespmem:$0x1EC00] =	vst v63  }
0x3f: {  	s15 =	sadd.s32 $0x100, s13  }
0x40: {  	[tilespmem:s22], [sflag:$0x3] =	stream.indirect.gather [hbm4b:s1+s19], $0x80, s15, s19, $0xb8;
	[tilespmem:$0x1EC00] =	vst v63  }
0x41: {  	s16 =	sadd.s32 $0x180, s13  }
0x42: {  	[tilespmem:s23], [sflag:$0x4] =	stream.indirect.gather [hbm4b:s1+s19], $0x80, s16, s19, $0xb8;
	[tilespmem:$0x1EC00] =	vst v63  }
0x43: {  	_ =	swait.ge [sflag:s24], $0x2800  }
0x44: {  	s17 =	sadd.s32 $0x600, s10;
	[sflag:s24] =	ssyncset.done $0x0  }
0x45: {  	s12 =	sadd.s32 $0x0, s17;
	[sflag:s24] =	ssyncadd.s32 $0xFFFFD800  }
0x46: {  	[spmem:s3] =	stream.indirect.scatter.add.f32 [tilespmem:s20], [sflag:$0x5], $0x80, s12, s19, $0xb8;
	[tilespmem:$0x1EC00] =	vst v63  }
0x47: {  	p1 =	sne.s32 s9, $0x2;
	_ =	swait.ge [sflag:s25], $0x2800  }
0x48: {  	s11 =	simm.s32 $0x2;
	s10 =	simm.s32 $0x3;
	[sflag:s25] =	ssyncset.done $0x0  }
.Ltmp1:
0x49: {  	s7 =	sadd.s32 $0x80, s12;
	[sflag:s25] =	ssyncadd.s32 $0xFFFFD800;
	(pc) =	sbr.rel @!p1 .LBB2_4-.Ltmp1, $4  }
0x4a: {  	[spmem:s3] =	stream.indirect.scatter.add.f32 [tilespmem:s21], [sflag:$0x5], $0x80, s7, s19, $0xb8;
	[tilespmem:$0x1EC00] =	vst v63  }
0x4b: {  	s17 =	smulhi.u32 $0xAAAAAAAB, s2;
	s2 =	simm.s32 $0x800;
	_ =	swait.ge [sflag:s26], $0x2800  }
0x4c: {  	p0 =	por $0x1, $0x1;
	s13 =	sadd.s32 $0x100, s12;
	[sflag:s26] =	ssyncset.done $0x0  }
0x4d: {  	s14 =	sadd.s32 $0x200, s0;
	s7 =	simm.s32 $0x2;
	[sflag:s26] =	ssyncadd.s32 $0xFFFFD800  }
.LBB2_5:
0x4e: {  	[spmem:s3] =	stream.indirect.scatter.add.f32 [tilespmem:s22], [sflag:$0x5], $0x80, s13, s19, $0xb8;
	[tilespmem:$0x1EC00] =	vst v63  }
0x4f: {  	s13 =	smov.u32 s11  }
0x50: {  	s4 =	sshrl.u32 s17, $0x1;
	s17 =	smulhi.u32 $0xAAAAAAAB, s10;
	_ =	swait.ge [sflag:s28], $0x2800  }
0x51: {  	s11 =	sadd.s32 $0x1, s11;
	s4 =	smul.u32 $0xFFFFE800, s4;
	[sflag:s28] =	ssyncset.done $0x0  }
0x52: {  	s12 =	sadd.s32 $0x180, s12;
	p1 =	sne.s32 s9, s11;
	[sflag:s28] =	ssyncadd.s32 $0xFFFFD800  }
0x53: {  	[spmem:s3] =	stream.indirect.scatter.add.f32 [tilespmem:s23], [sflag:$0x5], $0x80, s12, s19, $0xb8;
	[tilespmem:$0x1EC00] =	vst v63  }
0x54: {  	p3 =	sge.u32 s7, s9;
	s4 =	sshra.s32 s4, $0x2;
	_ =	swait.ge [sflag:s18], $0x200  }
0x55: {  	s7 =	sadd.s32 $0x200, s4;
	s12 =	simm.s32 @!p3 $0x0;
	[sflag:s18] =	ssyncset.done $0x0  }
0x56: {  	s8 =	sshra.s32 @!p3 s2, $0x2;
	s15 =	sshrl.u32 @!p3 s14, $0x3;
	[sflag:s18] =	ssyncadd.s32 $0xFFFFFE00  }
0x57: {  	s16 =	sadd.s32 @!p3 s5, s15;
	s0 =	sadd.s32 @!p3 s8, s7;
	_ =	swait.ge [sflag:s18], $0x200  }
0x58: {  	s15 =	sadd.s32 @!p3 s6, s15;
	s4 =	sadd.s32 $0x800, s4;
	[sflag:s18] =	ssyncset.done $0x0  }
0x59: {  	s4 =	sadd.s32 @!p3 s8, s4;
	s7 =	smov.u32 s11;
	[sflag:s18] =	ssyncadd.s32 $0xFFFFFE00  }
0x5a: {  	[tilespmem:s0], [sflag:$0x6] =	stream.linear.gather @!p3 [hbm4b:s16+s12], $0x200, $0x38;
	[tilespmem:$0x1EC00] =	vst v63  }
0x5b: {  	p2 =	seq.s32 s31, $0x0  }
0x5c: {  	[tilespmem:s4], [sflag:$0x6] =	stream.linear.gather @!p3 [hbm4b:s15+s12], $0x200, $0x38;
	[tilespmem:$0x1EC00] =	vst v63  }
0x5d: {  	s0 =	simm.s32 @!p2 $0x5  }
0x5e: {  	_ =	swait.ge @!p2 [sflag:s0], $0x2800  }
0x5f: {  	[sflag:s0] =	ssyncset.done @!p2 $0x0  }
0x60: {  	[sflag:s0] =	ssyncadd.s32 @!p2 $0xFFFFD800  }
0x61: {  	_ =	swait.ge @!p2 [sflag:s0], $0x2800  }
0x62: {  	[sflag:s0] =	ssyncset.done @!p2 $0x0  }
0x63: {  	s4 =	smulhi.u32 $0xAAAAAAAB, s31;
	s31 =	smov.u32 s13;
	[sflag:s0] =	ssyncadd.s32 @!p2 $0xFFFFD800  }
0x64: {  	_ =	swait.ge @!p2 [sflag:s0], $0x2800  }
0x65: {  	s4 =	sshrl.u32 s4, $0x1;
	[sflag:s0] =	ssyncset.done @!p2 $0x0  }
0x66: {  	s4 =	smul.u32 $0xFFFFE800, s4;
	[sflag:s0] =	ssyncadd.s32 @!p2 $0xFFFFD800  }
0x67: {  	_ =	swait.ge @!p2 [sflag:s0], $0x2800  }
0x68: {  	s8 =	sshra.s32 s2, $0x2;
	s4 =	sshra.s32 s4, $0x2;
	[sflag:s0] =	ssyncset.done @!p2 $0x0  }
0x69: {  	s12 =	sadd.s32 $0x600, s4;
	s4 =	sadd.s32 s8, s4;
	[sflag:s0] =	ssyncadd.s32 @!p2 $0xFFFFD800  }
0x6a: {  	[tilespmem:s20], [sflag:$0x1] =	stream.indirect.gather [hbm4b:s1+s19], $0x80, s4, s19, $0xb8;
	[tilespmem:$0x1EC00] =	vst v63  }
0x6b: {  	s0 =	sadd.s32 $0x80, s4  }
0x6c: {  	[tilespmem:s21], [sflag:$0x2] =	stream.indirect.gather [hbm4b:s1+s19], $0x80, s0, s19, $0xb8;
	[tilespmem:$0x1EC00] =	vst v63  }
0x6d: {  	s0 =	sadd.s32 $0x100, s4  }
0x6e: {  	[tilespmem:s22], [sflag:$0x3] =	stream.indirect.gather [hbm4b:s1+s19], $0x80, s0, s19, $0xb8;
	[tilespmem:$0x1EC00] =	vst v63  }
0x6f: {  	s0 =	sadd.s32 $0x180, s4  }
0x70: {  	[tilespmem:s23], [sflag:$0x4] =	stream.indirect.gather [hbm4b:s1+s19], $0x80, s0, s19, $0xb8;
	[tilespmem:$0x1EC00] =	vst v63  }
0x71: {  	_ =	swait.ge [sflag:s24], $0x2800  }
0x72: {  	[sflag:s24] =	ssyncset.done $0x0  }
0x73: {  	s12 =	sadd.s32 s8, s12;
	[sflag:s24] =	ssyncadd.s32 $0xFFFFD800  }
0x74: {  	[spmem:s3] =	stream.indirect.scatter.add.f32 [tilespmem:s20], [sflag:$0x5], $0x80, s12, s19, $0xb8;
	[tilespmem:$0x1EC00] =	vst v63  }
0x75: {  	_ =	swait.ge [sflag:s25], $0x2800  }
0x76: {  	[sflag:s25] =	ssyncset.done $0x0  }
.Ltmp2:
0x77: {  	s0 =	sadd.s32 $0x80, s12;
	[sflag:s25] =	ssyncadd.s32 $0xFFFFD800;
	(pc) =	sbr.rel @p1 .LBB2_5-.Ltmp2, $4  }
0x78: {  	[spmem:s3] =	stream.indirect.scatter.add.f32 [tilespmem:s21], [sflag:$0x5], $0x80, s0, s19, $0xb8;
	[tilespmem:$0x1EC00] =	vst v63  }
0x79: {  	_ =	swait.ge [sflag:s26], $0x2800  }
0x7a: {  	s14 =	sadd.s32 $0x200, s14;
	s2 =	sadd.s32 $0x800, s2;
	[sflag:s26] =	ssyncset.done $0x0  }
0x7b: {  	s10 =	sadd.s32 $0x1, s10;
	s13 =	sadd.s32 $0x100, s12;
	[sflag:s26] =	ssyncadd.s32 $0xFFFFD800  }
0x7c: {  	s15 =	simm.s32 $0x0;
	s16 =	rddreg [dreg:$0x6]  }
.LBB2_7:
0x7d: {  	[spmem:s3] =	stream.indirect.scatter.add.f32 @p0 [tilespmem:s22], [sflag:$0x5], $0x80, s13, s19, $0xb8;
	[tilespmem:$0x1EC00] =	vst v63  }
0x7e: {  	_ =	swait.ge @p0 [sflag:s28], $0x2800  }
0x7f: {  	s0 =	sshrl.u32 s17, $0x1;
	[sflag:s28] =	ssyncset.done @p0 $0x0  }
0x80: {  	s4 =	sadd.s32 @p0 $0x180, s12;
	s0 =	smul.u32 $0xFFFFE800, s0;
	[sflag:s28] =	ssyncadd.s32 @p0 $0xFFFFD800  }
0x81: {  	[spmem:s3] =	stream.indirect.scatter.add.f32 @p0 [tilespmem:s23], [sflag:$0x5], $0x80, s4, s19, $0xb8;
	[tilespmem:$0x1EC00] =	vst v63  }
0x82: {  	_ =	swait.ge [sflag:s18], $0x200  }
0x83: {  	s0 =	sshra.s32 s0, $0x2;
	[sflag:s18] =	ssyncset.done $0x0  }
0x84: {  	p0 =	sge.u32 s7, s9;
	s4 =	sadd.s32 $0x200, s0;
	[sflag:s18] =	ssyncadd.s32 $0xFFFFFE00  }
0x85: {  	s0 =	sadd.s32 $0x800, s0;
	s7 =	simm.s32 @!p0 $0x0;
	_ =	swait.ge [sflag:s18], $0x200  }
0x86: {  	s8 =	sshra.s32 @!p0 s2, $0x2;
	s10 =	sshrl.u32 @!p0 s14, $0x3;
	[sflag:s18] =	ssyncset.done $0x0  }
0x87: {  	s4 =	sadd.s32 @!p0 s8, s4;
	s11 =	sadd.s32 @!p0 s5, s10;
	[sflag:s18] =	ssyncadd.s32 $0xFFFFFE00  }
0x88: {  	[tilespmem:s4], [sflag:$0x6] =	stream.linear.gather @!p0 [hbm4b:s11+s7], $0x200, $0x38;
	[tilespmem:$0x1EC00] =	vst v63  }
0x89: {  	s0 =	sadd.s32 @!p0 s8, s0;
	s4 =	sadd.s32 @!p0 s6, s10  }
0x8a: {  	[tilespmem:s0], [sflag:$0x6] =	stream.linear.gather @!p0 [hbm4b:s4+s7], $0x200, $0x38;
	[tilespmem:$0x1EC00] =	vst v63  }
0x8b: {  	p0 =	seq.s32 s31, $0x0  }
0x8c: {  	s0 =	simm.s32 @!p0 $0x5  }
0x8d: {  	_ =	swait.ge @!p0 [sflag:s0], $0x2800  }
0x8e: {  	[sflag:s0] =	ssyncset.done @!p0 $0x0  }
0x8f: {  	[sflag:s0] =	ssyncadd.s32 @!p0 $0xFFFFD800  }
0x90: {  	_ =	swait.ge @!p0 [sflag:s0], $0x2800  }
0x91: {  	[sflag:s0] =	ssyncset.done @!p0 $0x0  }
0x92: {  	s17 =	smulhi.u32 $0xAAAAAAAB, s31;
	[sflag:s0] =	ssyncadd.s32 @!p0 $0xFFFFD800  }
0x93: {  	_ =	swait.ge @!p0 [sflag:s0], $0x2800  }
0x94: {  	s4 =	sshrl.u32 s17, $0x1;
	[sflag:s0] =	ssyncset.done @!p0 $0x0  }
0x95: {  	s4 =	smul.u32 $0xFFFFE800, s4;
	[sflag:s0] =	ssyncadd.s32 @!p0 $0xFFFFD800  }
0x96: {  	_ =	swait.ge @!p0 [sflag:s0], $0x2800  }
0x97: {  	s31 =	sshra.s32 s2, $0x2;
	s4 =	sshra.s32 s4, $0x2;
	[sflag:s0] =	ssyncset.done @!p0 $0x0  }
0x98: {  	s8 =	sadd.s32 s31, s4;
	[sflag:s0] =	ssyncadd.s32 @!p0 $0xFFFFD800  }
0x99: {  	[tilespmem:s20], [sflag:$0x1] =	stream.indirect.gather [hbm4b:s1+s19], $0x80, s8, s19, $0xb8;
	[tilespmem:$0x1EC00] =	vst v63  }
0x9a: {  	s10 =	sadd.s32 $0x80, s8  }
0x9b: {  	[tilespmem:s21], [sflag:$0x2] =	stream.indirect.gather [hbm4b:s1+s19], $0x80, s10, s19, $0xb8;
	[tilespmem:$0x1EC00] =	vst v63  }
0x9c: {  	s11 =	sadd.s32 $0x100, s8  }
0x9d: {  	[tilespmem:s22], [sflag:$0x3] =	stream.indirect.gather [hbm4b:s1+s19], $0x80, s11, s19, $0xb8;
	[tilespmem:$0x1EC00] =	vst v63  }
0x9e: {  	s12 =	sadd.s32 $0x180, s8  }
0x9f: {  	[tilespmem:s23], [sflag:$0x4] =	stream.indirect.gather [hbm4b:s1+s19], $0x80, s12, s19, $0xb8;
	[tilespmem:$0x1EC00] =	vst v63  }
0xa0: {  	_ =	swait.ge [sflag:s24], $0x2800  }
0xa1: {  	s13 =	sadd.s32 $0x600, s4;
	[sflag:s24] =	ssyncset.done $0x0  }
0xa2: {  	s0 =	sadd.s32 s31, s13;
	[sflag:s24] =	ssyncadd.s32 $0xFFFFD800  }
0xa3: {  	[spmem:s3] =	stream.indirect.scatter.add.f32 [tilespmem:s20], [sflag:$0x5], $0x80, s0, s19, $0xb8;
	[tilespmem:$0x1EC00] =	vst v63  }
0xa4: {  	_ =	swait.ge [sflag:s25], $0x2800  }
0xa5: {  	[sflag:s25] =	ssyncset.done $0x0  }
0xa6: {  	s2 =	sadd.s32 $0x80, s0;
	[sflag:s25] =	ssyncadd.s32 $0xFFFFD800  }
0xa7: {  	[spmem:s3] =	stream.indirect.scatter.add.f32 [tilespmem:s21], [sflag:$0x5], $0x80, s2, s19, $0xb8;
	[tilespmem:$0x1EC00] =	vst v63  }
0xa8: {  	_ =	swait.ge [sflag:s26], $0x2800  }
0xa9: {  	[sflag:s26] =	ssyncset.done $0x0  }
0xaa: {  	s14 =	sadd.s32 $0x100, s0;
	[sflag:s26] =	ssyncadd.s32 $0xFFFFD800  }
0xab: {  	[spmem:s3] =	stream.indirect.scatter.add.f32 [tilespmem:s22], [sflag:$0x5], $0x80, s14, s19, $0xb8;
	[tilespmem:$0x1EC00] =	vst v63  }
0xac: {  	_ =	swait.ge [sflag:s28], $0x2800  }
0xad: {  	[sflag:s28] =	ssyncset.done $0x0  }
0xae: {  	s0 =	sadd.s32 $0x180, s0;
	[sflag:s28] =	ssyncadd.s32 $0xFFFFD800  }
0xaf: {  	[spmem:s3] =	stream.indirect.scatter.add.f32 [tilespmem:s23], [sflag:$0x5], $0x80, s0, s19, $0xb8;
	[tilespmem:$0x1EC00] =	vst v63  }
0xb0: {  	_ =	swait.ge [sflag:s29], $0x2800  }
0xb1: {  	[sflag:s29] =	ssyncset.done $0x0  }
0xb2: {  	[sflag:s29] =	ssyncadd.s32 $0xFFFFD800  }
0xb3: {  	_ =	swait.ge [sflag:s29], $0x2800  }
0xb4: {  	[sflag:s29] =	ssyncset.done $0x0  }
0xb5: {  	[sflag:s29] =	ssyncadd.s32 $0xFFFFD800  }
0xb6: {  	_ =	swait.ge [sflag:s29], $0x2800  }
0xb7: {  	[sflag:s29] =	ssyncset.done $0x0  }
0xb8: {  	[sflag:s29] =	ssyncadd.s32 $0xFFFFD800  }
0xb9: {  	_ =	swait.ge [sflag:s29], $0x2800  }
0xba: {  	[sflag:s29] =	ssyncset.done $0x0  }
0xbb: {  	[sflag:s29] =	ssyncadd.s32 $0xFFFFD800  }
0xbc: {  	[bflag:$0x0] =	sbarrier.arrive $0xFFFF  }
0xbd: {  	s17 =	rddreg [dreg:$0x9]  }
0xbe: {  	s4 =	simm.s32 $0x7;
	s2 =	rddreg [dreg:$0xc]  }
0xbf: {  	[hbm:s17], [sflag:s16] =	dma.local [spmem:s2], $0x2800  }
0xc0: {  	_ =	swait.ge [sflag:s4], $0x2800  }
0xc1: {  	s30 =	sadd.s32 $0x1, s30;
	s31 =	rddreg [dreg:$0xa]  }
0xc2: {  	p0 =	sne.s32 s30, s31  }
.Ltmp3:
0xc3: {  	_ = 	snop;
	(pc) =	sbr.rel @p0 .LBB2_1-.Ltmp3, $4  }
.Ltmp4:
0xc4: {  	_ = 	snop;
	(pc) =	sbr.rel @!p0 .LBB2_8-.Ltmp4, $4  }
0xc5: {  	_ = 	snop  }
0xc6: {  	[sflag:s4] =	ssyncset.done $0x0  }
0xc7: {  	[sflag:s4] =	ssyncadd.s32 $0xFFFFD800  }
0xc8: {  	_ = 	snop  }
.LBB2_2:
.Ltmp5:
0xc9: {  	(pc) =	sbr.rel .LBB2_7-.Ltmp5, $3  }
0xca: {  	_ =	sdelay $0x1  }
0xcb: {  	s7 =	simm.s32 $0x1  }
0xcc: {  	s2 =	simm.s32 $0x0;
	s14 =	rddreg [dreg:$0xb];
	s31 =	simm.s32 $0x0  }
.LBB2_4:
.Ltmp6:
0xcd: {  	(pc) =	sbr.rel .LBB2_7-.Ltmp6, $2  }
0xce: {  	_ =	sdelay $0x2  }
0xcf: {  	s15 =	simm.s32 $0x0;
	s16 =	rddreg [dreg:$0x6]  }
.LBB2_8:
0xd0: {  	_ =	sfence.sel $0x180000  }
0xd1: {  	[bflag:$0x0] =	sbarrier.arrive $0xFFFF  }
0xd2: {  	_ =	strace $0x90000047  }
0xd3: {  	s0 =	stileid.u32;
	[bflag:$0x2] =	sbarrier.arrive $0xFFFF  }
0xd4: {  	p0 =	sne.s32 s0, $0x0;
	s0 =	rddreg [dreg:$0x4]  }
0xd5: {  	s0 =	sadd.s32 @!p0 $0x100000, s0  }
0xd6: {  	[sflag:s0] =	ssyncadd.tile.s32 @!p0 $0x1;
	_ =	shalt  }
.Lfunc_end2:
_tile_overlayer_lowered:
.L_overlay_start_2:
0xd7: {  	(tag) =	ssettag $0x2  }
0xd8: {  	s0 =	rddreg [dreg:$0x0];
	s2 =	stileid.u32  }
0xd9: {  	s1 =	rddreg [dreg:$0x1];
	p0 =	sne.s32 s2, $0x0  }
0xda: {  	s3 =	rddreg [dreg:$0x2];
	[bflag:$0x3] =	sbarrier.arrive $0xFFFF;
	s2 =	simm.s32 @!p0 $0x1C07  }
0xdb: {  	[timem:s3], [sflag:s2] =	dma.local @!p0 [hbm:s0], s1  }
0xdc: {  	s0 =	simm.s32 @!p0 $0x7  }
0xdd: {  	_ =	swait.ge @!p0 [sflag:s0], s1  }
0xde: {  	s1 =	ssub.s32 @!p0 $0x0, s1;
	[sflag:s0] =	ssyncset.done @!p0 $0x0  }
0xdf: {  	[sflag:s0] =	ssyncadd.s32 @!p0 s1  }
0xe0: {  	[bflag:$0x3] =	sbarrier.arrive $0xFFFF  }
0xe1: {  	_ =	shalt  }

</sc_bundles>
